<compile_context>
chip_gen: v7x
topology: tpu7x:2x2x1
jax: 0.10.2.dev20260603
libtpu: 0.0.44.dev20260713+nightly
codegen_flags: <defaults>
</compile_context>

<pallas_src>
import functools
import math

import numpy as np
import jax
import jax.numpy as jnp
from jax import lax
from jax.experimental import pallas as pl
from jax.experimental.pallas import tpu as pltpu
from jax.experimental.pallas import tpu_sc as plsc

B, L, D, H = 2, 2048, 768, 12
Dh = D // H
LEFT, RIGHT = 410, 1025
NB = RIGHT - LEFT
NBP = 640
NLOW = LEFT
NLP = 512
TOPK = int(10 * math.log(L))
EPS = 1e-12
F32 = jnp.float32
BF16 = jnp.bfloat16


def _dft_constants():
    l = np.arange(L, dtype=np.int64)

    def fwd(f0, n, npad):
        f = np.arange(f0, f0 + n, dtype=np.int64)
        ang = 2.0 * np.pi * ((l[:, None] * f[None, :]) % L) / L
        fr = np.zeros((L, npad), np.float32)
        fi = np.zeros((L, npad), np.float32)
        fr[:, :n] = np.cos(ang)
        fi[:, :n] = -np.sin(ang)
        return fr, fi

    def inv(f0, n, npad):
        f = np.arange(f0, f0 + n, dtype=np.int64)
        ang = 2.0 * np.pi * ((f[:, None] * l[None, :]) % L) / L
        cr = np.zeros((npad, L), np.float32)
        ci = np.zeros((npad, L), np.float32)
        cr[:n] = (2.0 / L) * np.cos(ang)
        ci[:n] = -(2.0 / L) * np.sin(ang)
        for special in (0, L // 2):
            if f0 <= special < f0 + n:
                r = special - f0
                cr[r] = (1.0 / L) * np.cos(2.0 * np.pi * special * l / L)
                ci[r] = 0.0
        return cr, ci

    fr, fi = fwd(LEFT, NB, NBP)
    cr, ci = inv(LEFT, NB, NBP)
    flr, fli = fwd(0, NLOW, NLP)
    clr, cli = inv(0, NLOW, NLP)
    return fr, fi, cr, ci, flr, fli, clr, cli


_CONSTS = _dft_constants()


def _dot1(a, b, dims):
    return jax.lax.dot_general(a, b, (dims, ((), ())),
                               preferred_element_type=F32)


def _split(a):
    hi = a.astype(BF16)
    return hi, (a - hi.astype(F32)).astype(BF16)


def _dot(a, b, dims):
    ah, al = _split(a)
    bh, bl = _split(b)
    return (_dot1(ah, bh, dims) + _dot1(al, bh, dims) + _dot1(ah, bl, dims))


def _qkv_kernel(x, wq, bq, wk, bk, wv, bv, q, k, v):
    xb = x[...]
    q[...] = _dot(xb, wq[...], ((1,), (0,))) + bq[...]
    k[...] = _dot(xb, wk[...], ((1,), (0,))) + bk[...]
    v[...] = _dot(xb, wv[...], ((1,), (0,))) + bv[...]


def _fwdqk_kernel(q, k, fr, fi, qr, qi, kr, ki):
    frb, fib = fr[...], fi[...]
    qb, kb = q[...], k[...]
    qr[...] = _dot(qb, frb, ((0,), (0,)))
    qi[...] = _dot(qb, fib, ((0,), (0,)))
    kr[...] = _dot(kb, frb, ((0,), (0,)))
    ki[...] = _dot(kb, fib, ((0,), (0,)))


def _fwdv_kernel(v, fr, fi, flr, fli, vr, vi, vlr, vli):
    vb = v[...]
    vr[...] = _dot(vb, fr[...], ((0,), (0,)))
    vi[...] = _dot(vb, fi[...], ((0,), (0,)))
    vlr[...] = _dot(vb, flr[...], ((0,), (0,)))
    vli[...] = _dot(vb, fli[...], ((0,), (0,)))


def _spec_kernel(qr, qi, kr, ki, sr_ref, si_ref):
    j = pl.program_id(1)

    @pl.when(j == 0)
    def _():
        sr_ref[...] = jnp.zeros_like(sr_ref)
        si_ref[...] = jnp.zeros_like(si_ref)

    a, bb, c, d = qr[...], qi[...], kr[...], ki[...]
    sr_ref[...] += jnp.sum(a * c + bb * d, axis=0, keepdims=True) * (1.0 / D)
    si_ref[...] += jnp.sum(bb * c - a * d, axis=0, keepdims=True) * (1.0 / D)


def _mv_kernel(sr, si, cr, ci, mv_ref):
    mv_ref[...] = (_dot(sr[...], cr[...], ((1,), (0,))) +
                   _dot(si[...], ci[...], ((1,), (0,))))


NV = L // 16


def _sc_topk_body(mv_hbm, g_hbm, mv_v, g_v, accf):
    c = lax.axis_index("c")
    s = lax.axis_index("s")

    @pl.when(s == 0)
    def _():
        pltpu.sync_copy(mv_hbm.at[c], mv_v)
        lanes = lax.iota(jnp.int32, 16)
        one = jnp.full((16,), 1.0, F32)
        zero = jnp.full((16,), 0.0, F32)

        def allred(v, op):
            for sh in (1, 2, 4, 8):
                v = op(v, v.at[lanes ^ sh].get(mode="promise_in_bounds"))
            return v

        def prefix(v):
            for sh in (1, 2, 4, 8):
                idx = jnp.maximum(lanes - sh, 0)
                shifted = v.at[idx].get(mode="promise_in_bounds")
                v = v + jnp.where(lanes >= sh, shifted, zero)
            return v

        accf[0:16] = jnp.full((16,), -3e38, F32)
        accf[16:32] = jnp.full((16,), 3e38, F32)

        def mbody(i, _):
            x = mv_v[pl.ds(i * 16, 16)]
            accf[0:16] = jnp.maximum(accf[0:16], x)
            accf[16:32] = jnp.minimum(accf[16:32], x)
            return 0

        lax.fori_loop(0, NV, mbody, 0)
        m0 = allred(accf[0:16], jnp.maximum)
        mn = allred(accf[16:32], jnp.minimum)

        def count_gt(tv):
            accf[80:96] = zero

            def cbody(i, _):
                x = mv_v[pl.ds(i * 16, 16)]
                accf[80:96] = accf[80:96] + jnp.where(x > tv, one, zero)
                return 0

            lax.fori_loop(0, NV, cbody, 0)
            return allred(accf[80:96], jnp.add)

        kf = jnp.full((16,), float(TOPK), F32)
        accf[32:48] = mn - 1.0
        accf[48:64] = m0
        accf[64:80] = m0
        accf[96:112] = zero

        def bstep(it, _):
            lo = accf[32:48]
            hi = accf[48:64]
            mid = 0.5 * (lo + hi)
            cg = count_gt(mid)
            accf[32:48] = jnp.where(cg >= kf, mid, lo)
            accf[48:64] = jnp.where(cg >= kf, hi, mid)
            hit = jnp.where(cg == kf, one, zero)
            accf[64:80] = hit * mid + (one - hit) * accf[64:80]
            accf[96:112] = jnp.maximum(accf[96:112], hit)
            return 0

        lax.fori_loop(0, 64, bstep, 0)
        found = accf[96:112]
        tsel = found * accf[64:80] + (one - found) * accf[48:64]
        losel = found * accf[64:80] + (one - found) * accf[32:48]
        deficit = kf - count_gt(tsel)

        accf[112:128] = zero
        accf[128:144] = zero

        def fbody(i, _):
            x = mv_v[pl.ds(i * 16, 16)]
            gt = jnp.where(x > tsel, one, zero)
            eq = jnp.where(x > losel, one, zero) * (one - gt)
            cs = prefix(eq)
            fill = eq * jnp.where(cs + accf[128:144] <= deficit, one, zero)
            w = (gt + fill) * jnp.exp(x - m0)
            g_v[pl.ds(i * 16, 16)] = w
            accf[112:128] = accf[112:128] + w
            accf[128:144] = accf[128:144] + allred(eq, jnp.add)
            return 0

        lax.fori_loop(0, NV, fbody, 0)
        z = allred(accf[112:128], jnp.add)

        def nbody(i, _):
            g_v[pl.ds(i * 16, 16)] = g_v[pl.ds(i * 16, 16)] / z
            return 0

        lax.fori_loop(0, NV, nbody, 0)
        pltpu.sync_copy(g_v, g_hbm.at[c])


def _gf_kernel(g, fr, fi, flr, fli, gbr, gbi, glr, gli):
    gb = g[...]
    gbr[...] = _dot(gb, fr[...], ((1,), (0,)))
    gbi[...] = _dot(gb, fi[...], ((1,), (0,)))
    glr[...] = _dot(gb, flr[...], ((1,), (0,)))
    gli[...] = _dot(gb, fli[...], ((1,), (0,)))


def _inv_kernel(qr, qi, kr, ki, vr, vi, cr, ci, qt, kt, vt):
    crb, cib = cr[...], ci[...]
    crh, cih = crb.astype(BF16), cib.astype(BF16)
    qt[...] = (_dot1(qr[...].astype(BF16), crh, ((1,), (0,))) +
               _dot1(qi[...].astype(BF16), cih, ((1,), (0,))))
    kt[...] = (_dot1(kr[...].astype(BF16), crh, ((1,), (0,))) +
               _dot1(ki[...].astype(BF16), cih, ((1,), (0,))))
    vt[...] = _dot(vr[...], crb, ((1,), (0,))) + _dot(vi[...], cib, ((1,), (0,)))


def _attn_kernel(qt, kt, vt, out):
    s = _dot1(qt[...].astype(BF16), kt[...].astype(BF16),
              ((0,), (0,))) * (1.0 / math.sqrt(Dh))
    p = jnp.exp(s)
    denom = jnp.sum(p, axis=1, keepdims=True)
    out[...] = _dot1(p.astype(BF16), vt[...].astype(BF16), ((1,), (1,))) / denom


def _dagg_kernel(vr, vi, vlr, vli, gbr, gbi, glr, gli, cr, ci, clr, cli, out):
    br, bi = gbr[...], gbi[...]
    lr, li = glr[...], gli[...]
    a, bb = vr[...], vi[...]
    c, d = vlr[...], vli[...]
    wbr = a * br + bb * bi
    wbi = bb * br - a * bi
    wlr = c * lr + d * li
    wli = d * lr - c * li
    out[...] = (_dot(cr[...], wbr, ((0,), (1,))) +
                _dot(ci[...], wbi, ((0,), (1,))) +
                _dot(clr[...], wlr, ((0,), (1,))) +
                _dot(cli[...], wli, ((0,), (1,))))


def _out_kernel(dagg, ctx, x, wd, bd, lw, lb, out):
    c = 0.5 * dagg[...] + 0.5 * ctx[...]
    h = _dot(c, wd[...], ((1,), (0,))) + bd[...] + x[...]
    u = jnp.mean(h, axis=1, keepdims=True)
    hc = h - u
    s = jnp.mean(hc * hc, axis=1, keepdims=True)
    out[...] = lw[...] * (hc * jax.lax.rsqrt(s + EPS)) + lb[...]


def kernel(input_tensor, attention_mask, Wq, bq, Wk, bk, Wv, bv, Wd, bd,
           ln_weight, ln_bias):
    del attention_mask
    fr, fi, cr, ci, flr, fli, clr, cli = (jnp.asarray(c) for c in _CONSTS)
    bq2, bk2, bv2, bd2 = (z.reshape(1, D) for z in (bq, bk, bv, bd))
    lw2, lb2 = ln_weight.reshape(1, D), ln_bias.reshape(1, D)
    x = input_tensor

    fsd = jax.ShapeDtypeStruct
    cparams = pltpu.CompilerParams

    LB = 512
    q, k, v = pl.pallas_call(
        _qkv_kernel,
        grid=(B, L // LB),
        in_specs=[
            pl.BlockSpec((None, LB, D), lambda b, r: (b, r, 0)),
            pl.BlockSpec((D, D), lambda b, r: (0, 0)),
            pl.BlockSpec((1, D), lambda b, r: (0, 0)),
            pl.BlockSpec((D, D), lambda b, r: (0, 0)),
            pl.BlockSpec((1, D), lambda b, r: (0, 0)),
            pl.BlockSpec((D, D), lambda b, r: (0, 0)),
            pl.BlockSpec((1, D), lambda b, r: (0, 0)),
        ],
        out_specs=[pl.BlockSpec((None, LB, D), lambda b, r: (b, r, 0))] * 3,
        out_shape=[fsd((B, L, D), F32)] * 3,
        compiler_params=cparams(dimension_semantics=("parallel", "parallel")),
    )(x, Wq, bq2, Wk, bk2, Wv, bv2)

    DB = 256
    tin = pl.BlockSpec((None, L, DB), lambda b, j: (b, 0, j))
    bout = pl.BlockSpec((None, DB, NBP), lambda b, j: (b, j, 0))
    fband = pl.BlockSpec((L, NBP), lambda b, j: (0, 0))
    flow = pl.BlockSpec((L, NLP), lambda b, j: (0, 0))
    qr, qi, kr, ki = pl.pallas_call(
        _fwdqk_kernel,
        grid=(B, D // DB),
        in_specs=[tin, tin, fband, fband],
        out_specs=[bout] * 4,
        out_shape=[fsd((B, D, NBP), F32)] * 4,
        compiler_params=cparams(dimension_semantics=("parallel", "parallel")),
    )(q, k, fr, fi)

    lout = pl.BlockSpec((None, DB, NLP), lambda b, j: (b, j, 0))
    vre, vim, vlr, vli = pl.pallas_call(
        _fwdv_kernel,
        grid=(B, D // DB),
        in_specs=[tin, fband, fband, flow, flow],
        out_specs=[bout, bout, lout, lout],
        out_shape=[fsd((B, D, NBP), F32)] * 2 + [fsd((B, D, NLP), F32)] * 2,
        compiler_params=cparams(dimension_semantics=("parallel", "parallel")),
    )(v, fr, fi, flr, fli)

    sblk = pl.BlockSpec((None, DB, NBP), lambda b, j: (b, j, 0))
    sout = pl.BlockSpec((None, 1, NBP), lambda b, j: (b, 0, 0))
    sr, si = pl.pallas_call(
        _spec_kernel,
        grid=(B, D // DB),
        in_specs=[sblk] * 4,
        out_specs=[sout] * 2,
        out_shape=[fsd((B, 1, NBP), F32)] * 2,
        compiler_params=cparams(dimension_semantics=("parallel", "arbitrary")),
    )(qr, qi, kr, ki)

    cband1 = pl.BlockSpec((NBP, L), lambda b: (0, 0))
    mv = pl.pallas_call(
        _mv_kernel,
        grid=(B,),
        in_specs=[
            pl.BlockSpec((None, 1, NBP), lambda b: (b, 0, 0)),
            pl.BlockSpec((None, 1, NBP), lambda b: (b, 0, 0)),
            cband1, cband1,
        ],
        out_specs=pl.BlockSpec((None, 1, L), lambda b: (b, 0, 0)),
        out_shape=fsd((B, 1, L), F32),
    )(sr, si, cr, ci)

    sc_topk = functools.partial(
        pl.kernel,
        mesh=plsc.VectorSubcoreMesh(core_axis_name="c", subcore_axis_name="s"),
        out_type=fsd((B, L), F32),
        scratch_types=[pltpu.VMEM((L,), F32), pltpu.VMEM((L,), F32),
                       pltpu.VMEM((144,), F32)],
    )(_sc_topk_body)
    g = sc_topk(mv.reshape(B, L)).reshape(B, 1, L)

    gf_bout = pl.BlockSpec((None, 1, NBP), lambda b: (b, 0, 0))
    gf_lout = pl.BlockSpec((None, 1, NLP), lambda b: (b, 0, 0))
    gbr, gbi, glr, gli = pl.pallas_call(
        _gf_kernel,
        grid=(B,),
        in_specs=[
            pl.BlockSpec((None, 1, L), lambda b: (b, 0, 0)),
            pl.BlockSpec((L, NBP), lambda b: (0, 0)),
            pl.BlockSpec((L, NBP), lambda b: (0, 0)),
            pl.BlockSpec((L, NLP), lambda b: (0, 0)),
            pl.BlockSpec((L, NLP), lambda b: (0, 0)),
        ],
        out_specs=[gf_bout, gf_bout, gf_lout, gf_lout],
        out_shape=[fsd((B, 1, NBP), F32)] * 2 + [fsd((B, 1, NLP), F32)] * 2,
    )(g, fr, fi, flr, fli)

    iin = pl.BlockSpec((None, DB, NBP), lambda b, j: (b, j, 0))
    iout = pl.BlockSpec((None, DB, L), lambda b, j: (b, j, 0))
    cband = pl.BlockSpec((NBP, L), lambda b, j: (0, 0))
    qt, kt, vt = pl.pallas_call(
        _inv_kernel,
        grid=(B, D // DB),
        in_specs=[iin] * 6 + [cband, cband],
        out_specs=[iout] * 3,
        out_shape=[fsd((B, D, L), F32)] * 3,
        compiler_params=cparams(dimension_semantics=("parallel", "parallel")),
    )(qr, qi, kr, ki, vre, vim, cr, ci)

    RB = 1024
    ctx = pl.pallas_call(
        _attn_kernel,
        grid=(B, H, L // RB),
        in_specs=[
            pl.BlockSpec((None, Dh, RB), lambda b, h, r: (b, h, r)),
            pl.BlockSpec((None, Dh, L), lambda b, h, r: (b, h, 0)),
            pl.BlockSpec((None, Dh, L), lambda b, h, r: (b, h, 0)),
        ],
        out_specs=pl.BlockSpec((None, None, RB, Dh), lambda b, h, r: (b, h, r, 0)),
        out_shape=fsd((B, H, L, Dh), F32),
        compiler_params=cparams(
            dimension_semantics=("parallel", "parallel", "parallel")),
    )(qt, kt, vt)
    ctx = ctx.transpose(0, 2, 1, 3).reshape(B, L, D)

    vb_in = pl.BlockSpec((None, DB, NBP), lambda b, r, j: (b, j, 0))
    vl_in = pl.BlockSpec((None, DB, NLP), lambda b, r, j: (b, j, 0))
    gb_in = pl.BlockSpec((None, 1, NBP), lambda b, r, j: (b, 0, 0))
    gl_in = pl.BlockSpec((None, 1, NLP), lambda b, r, j: (b, 0, 0))
    cb_in = pl.BlockSpec((NBP, LB), lambda b, r, j: (0, r))
    cl_in = pl.BlockSpec((NLP, LB), lambda b, r, j: (0, r))
    dagg = pl.pallas_call(
        _dagg_kernel,
        grid=(B, L // LB, D // DB),
        in_specs=[vb_in, vb_in, vl_in, vl_in, gb_in, gb_in, gl_in, gl_in,
                  cb_in, cb_in, cl_in, cl_in],
        out_specs=pl.BlockSpec((None, LB, DB), lambda b, r, j: (b, r, j)),
        out_shape=fsd((B, L, D), F32),
        compiler_params=cparams(
            dimension_semantics=("parallel", "parallel", "parallel")),
    )(vre, vim, vlr, vli, gbr, gbi, glr, gli, cr, ci, clr, cli)

    out = pl.pallas_call(
        _out_kernel,
        grid=(B, L // LB),
        in_specs=[
            pl.BlockSpec((None, LB, D), lambda b, r: (b, r, 0)),
            pl.BlockSpec((None, LB, D), lambda b, r: (b, r, 0)),
            pl.BlockSpec((None, LB, D), lambda b, r: (b, r, 0)),
            pl.BlockSpec((D, D), lambda b, r: (0, 0)),
            pl.BlockSpec((1, D), lambda b, r: (0, 0)),
            pl.BlockSpec((1, D), lambda b, r: (0, 0)),
            pl.BlockSpec((1, D), lambda b, r: (0, 0)),
        ],
        out_specs=pl.BlockSpec((None, LB, D), lambda b, r: (b, r, 0)),
        out_shape=fsd((B, L, D), F32),
        compiler_params=cparams(dimension_semantics=("parallel", "parallel")),
    )(dagg, ctx, x, Wd, bd2, lw2, lb2)
    return out

# --- scband reference (transcript-rebuilt; emitter-appended) ---
"""Pipeline reference for scband-fearec-layer-19731079758235 (READ-ONLY COPY).

The authoritative reference and input builder live on the scoring server;
editing this copy changes nothing except your own understanding.
"""

import jax, jax.numpy as jnp
import numpy as np
import math

B, L, D = 2, 2048, 768
H = 12
Dh = D // H
FACTOR = 10
GLOBAL_RATIO = 0.6
N_LAYERS = 2
FEA_LAYER = 0
SPATIAL_RATIO = 0.5
EPS = 1e-12


def _freq_index():
    n_freq = L // 2 + 1
    slide_step = n_freq * (1 - GLOBAL_RATIO) // (N_LAYERS - 1)
    left = int(n_freq * (1 - GLOBAL_RATIO) - FEA_LAYER * slide_step)
    right = int(n_freq - FEA_LAYER * slide_step)
    return np.arange(left, right)


def setup_inputs(seed: int = 0) -> dict:
    key = jax.random.key(seed)
    ks = jax.random.split(key, 8)
    s = 1.0 / math.sqrt(D)
    inp = {}
    inp['input_tensor'] = jax.random.normal(ks[0], (B, L, D), dtype=jnp.float32)
    inp['attention_mask'] = jnp.zeros((B, 1, L, L), dtype=jnp.float32)
    inp['Wq'] = jax.random.normal(ks[1], (D, D), dtype=jnp.float32) * s
    inp['bq'] = jnp.zeros((D,), jnp.float32)
    inp['Wk'] = jax.random.normal(ks[2], (D, D), dtype=jnp.float32) * s
    inp['bk'] = jnp.zeros((D,), jnp.float32)
    inp['Wv'] = jax.random.normal(ks[3], (D, D), dtype=jnp.float32) * s
    inp['bv'] = jnp.zeros((D,), jnp.float32)
    inp['Wd'] = jax.random.normal(ks[4], (D, D), dtype=jnp.float32) * s
    inp['bd'] = jnp.zeros((D,), jnp.float32)
    inp['ln_weight'] = jnp.ones((D,), jnp.float32)
    inp['ln_bias'] = jnp.zeros((D,), jnp.float32)
    return inp


def _layer_norm(x, w, b):
    u = x.mean(-1, keepdims=True)
    s = ((x - u) ** 2).mean(-1, keepdims=True)
    return w * ((x - u) / jnp.sqrt(s + EPS)) + b


def _time_delay_agg_inference(values, corr):
    # values, corr: [B, H, E, L]
    length = values.shape[-1]
    top_k = int(FACTOR * math.log(length))
    mean_value = jnp.mean(jnp.mean(corr, axis=1), axis=1)  # [B, L]
    weights, delay = jax.lax.top_k(mean_value, top_k)
    tmp_corr = jax.nn.softmax(weights, axis=-1)
    tmp_values = jnp.concatenate([values, values], axis=-1)
    init_index = jnp.broadcast_to(jnp.arange(length)[None, None, None, :], values.shape)
    delays_agg = jnp.zeros_like(values)
    for i in range(top_k):
        tmp_delay = init_index + delay[:, i][:, None, None, None]
        pattern = jnp.take_along_axis(tmp_values, tmp_delay, axis=-1)
        delays_agg = delays_agg + pattern * tmp_corr[:, i][:, None, None, None]
    return delays_agg


def reference(input_tensor, attention_mask, Wq, bq, Wk, bk, Wv, bv, Wd, bd, ln_weight, ln_bias):
    idx = _freq_index()
    q = input_tensor @ Wq + bq
    k = input_tensor @ Wk + bk
    v = input_tensor @ Wv + bv
    queries = q.reshape(B, L, H, Dh)
    keys = k.reshape(B, L, H, Dh)
    values = v.reshape(B, L, H, Dh)
    q_t = jnp.transpose(queries, (0, 2, 3, 1))  # [B,H,E,L]
    k_t = jnp.transpose(keys, (0, 2, 3, 1))
    v_t = jnp.transpose(values, (0, 2, 3, 1))
    q_fft = jnp.fft.rfft(q_t, axis=-1)
    k_fft = jnp.fft.rfft(k_t, axis=-1)
    q_box = q_fft[..., idx]
    k_box = k_fft[..., idx]
    res = q_box * jnp.conj(k_box)
    n_freq = L // 2 + 1
    box_res = jnp.zeros((B, H, Dh, n_freq), dtype=q_fft.dtype).at[..., idx].set(res)
    corr = jnp.fft.irfft(box_res, n=L, axis=-1)
    V = _time_delay_agg_inference(v_t, corr)  # [B,H,E,L]
    context_layer = jnp.transpose(V, (0, 3, 1, 2)).reshape(B, L, D)
    # dual domain (std=True -> same frequency band)
    v_fft = jnp.fft.rfft(v_t, axis=-1)
    spatial_q = jnp.zeros_like(q_fft).at[..., idx].set(q_fft[..., idx])
    spatial_k = jnp.zeros_like(k_fft).at[..., idx].set(k_fft[..., idx])
    spatial_v = jnp.zeros_like(v_fft).at[..., idx].set(v_fft[..., idx])
    qt = jnp.transpose(jnp.fft.irfft(spatial_q, n=L, axis=-1), (0, 3, 1, 2))  # [B,L,H,E]
    kt = jnp.transpose(jnp.fft.irfft(spatial_k, n=L, axis=-1), (0, 3, 1, 2))
    vt = jnp.transpose(jnp.fft.irfft(spatial_v, n=L, axis=-1), (0, 3, 1, 2))
    scores = jnp.einsum('blhe,bshe->bhls', qt, kt) / math.sqrt(Dh)
    scores = scores + attention_mask
    probs = jax.nn.softmax(scores, axis=-1)
    ctx_sp = jnp.einsum('bhls,bshe->blhe', probs, vt).reshape(B, L, D)
    context_layer = (1.0 - SPATIAL_RATIO) * context_layer + SPATIAL_RATIO * ctx_sp
    hidden = context_layer @ Wd + bd
    return _layer_norm(hidden + input_tensor, ln_weight, ln_bias)

if __name__ == "__main__":
    import jax
    _d = setup_inputs()
    print(jax.jit(kernel)(*tuple(_d.values())))

</pallas_src>

<mosaic_0001>
#map = affine_map<(d0, d1) -> (0, 0)>
module attributes {stable_mosaic.version = 14 : i64} {
  func.func @_sc_topk_body(%arg0: i32, %arg1: i32, %arg2: memref<2x2048xf32, #tpu.memory_space<hbm>>, %arg3: memref<2x2048xf32, #tpu.memory_space<hbm>>, %arg4: memref<2048xf32, #tpu.memory_space<vmem>>, %arg5: memref<2048xf32, #tpu.memory_space<vmem>>, %arg6: memref<144xf32, #tpu.memory_space<vmem>>) attributes {dimension_semantics = [#tpu.dimension_semantics<core_parallel>, #tpu.dimension_semantics<subcore_parallel>], iteration_bounds = array<i64: 2, 16>, scalar_prefetch = 0 : i64, scratch_operands = 3 : i64, tpu.core_type = #tpu.core_type<sc_vector_subcore>, window_params = [{transform_indices = #map}, {transform_indices = #map}]} {
    %eq3A = arith.constant 0 : i32
    %eq3A_0 = arith.cmpi eq, %arg1, %eq3A : i32
    %convert_element_type3A = arith.extui %eq3A_0 : i1 to i32
    %cond3A = arith.constant 0 : i32
    %cond3A_1 = arith.cmpi ne, %convert_element_type3A, %cond3A : i32
    scf.if %cond3A_1 {
      "tpu.region"() ({
        %run_scoped3A = tpu.sem_alloc : memref<!tpu.dma_semaphore, #tpu.memory_space<semaphore_mem>>
        %dma_start3A = arith.constant 0 : i32
        %dma_start3A_333 = tpu.memref_slice %arg2[%arg0, %dma_start3A] : memref<2x2048xf32, #tpu.memory_space<hbm>> -> memref<1x2048xf32, #tpu.memory_space<hbm>>
        %dma_start3A_334 = tpu.memref_squeeze %dma_start3A_333 : memref<1x2048xf32, #tpu.memory_space<hbm>> -> memref<2048xf32, #tpu.memory_space<hbm>>
        %dma_start3A_335 = arith.constant 0 : i32
        %dma_start3A_336 = tpu.memref_slice %arg2[%arg0, %dma_start3A_335] : memref<2x2048xf32, #tpu.memory_space<hbm>> -> memref<1x2048xf32, #tpu.memory_space<hbm>>
        %dma_start3A_337 = tpu.memref_squeeze %dma_start3A_336 : memref<1x2048xf32, #tpu.memory_space<hbm>> -> memref<2048xf32, #tpu.memory_space<hbm>>
        tpu.enqueue_dma source(%dma_start3A_337 : memref<2048xf32, #tpu.memory_space<hbm>>) target(%arg4 : memref<2048xf32, #tpu.memory_space<vmem>>) target_semaphore(%run_scoped3A : memref<!tpu.dma_semaphore, #tpu.memory_space<semaphore_mem>>)
        %dma_wait3A = arith.constant 0 : i32
        %dma_wait3A_338 = tpu.memref_slice %arg2[%arg0, %dma_wait3A] : memref<2x2048xf32, #tpu.memory_space<hbm>> -> memref<1x2048xf32, #tpu.memory_space<hbm>>
        %dma_wait3A_339 = tpu.memref_squeeze %dma_wait3A_338 : memref<1x2048xf32, #tpu.memory_space<hbm>> -> memref<2048xf32, #tpu.memory_space<hbm>>
        %dma_wait3A_340 = arith.constant 0 : i32
        %dma_wait3A_341 = tpu.memref_slice %arg2[%arg0, %dma_wait3A_340] : memref<2x2048xf32, #tpu.memory_space<hbm>> -> memref<1x2048xf32, #tpu.memory_space<hbm>>
        %dma_wait3A_342 = tpu.memref_squeeze %dma_wait3A_341 : memref<1x2048xf32, #tpu.memory_space<hbm>> -> memref<2048xf32, #tpu.memory_space<hbm>>
        tpu.wait_dma2 semaphore(%run_scoped3A : memref<!tpu.dma_semaphore, #tpu.memory_space<semaphore_mem>>) src(%dma_wait3A_342 : memref<2048xf32, #tpu.memory_space<hbm>>) dst(%arg4 : memref<2048xf32, #tpu.memory_space<vmem>>)
        tpu.yield
      }) : () -> ()
      %iota3A = tpu.iota {dimensions = array<i32: 0>} : vector<16xi32>
      %broadcast_in_dim3A = arith.constant 1.000000e+00 : f32
      %broadcast_in_dim3A_2 = vector.broadcast %broadcast_in_dim3A : f32 to vector<16xf32>
      %broadcast_in_dim3A_3 = arith.constant 0.000000e+00 : f32
      %broadcast_in_dim3A_4 = vector.broadcast %broadcast_in_dim3A_3 : f32 to vector<16xf32>
      %broadcast_in_dim3A_5 = arith.constant -3.000000e+38 : f32
      %broadcast_in_dim3A_6 = vector.broadcast %broadcast_in_dim3A_5 : f32 to vector<16xf32>
      %swap3A = arith.constant 0 : index
      %swap3A_7 = tpu.vector_load %arg6[%swap3A] {strides = array<i32>} : memref<144xf32, #tpu.memory_space<vmem>>, vector<16xf32>,
      %swap3A_8 = vector.shape_cast %swap3A_7 : vector<16xf32> to vector<16xf32>
      %swap3A_9 = vector.shape_cast %broadcast_in_dim3A_6 : vector<16xf32> to vector<16xf32>
      tpu.vector_store %arg6[%swap3A], %swap3A_9 {strides = array<i32>} : memref<144xf32, #tpu.memory_space<vmem>>, vector<16xf32>,
      %broadcast_in_dim3A_10 = arith.constant 3.000000e+38 : f32
      %broadcast_in_dim3A_11 = vector.broadcast %broadcast_in_dim3A_10 : f32 to vector<16xf32>
      %swap3A_12 = arith.constant 16 : index
      %swap3A_13 = tpu.vector_load %arg6[%swap3A_12] {strides = array<i32>} : memref<144xf32, #tpu.memory_space<vmem>>, vector<16xf32>,
      %swap3A_14 = vector.shape_cast %swap3A_13 : vector<16xf32> to vector<16xf32>
      %swap3A_15 = vector.shape_cast %broadcast_in_dim3A_11 : vector<16xf32> to vector<16xf32>
      tpu.vector_store %arg6[%swap3A_12], %swap3A_15 {strides = array<i32>} : memref<144xf32, #tpu.memory_space<vmem>>, vector<16xf32>,
      %scan3A = arith.constant 0 : i32
      %scan3A_16 = arith.constant 0 : i32
      %scan3A_17 = arith.constant 128 : i32
      %scan3A_18 = arith.addi %scan3A_16, %scan3A_17 : i32
      %scan3A_19 = arith.constant 1 : i32
      %scan3A_20 = scf.for %scan3A_333 = %scan3A_16 to %scan3A_18 step %scan3A_19 iter_args(%scan3A_334 = %scan3A) -> (i32)  : i32 {
        %mul3A_335 = arith.constant 16 : i32
        %mul3A_336 = arith.muli %scan3A_333, %mul3A_335 : i32
        %get3A_337 = arith.index_cast %mul3A_336 : i32 to index
        %get3A_338 = tpu.vector_load %arg4[%get3A_337] {strides = array<i32>} : memref<2048xf32, #tpu.memory_space<vmem>>, vector<16xf32>,
        %get3A_339 = vector.shape_cast %get3A_338 : vector<16xf32> to vector<16xf32>
        %get3A_340 = arith.constant 0 : index
        %get3A_341 = tpu.vector_load %arg6[%get3A_340] {strides = array<i32>} : memref<144xf32, #tpu.memory_space<vmem>>, vector<16xf32>,
        %get3A_342 = vector.shape_cast %get3A_341 : vector<16xf32> to vector<16xf32>
        %max3A_343 = arith.maximumf %get3A_342, %get3A_339 : vector<16xf32>
        %swap3A_344 = arith.constant 0 : index
        %swap3A_345 = tpu.vector_load %arg6[%swap3A_344] {strides = array<i32>} : memref<144xf32, #tpu.memory_space<vmem>>, vector<16xf32>,
        %swap3A_346 = vector.shape_cast %swap3A_345 : vector<16xf32> to vector<16xf32>
        %swap3A_347 = vector.shape_cast %max3A_343 : vector<16xf32> to vector<16xf32>
        tpu.vector_store %arg6[%swap3A_344], %swap3A_347 {strides = array<i32>} : memref<144xf32, #tpu.memory_space<vmem>>, vector<16xf32>,
        %get3A_348 = arith.constant 16 : index
        %get3A_349 = tpu.vector_load %arg6[%get3A_348] {strides = array<i32>} : memref<144xf32, #tpu.memory_space<vmem>>, vector<16xf32>,
        %get3A_350 = vector.shape_cast %get3A_349 : vector<16xf32> to vector<16xf32>
        %min3A_351 = arith.minimumf %get3A_350, %get3A_339 : vector<16xf32>
        %swap3A_352 = arith.constant 16 : index
        %swap3A_353 = tpu.vector_load %arg6[%swap3A_352] {strides = array<i32>} : memref<144xf32, #tpu.memory_space<vmem>>, vector<16xf32>,
        %swap3A_354 = vector.shape_cast %swap3A_353 : vector<16xf32> to vector<16xf32>
        %swap3A_355 = vector.shape_cast %min3A_351 : vector<16xf32> to vector<16xf32>
        tpu.vector_store %arg6[%swap3A_352], %swap3A_355 {strides = array<i32>} : memref<144xf32, #tpu.memory_space<vmem>>, vector<16xf32>,
        %scan3A_356 = arith.constant 0 : i32
        scf.yield %scan3A_356 : i32
      }
      %scan3A_21 = arith.constant 128 : i32
      %get3A = arith.constant 0 : index
      %get3A_22 = tpu.vector_load %arg6[%get3A] {strides = array<i32>} : memref<144xf32, #tpu.memory_space<vmem>>, vector<16xf32>,
      %get3A_23 = vector.shape_cast %get3A_22 : vector<16xf32> to vector<16xf32>
      %xor3A = arith.constant 1 : i32
      %xor3A_24 = vector.broadcast %xor3A : i32 to vector<16xi32>
      %xor3A_25 = arith.xori %iota3A, %xor3A_24 : vector<16xi32>
      %lt3A = arith.constant 0 : i32
      %lt3A_26 = vector.broadcast %lt3A : i32 to vector<16xi32>
      %lt3A_27 = arith.cmpi slt, %xor3A_25, %lt3A_26 : vector<16xi32>
      %add3A = arith.constant 16 : i32
      %add3A_28 = vector.broadcast %add3A : i32 to vector<16xi32>
      %add3A_29 = arith.addi %xor3A_25, %add3A_28 : vector<16xi32>
      %select_n3A = arith.select %lt3A_27, %add3A_29, %xor3A_25 : vector<16xi1>, vector<16xi32>
      %broadcast_in_dim3A_30 = vector.shape_cast %select_n3A : vector<16xi32> to vector<16x1xi32>
      %gather3A = vector.shape_cast %broadcast_in_dim3A_30 : vector<16x1xi32> to vector<16xi32>
      %gather3A_31 = tpu.dynamic_gather %get3A_23[%gather3A] in [0] : vector<16xf32>, vector<16xi32> -> vector<16xf32>
      %max3A = arith.maximumf %get3A_23, %gather3A_31 : vector<16xf32>
      %xor3A_32 = arith.constant 2 : i32
      %xor3A_33 = vector.broadcast %xor3A_32 : i32 to vector<16xi32>
      %xor3A_34 = arith.xori %iota3A, %xor3A_33 : vector<16xi32>
      %lt3A_35 = arith.constant 0 : i32
      %lt3A_36 = vector.broadcast %lt3A_35 : i32 to vector<16xi32>
      %lt3A_37 = arith.cmpi slt, %xor3A_34, %lt3A_36 : vector<16xi32>
      %add3A_38 = arith.constant 16 : i32
      %add3A_39 = vector.broadcast %add3A_38 : i32 to vector<16xi32>
      %add3A_40 = arith.addi %xor3A_34, %add3A_39 : vector<16xi32>
      %select_n3A_41 = arith.select %lt3A_37, %add3A_40, %xor3A_34 : vector<16xi1>, vector<16xi32>
      %broadcast_in_dim3A_42 = vector.shape_cast %select_n3A_41 : vector<16xi32> to vector<16x1xi32>
      %gather3A_43 = vector.shape_cast %broadcast_in_dim3A_42 : vector<16x1xi32> to vector<16xi32>
      %gather3A_44 = tpu.dynamic_gather %max3A[%gather3A_43] in [0] : vector<16xf32>, vector<16xi32> -> vector<16xf32>
      %max3A_45 = arith.maximumf %max3A, %gather3A_44 : vector<16xf32>
      %xor3A_46 = arith.constant 4 : i32
      %xor3A_47 = vector.broadcast %xor3A_46 : i32 to vector<16xi32>
      %xor3A_48 = arith.xori %iota3A, %xor3A_47 : vector<16xi32>
      %lt3A_49 = arith.constant 0 : i32
      %lt3A_50 = vector.broadcast %lt3A_49 : i32 to vector<16xi32>
      %lt3A_51 = arith.cmpi slt, %xor3A_48, %lt3A_50 : vector<16xi32>
      %add3A_52 = arith.constant 16 : i32
      %add3A_53 = vector.broadcast %add3A_52 : i32 to vector<16xi32>
      %add3A_54 = arith.addi %xor3A_48, %add3A_53 : vector<16xi32>
      %select_n3A_55 = arith.select %lt3A_51, %add3A_54, %xor3A_48 : vector<16xi1>, vector<16xi32>
      %broadcast_in_dim3A_56 = vector.shape_cast %select_n3A_55 : vector<16xi32> to vector<16x1xi32>
      %gather3A_57 = vector.shape_cast %broadcast_in_dim3A_56 : vector<16x1xi32> to vector<16xi32>
      %gather3A_58 = tpu.dynamic_gather %max3A_45[%gather3A_57] in [0] : vector<16xf32>, vector<16xi32> -> vector<16xf32>
      %max3A_59 = arith.maximumf %max3A_45, %gather3A_58 : vector<16xf32>
      %xor3A_60 = arith.constant 8 : i32
      %xor3A_61 = vector.broadcast %xor3A_60 : i32 to vector<16xi32>
      %xor3A_62 = arith.xori %iota3A, %xor3A_61 : vector<16xi32>
      %lt3A_63 = arith.constant 0 : i32
      %lt3A_64 = vector.broadcast %lt3A_63 : i32 to vector<16xi32>
      %lt3A_65 = arith.cmpi slt, %xor3A_62, %lt3A_64 : vector<16xi32>
      %add3A_66 = arith.constant 16 : i32
      %add3A_67 = vector.broadcast %add3A_66 : i32 to vector<16xi32>
      %add3A_68 = arith.addi %xor3A_62, %add3A_67 : vector<16xi32>
      %select_n3A_69 = arith.select %lt3A_65, %add3A_68, %xor3A_62 : vector<16xi1>, vector<16xi32>
      %broadcast_in_dim3A_70 = vector.shape_cast %select_n3A_69 : vector<16xi32> to vector<16x1xi32>
      %gather3A_71 = vector.shape_cast %broadcast_in_dim3A_70 : vector<16x1xi32> to vector<16xi32>
      %gather3A_72 = tpu.dynamic_gather %max3A_59[%gather3A_71] in [0] : vector<16xf32>, vector<16xi32> -> vector<16xf32>
      %max3A_73 = arith.maximumf %max3A_59, %gather3A_72 : vector<16xf32>
      %get3A_74 = arith.constant 16 : index
      %get3A_75 = tpu.vector_load %arg6[%get3A_74] {strides = array<i32>} : memref<144xf32, #tpu.memory_space<vmem>>, vector<16xf32>,
      %get3A_76 = vector.shape_cast %get3A_75 : vector<16xf32> to vector<16xf32>
      %xor3A_77 = arith.constant 1 : i32
      %xor3A_78 = vector.broadcast %xor3A_77 : i32 to vector<16xi32>
      %xor3A_79 = arith.xori %iota3A, %xor3A_78 : vector<16xi32>
      %lt3A_80 = arith.constant 0 : i32
      %lt3A_81 = vector.broadcast %lt3A_80 : i32 to vector<16xi32>
      %lt3A_82 = arith.cmpi slt, %xor3A_79, %lt3A_81 : vector<16xi32>
      %add3A_83 = arith.constant 16 : i32
      %add3A_84 = vector.broadcast %add3A_83 : i32 to vector<16xi32>
      %add3A_85 = arith.addi %xor3A_79, %add3A_84 : vector<16xi32>
      %select_n3A_86 = arith.select %lt3A_82, %add3A_85, %xor3A_79 : vector<16xi1>, vector<16xi32>
      %broadcast_in_dim3A_87 = vector.shape_cast %select_n3A_86 : vector<16xi32> to vector<16x1xi32>
      %gather3A_88 = vector.shape_cast %broadcast_in_dim3A_87 : vector<16x1xi32> to vector<16xi32>
      %gather3A_89 = tpu.dynamic_gather %get3A_76[%gather3A_88] in [0] : vector<16xf32>, vector<16xi32> -> vector<16xf32>
      %min3A = arith.minimumf %get3A_76, %gather3A_89 : vector<16xf32>
      %xor3A_90 = arith.constant 2 : i32
      %xor3A_91 = vector.broadcast %xor3A_90 : i32 to vector<16xi32>
      %xor3A_92 = arith.xori %iota3A, %xor3A_91 : vector<16xi32>
      %lt3A_93 = arith.constant 0 : i32
      %lt3A_94 = vector.broadcast %lt3A_93 : i32 to vector<16xi32>
      %lt3A_95 = arith.cmpi slt, %xor3A_92, %lt3A_94 : vector<16xi32>
      %add3A_96 = arith.constant 16 : i32
      %add3A_97 = vector.broadcast %add3A_96 : i32 to vector<16xi32>
      %add3A_98 = arith.addi %xor3A_92, %add3A_97 : vector<16xi32>
      %select_n3A_99 = arith.select %lt3A_95, %add3A_98, %xor3A_92 : vector<16xi1>, vector<16xi32>
      %broadcast_in_dim3A_100 = vector.shape_cast %select_n3A_99 : vector<16xi32> to vector<16x1xi32>
      %gather3A_101 = vector.shape_cast %broadcast_in_dim3A_100 : vector<16x1xi32> to vector<16xi32>
      %gather3A_102 = tpu.dynamic_gather %min3A[%gather3A_101] in [0] : vector<16xf32>, vector<16xi32> -> vector<16xf32>
      %min3A_103 = arith.minimumf %min3A, %gather3A_102 : vector<16xf32>
      %xor3A_104 = arith.constant 4 : i32
      %xor3A_105 = vector.broadcast %xor3A_104 : i32 to vector<16xi32>
      %xor3A_106 = arith.xori %iota3A, %xor3A_105 : vector<16xi32>
      %lt3A_107 = arith.constant 0 : i32
      %lt3A_108 = vector.broadcast %lt3A_107 : i32 to vector<16xi32>
      %lt3A_109 = arith.cmpi slt, %xor3A_106, %lt3A_108 : vector<16xi32>
      %add3A_110 = arith.constant 16 : i32
      %add3A_111 = vector.broadcast %add3A_110 : i32 to vector<16xi32>
      %add3A_112 = arith.addi %xor3A_106, %add3A_111 : vector<16xi32>
      %select_n3A_113 = arith.select %lt3A_109, %add3A_112, %xor3A_106 : vector<16xi1>, vector<16xi32>
      %broadcast_in_dim3A_114 = vector.shape_cast %select_n3A_113 : vector<16xi32> to vector<16x1xi32>
      %gather3A_115 = vector.shape_cast %broadcast_in_dim3A_114 : vector<16x1xi32> to vector<16xi32>
      %gather3A_116 = tpu.dynamic_gather %min3A_103[%gather3A_115] in [0] : vector<16xf32>, vector<16xi32> -> vector<16xf32>
      %min3A_117 = arith.minimumf %min3A_103, %gather3A_116 : vector<16xf32>
      %xor3A_118 = arith.constant 8 : i32
      %xor3A_119 = vector.broadcast %xor3A_118 : i32 to vector<16xi32>
      %xor3A_120 = arith.xori %iota3A, %xor3A_119 : vector<16xi32>
      %lt3A_121 = arith.constant 0 : i32
      %lt3A_122 = vector.broadcast %lt3A_121 : i32 to vector<16xi32>
      %lt3A_123 = arith.cmpi slt, %xor3A_120, %lt3A_122 : vector<16xi32>
      %add3A_124 = arith.constant 16 : i32
      %add3A_125 = vector.broadcast %add3A_124 : i32 to vector<16xi32>
      %add3A_126 = arith.addi %xor3A_120, %add3A_125 : vector<16xi32>
      %select_n3A_127 = arith.select %lt3A_123, %add3A_126, %xor3A_120 : vector<16xi1>, vector<16xi32>
      %broadcast_in_dim3A_128 = vector.shape_cast %select_n3A_127 : vector<16xi32> to vector<16x1xi32>
      %gather3A_129 = vector.shape_cast %broadcast_in_dim3A_128 : vector<16x1xi32> to vector<16xi32>
      %gather3A_130 = tpu.dynamic_gather %min3A_117[%gather3A_129] in [0] : vector<16xf32>, vector<16xi32> -> vector<16xf32>
      %min3A_131 = arith.minimumf %min3A_117, %gather3A_130 : vector<16xf32>
      %broadcast_in_dim3A_132 = arith.constant 7.600000e+01 : f32
      %broadcast_in_dim3A_133 = vector.broadcast %broadcast_in_dim3A_132 : f32 to vector<16xf32>
      %sub3A = arith.constant 1.000000e+00 : f32
      %sub3A_134 = vector.broadcast %sub3A : f32 to vector<16xf32>
      %sub3A_135 = arith.subf %min3A_131, %sub3A_134 : vector<16xf32>
      %swap3A_136 = arith.constant 32 : index
      %swap3A_137 = tpu.vector_load %arg6[%swap3A_136] {strides = array<i32>} : memref<144xf32, #tpu.memory_space<vmem>>, vector<16xf32>,
      %swap3A_138 = vector.shape_cast %swap3A_137 : vector<16xf32> to vector<16xf32>
      %swap3A_139 = vector.shape_cast %sub3A_135 : vector<16xf32> to vector<16xf32>
      tpu.vector_store %arg6[%swap3A_136], %swap3A_139 {strides = array<i32>} : memref<144xf32, #tpu.memory_space<vmem>>, vector<16xf32>,
      %swap3A_140 = arith.constant 48 : index
      %swap3A_141 = tpu.vector_load %arg6[%swap3A_140] {strides = array<i32>} : memref<144xf32, #tpu.memory_space<vmem>>, vector<16xf32>,
      %swap3A_142 = vector.shape_cast %swap3A_141 : vector<16xf32> to vector<16xf32>
      %swap3A_143 = vector.shape_cast %max3A_73 : vector<16xf32> to vector<16xf32>
      tpu.vector_store %arg6[%swap3A_140], %swap3A_143 {strides = array<i32>} : memref<144xf32, #tpu.memory_space<vmem>>, vector<16xf32>,
      %swap3A_144 = arith.constant 64 : index
      %swap3A_145 = tpu.vector_load %arg6[%swap3A_144] {strides = array<i32>} : memref<144xf32, #tpu.memory_space<vmem>>, vector<16xf32>,
      %swap3A_146 = vector.shape_cast %swap3A_145 : vector<16xf32> to vector<16xf32>
      %swap3A_147 = vector.shape_cast %max3A_73 : vector<16xf32> to vector<16xf32>
      tpu.vector_store %arg6[%swap3A_144], %swap3A_147 {strides = array<i32>} : memref<144xf32, #tpu.memory_space<vmem>>, vector<16xf32>,
      %swap3A_148 = arith.constant 96 : index
      %swap3A_149 = tpu.vector_load %arg6[%swap3A_148] {strides = array<i32>} : memref<144xf32, #tpu.memory_space<vmem>>, vector<16xf32>,
      %swap3A_150 = vector.shape_cast %swap3A_149 : vector<16xf32> to vector<16xf32>
      %swap3A_151 = vector.shape_cast %broadcast_in_dim3A_4 : vector<16xf32> to vector<16xf32>
      tpu.vector_store %arg6[%swap3A_148], %swap3A_151 {strides = array<i32>} : memref<144xf32, #tpu.memory_space<vmem>>, vector<16xf32>,
      %scan3A_152 = arith.constant 0 : i32
      %scan3A_153 = arith.constant 0 : i32
      %scan3A_154 = arith.constant 64 : i32
      %scan3A_155 = arith.addi %scan3A_153, %scan3A_154 : i32
      %scan3A_156 = arith.constant 1 : i32
      %scan3A_157 = scf.for %scan3A_333 = %scan3A_153 to %scan3A_155 step %scan3A_156 iter_args(%scan3A_334 = %scan3A_152) -> (i32)  : i32 {
        %get3A_335 = arith.constant 32 : index
        %get3A_336 = tpu.vector_load %arg6[%get3A_335] {strides = array<i32>} : memref<144xf32, #tpu.memory_space<vmem>>, vector<16xf32>,
        %get3A_337 = vector.shape_cast %get3A_336 : vector<16xf32> to vector<16xf32>
        %get3A_338 = arith.constant 48 : index
        %get3A_339 = tpu.vector_load %arg6[%get3A_338] {strides = array<i32>} : memref<144xf32, #tpu.memory_space<vmem>>, vector<16xf32>,
        %get3A_340 = vector.shape_cast %get3A_339 : vector<16xf32> to vector<16xf32>
        %add3A_341 = arith.addf %get3A_337, %get3A_340 : vector<16xf32>
        %mul3A_342 = arith.constant 5.000000e-01 : f32
        %mul3A_343 = vector.broadcast %mul3A_342 : f32 to vector<16xf32>
        %mul3A_344 = arith.mulf %mul3A_343, %add3A_341 : vector<16xf32>
        %swap3A_345 = arith.constant 80 : index
        %swap3A_346 = tpu.vector_load %arg6[%swap3A_345] {strides = array<i32>} : memref<144xf32, #tpu.memory_space<vmem>>, vector<16xf32>,
        %swap3A_347 = vector.shape_cast %swap3A_346 : vector<16xf32> to vector<16xf32>
        %swap3A_348 = vector.shape_cast %broadcast_in_dim3A_4 : vector<16xf32> to vector<16xf32>
        tpu.vector_store %arg6[%swap3A_345], %swap3A_348 {strides = array<i32>} : memref<144xf32, #tpu.memory_space<vmem>>, vector<16xf32>,
        %scan3A_349 = arith.constant 0 : i32
        %scan3A_350 = arith.constant 0 : i32
        %scan3A_351 = arith.constant 128 : i32
        %scan3A_352 = arith.addi %scan3A_350, %scan3A_351 : i32
        %scan3A_353 = arith.constant 1 : i32
        %scan3A_354 = scf.for %scan3A_448 = %scan3A_350 to %scan3A_352 step %scan3A_353 iter_args(%scan3A_449 = %scan3A_349) -> (i32)  : i32 {
          %mul3A_450 = arith.constant 16 : i32
          %mul3A_451 = arith.muli %scan3A_448, %mul3A_450 : i32
          %get3A_452 = arith.index_cast %mul3A_451 : i32 to index
          %get3A_453 = tpu.vector_load %arg4[%get3A_452] {strides = array<i32>} : memref<2048xf32, #tpu.memory_space<vmem>>, vector<16xf32>,
          %get3A_454 = vector.shape_cast %get3A_453 : vector<16xf32> to vector<16xf32>
          %get3A_455 = arith.constant 80 : index
          %get3A_456 = tpu.vector_load %arg6[%get3A_455] {strides = array<i32>} : memref<144xf32, #tpu.memory_space<vmem>>, vector<16xf32>,
          %get3A_457 = vector.shape_cast %get3A_456 : vector<16xf32> to vector<16xf32>
          %gt3A = arith.cmpf ogt, %get3A_454, %mul3A_344 : vector<16xf32>
          %select_n3A_458 = arith.select %gt3A, %broadcast_in_dim3A_2, %broadcast_in_dim3A_4 : vector<16xi1>, vector<16xf32>
          %add3A_459 = arith.addf %get3A_457, %select_n3A_458 : vector<16xf32>
          %swap3A_460 = arith.constant 80 : index
          %swap3A_461 = tpu.vector_load %arg6[%swap3A_460] {strides = array<i32>} : memref<144xf32, #tpu.memory_space<vmem>>, vector<16xf32>,
          %swap3A_462 = vector.shape_cast %swap3A_461 : vector<16xf32> to vector<16xf32>
          %swap3A_463 = vector.shape_cast %add3A_459 : vector<16xf32> to vector<16xf32>
          tpu.vector_store %arg6[%swap3A_460], %swap3A_463 {strides = array<i32>} : memref<144xf32, #tpu.memory_space<vmem>>, vector<16xf32>,
          %scan3A_464 = arith.constant 0 : i32
          scf.yield %scan3A_464 : i32
        }
        %scan3A_355 = arith.constant 128 : i32
        %get3A_356 = arith.constant 80 : index
        %get3A_357 = tpu.vector_load %arg6[%get3A_356] {strides = array<i32>} : memref<144xf32, #tpu.memory_space<vmem>>, vector<16xf32>,
        %get3A_358 = vector.shape_cast %get3A_357 : vector<16xf32> to vector<16xf32>
        %xor3A_359 = arith.constant 1 : i32
        %xor3A_360 = vector.broadcast %xor3A_359 : i32 to vector<16xi32>
        %xor3A_361 = arith.xori %iota3A, %xor3A_360 : vector<16xi32>
        %lt3A_362 = arith.constant 0 : i32
        %lt3A_363 = vector.broadcast %lt3A_362 : i32 to vector<16xi32>
        %lt3A_364 = arith.cmpi slt, %xor3A_361, %lt3A_363 : vector<16xi32>
        %add3A_365 = arith.constant 16 : i32
        %add3A_366 = vector.broadcast %add3A_365 : i32 to vector<16xi32>
        %add3A_367 = arith.addi %xor3A_361, %add3A_366 : vector<16xi32>
        %select_n3A_368 = arith.select %lt3A_364, %add3A_367, %xor3A_361 : vector<16xi1>, vector<16xi32>
        %broadcast_in_dim3A_369 = vector.shape_cast %select_n3A_368 : vector<16xi32> to vector<16x1xi32>
        %gather3A_370 = vector.shape_cast %broadcast_in_dim3A_369 : vector<16x1xi32> to vector<16xi32>
        %gather3A_371 = tpu.dynamic_gather %get3A_358[%gather3A_370] in [0] : vector<16xf32>, vector<16xi32> -> vector<16xf32>
        %add3A_372 = arith.addf %get3A_358, %gather3A_371 : vector<16xf32>
        %xor3A_373 = arith.constant 2 : i32
        %xor3A_374 = vector.broadcast %xor3A_373 : i32 to vector<16xi32>
        %xor3A_375 = arith.xori %iota3A, %xor3A_374 : vector<16xi32>
        %lt3A_376 = arith.constant 0 : i32
        %lt3A_377 = vector.broadcast %lt3A_376 : i32 to vector<16xi32>
        %lt3A_378 = arith.cmpi slt, %xor3A_375, %lt3A_377 : vector<16xi32>
        %add3A_379 = arith.constant 16 : i32
        %add3A_380 = vector.broadcast %add3A_379 : i32 to vector<16xi32>
        %add3A_381 = arith.addi %xor3A_375, %add3A_380 : vector<16xi32>
        %select_n3A_382 = arith.select %lt3A_378, %add3A_381, %xor3A_375 : vector<16xi1>, vector<16xi32>
        %broadcast_in_dim3A_383 = vector.shape_cast %select_n3A_382 : vector<16xi32> to vector<16x1xi32>
        %gather3A_384 = vector.shape_cast %broadcast_in_dim3A_383 : vector<16x1xi32> to vector<16xi32>
        %gather3A_385 = tpu.dynamic_gather %add3A_372[%gather3A_384] in [0] : vector<16xf32>, vector<16xi32> -> vector<16xf32>
        %add3A_386 = arith.addf %add3A_372, %gather3A_385 : vector<16xf32>
        %xor3A_387 = arith.constant 4 : i32
        %xor3A_388 = vector.broadcast %xor3A_387 : i32 to vector<16xi32>
        %xor3A_389 = arith.xori %iota3A, %xor3A_388 : vector<16xi32>
        %lt3A_390 = arith.constant 0 : i32
        %lt3A_391 = vector.broadcast %lt3A_390 : i32 to vector<16xi32>
        %lt3A_392 = arith.cmpi slt, %xor3A_389, %lt3A_391 : vector<16xi32>
        %add3A_393 = arith.constant 16 : i32
        %add3A_394 = vector.broadcast %add3A_393 : i32 to vector<16xi32>
        %add3A_395 = arith.addi %xor3A_389, %add3A_394 : vector<16xi32>
        %select_n3A_396 = arith.select %lt3A_392, %add3A_395, %xor3A_389 : vector<16xi1>, vector<16xi32>
        %broadcast_in_dim3A_397 = vector.shape_cast %select_n3A_396 : vector<16xi32> to vector<16x1xi32>
        %gather3A_398 = vector.shape_cast %broadcast_in_dim3A_397 : vector<16x1xi32> to vector<16xi32>
        %gather3A_399 = tpu.dynamic_gather %add3A_386[%gather3A_398] in [0] : vector<16xf32>, vector<16xi32> -> vector<16xf32>
        %add3A_400 = arith.addf %add3A_386, %gather3A_399 : vector<16xf32>
        %xor3A_401 = arith.constant 8 : i32
        %xor3A_402 = vector.broadcast %xor3A_401 : i32 to vector<16xi32>
        %xor3A_403 = arith.xori %iota3A, %xor3A_402 : vector<16xi32>
        %lt3A_404 = arith.constant 0 : i32
        %lt3A_405 = vector.broadcast %lt3A_404 : i32 to vector<16xi32>
        %lt3A_406 = arith.cmpi slt, %xor3A_403, %lt3A_405 : vector<16xi32>
        %add3A_407 = arith.constant 16 : i32
        %add3A_408 = vector.broadcast %add3A_407 : i32 to vector<16xi32>
        %add3A_409 = arith.addi %xor3A_403, %add3A_408 : vector<16xi32>
        %select_n3A_410 = arith.select %lt3A_406, %add3A_409, %xor3A_403 : vector<16xi1>, vector<16xi32>
        %broadcast_in_dim3A_411 = vector.shape_cast %select_n3A_410 : vector<16xi32> to vector<16x1xi32>
        %gather3A_412 = vector.shape_cast %broadcast_in_dim3A_411 : vector<16x1xi32> to vector<16xi32>
        %gather3A_413 = tpu.dynamic_gather %add3A_400[%gather3A_412] in [0] : vector<16xf32>, vector<16xi32> -> vector<16xf32>
        %add3A_414 = arith.addf %add3A_400, %gather3A_413 : vector<16xf32>
        %ge3A = arith.cmpf oge, %add3A_414, %broadcast_in_dim3A_133 : vector<16xf32>
        %select_n3A_415 = arith.select %ge3A, %mul3A_344, %get3A_337 : vector<16xi1>, vector<16xf32>
        %swap3A_416 = arith.constant 32 : index
        %swap3A_417 = tpu.vector_load %arg6[%swap3A_416] {strides = array<i32>} : memref<144xf32, #tpu.memory_space<vmem>>, vector<16xf32>,
        %swap3A_418 = vector.shape_cast %swap3A_417 : vector<16xf32> to vector<16xf32>
        %swap3A_419 = vector.shape_cast %select_n3A_415 : vector<16xf32> to vector<16xf32>
        tpu.vector_store %arg6[%swap3A_416], %swap3A_419 {strides = array<i32>} : memref<144xf32, #tpu.memory_space<vmem>>, vector<16xf32>,
        %ge3A_420 = arith.cmpf oge, %add3A_414, %broadcast_in_dim3A_133 : vector<16xf32>
        %select_n3A_421 = arith.select %ge3A_420, %get3A_340, %mul3A_344 : vector<16xi1>, vector<16xf32>
        %swap3A_422 = arith.constant 48 : index
        %swap3A_423 = tpu.vector_load %arg6[%swap3A_422] {strides = array<i32>} : memref<144xf32, #tpu.memory_space<vmem>>, vector<16xf32>,
        %swap3A_424 = vector.shape_cast %swap3A_423 : vector<16xf32> to vector<16xf32>
        %swap3A_425 = vector.shape_cast %select_n3A_421 : vector<16xf32> to vector<16xf32>
        tpu.vector_store %arg6[%swap3A_422], %swap3A_425 {strides = array<i32>} : memref<144xf32, #tpu.memory_space<vmem>>, vector<16xf32>,
        %eq3A_426 = arith.cmpf oeq, %add3A_414, %broadcast_in_dim3A_133 : vector<16xf32>
        %select_n3A_427 = arith.select %eq3A_426, %broadcast_in_dim3A_2, %broadcast_in_dim3A_4 : vector<16xi1>, vector<16xf32>
        %mul3A_428 = arith.mulf %select_n3A_427, %mul3A_344 : vector<16xf32>
        %sub3A_429 = arith.subf %broadcast_in_dim3A_2, %select_n3A_427 : vector<16xf32>
        %get3A_430 = arith.constant 64 : index
        %get3A_431 = tpu.vector_load %arg6[%get3A_430] {strides = array<i32>} : memref<144xf32, #tpu.memory_space<vmem>>, vector<16xf32>,
        %get3A_432 = vector.shape_cast %get3A_431 : vector<16xf32> to vector<16xf32>
        %mul3A_433 = arith.mulf %sub3A_429, %get3A_432 : vector<16xf32>
        %add3A_434 = arith.addf %mul3A_428, %mul3A_433 : vector<16xf32>
        %swap3A_435 = arith.constant 64 : index
        %swap3A_436 = tpu.vector_load %arg6[%swap3A_435] {strides = array<i32>} : memref<144xf32, #tpu.memory_space<vmem>>, vector<16xf32>,
        %swap3A_437 = vector.shape_cast %swap3A_436 : vector<16xf32> to vector<16xf32>
        %swap3A_438 = vector.shape_cast %add3A_434 : vector<16xf32> to vector<16xf32>
        tpu.vector_store %arg6[%swap3A_435], %swap3A_438 {strides = array<i32>} : memref<144xf32, #tpu.memory_space<vmem>>, vector<16xf32>,
        %get3A_439 = arith.constant 96 : index
        %get3A_440 = tpu.vector_load %arg6[%get3A_439] {strides = array<i32>} : memref<144xf32, #tpu.memory_space<vmem>>, vector<16xf32>,
        %get3A_441 = vector.shape_cast %get3A_440 : vector<16xf32> to vector<16xf32>
        %max3A_442 = arith.maximumf %get3A_441, %select_n3A_427 : vector<16xf32>
        %swap3A_443 = arith.constant 96 : index
        %swap3A_444 = tpu.vector_load %arg6[%swap3A_443] {strides = array<i32>} : memref<144xf32, #tpu.memory_space<vmem>>, vector<16xf32>,
        %swap3A_445 = vector.shape_cast %swap3A_444 : vector<16xf32> to vector<16xf32>
        %swap3A_446 = vector.shape_cast %max3A_442 : vector<16xf32> to vector<16xf32>
        tpu.vector_store %arg6[%swap3A_443], %swap3A_446 {strides = array<i32>} : memref<144xf32, #tpu.memory_space<vmem>>, vector<16xf32>,
        %scan3A_447 = arith.constant 0 : i32
        scf.yield %scan3A_447 : i32
      }
      %scan3A_158 = arith.constant 64 : i32
      %get3A_159 = arith.constant 96 : index
      %get3A_160 = tpu.vector_load %arg6[%get3A_159] {strides = array<i32>} : memref<144xf32, #tpu.memory_space<vmem>>, vector<16xf32>,
      %get3A_161 = vector.shape_cast %get3A_160 : vector<16xf32> to vector<16xf32>
      %get3A_162 = arith.constant 64 : index
      %get3A_163 = tpu.vector_load %arg6[%get3A_162] {strides = array<i32>} : memref<144xf32, #tpu.memory_space<vmem>>, vector<16xf32>,
      %get3A_164 = vector.shape_cast %get3A_163 : vector<16xf32> to vector<16xf32>
      %mul3A = arith.mulf %get3A_161, %get3A_164 : vector<16xf32>
      %sub3A_165 = arith.subf %broadcast_in_dim3A_2, %get3A_161 : vector<16xf32>
      %get3A_166 = arith.constant 48 : index
      %get3A_167 = tpu.vector_load %arg6[%get3A_166] {strides = array<i32>} : memref<144xf32, #tpu.memory_space<vmem>>, vector<16xf32>,
      %get3A_168 = vector.shape_cast %get3A_167 : vector<16xf32> to vector<16xf32>
      %mul3A_169 = arith.mulf %sub3A_165, %get3A_168 : vector<16xf32>
      %add3A_170 = arith.addf %mul3A, %mul3A_169 : vector<16xf32>
      %get3A_171 = arith.constant 64 : index
      %get3A_172 = tpu.vector_load %arg6[%get3A_171] {strides = array<i32>} : memref<144xf32, #tpu.memory_space<vmem>>, vector<16xf32>,
      %get3A_173 = vector.shape_cast %get3A_172 : vector<16xf32> to vector<16xf32>
      %mul3A_174 = arith.mulf %get3A_161, %get3A_173 : vector<16xf32>
      %sub3A_175 = arith.subf %broadcast_in_dim3A_2, %get3A_161 : vector<16xf32>
      %get3A_176 = arith.constant 32 : index
      %get3A_177 = tpu.vector_load %arg6[%get3A_176] {strides = array<i32>} : memref<144xf32, #tpu.memory_space<vmem>>, vector<16xf32>,
      %get3A_178 = vector.shape_cast %get3A_177 : vector<16xf32> to vector<16xf32>
      %mul3A_179 = arith.mulf %sub3A_175, %get3A_178 : vector<16xf32>
      %add3A_180 = arith.addf %mul3A_174, %mul3A_179 : vector<16xf32>
      %swap3A_181 = arith.constant 80 : index
      %swap3A_182 = tpu.vector_load %arg6[%swap3A_181] {strides = array<i32>} : memref<144xf32, #tpu.memory_space<vmem>>, vector<16xf32>,
      %swap3A_183 = vector.shape_cast %swap3A_182 : vector<16xf32> to vector<16xf32>
      %swap3A_184 = vector.shape_cast %broadcast_in_dim3A_4 : vector<16xf32> to vector<16xf32>
      tpu.vector_store %arg6[%swap3A_181], %swap3A_184 {strides = array<i32>} : memref<144xf32, #tpu.memory_space<vmem>>, vector<16xf32>,
      %scan3A_185 = arith.constant 0 : i32
      %scan3A_186 = arith.constant 0 : i32
      %scan3A_187 = arith.constant 128 : i32
      %scan3A_188 = arith.addi %scan3A_186, %scan3A_187 : i32
      %scan3A_189 = arith.constant 1 : i32
      %scan3A_190 = scf.for %scan3A_333 = %scan3A_186 to %scan3A_188 step %scan3A_189 iter_args(%scan3A_334 = %scan3A_185) -> (i32)  : i32 {
        %mul3A_335 = arith.constant 16 : i32
        %mul3A_336 = arith.muli %scan3A_333, %mul3A_335 : i32
        %get3A_337 = arith.index_cast %mul3A_336 : i32 to index
        %get3A_338 = tpu.vector_load %arg4[%get3A_337] {strides = array<i32>} : memref<2048xf32, #tpu.memory_space<vmem>>, vector<16xf32>,
        %get3A_339 = vector.shape_cast %get3A_338 : vector<16xf32> to vector<16xf32>
        %get3A_340 = arith.constant 80 : index
        %get3A_341 = tpu.vector_load %arg6[%get3A_340] {strides = array<i32>} : memref<144xf32, #tpu.memory_space<vmem>>, vector<16xf32>,
        %get3A_342 = vector.shape_cast %get3A_341 : vector<16xf32> to vector<16xf32>
        %gt3A = arith.cmpf ogt, %get3A_339, %add3A_170 : vector<16xf32>
        %select_n3A_343 = arith.select %gt3A, %broadcast_in_dim3A_2, %broadcast_in_dim3A_4 : vector<16xi1>, vector<16xf32>
        %add3A_344 = arith.addf %get3A_342, %select_n3A_343 : vector<16xf32>
        %swap3A_345 = arith.constant 80 : index
        %swap3A_346 = tpu.vector_load %arg6[%swap3A_345] {strides = array<i32>} : memref<144xf32, #tpu.memory_space<vmem>>, vector<16xf32>,
        %swap3A_347 = vector.shape_cast %swap3A_346 : vector<16xf32> to vector<16xf32>
        %swap3A_348 = vector.shape_cast %add3A_344 : vector<16xf32> to vector<16xf32>
        tpu.vector_store %arg6[%swap3A_345], %swap3A_348 {strides = array<i32>} : memref<144xf32, #tpu.memory_space<vmem>>, vector<16xf32>,
        %scan3A_349 = arith.constant 0 : i32
        scf.yield %scan3A_349 : i32
      }
      %scan3A_191 = arith.constant 128 : i32
      %get3A_192 = arith.constant 80 : index
      %get3A_193 = tpu.vector_load %arg6[%get3A_192] {strides = array<i32>} : memref<144xf32, #tpu.memory_space<vmem>>, vector<16xf32>,
      %get3A_194 = vector.shape_cast %get3A_193 : vector<16xf32> to vector<16xf32>
      %xor3A_195 = arith.constant 1 : i32
      %xor3A_196 = vector.broadcast %xor3A_195 : i32 to vector<16xi32>
      %xor3A_197 = arith.xori %iota3A, %xor3A_196 : vector<16xi32>
      %lt3A_198 = arith.constant 0 : i32
      %lt3A_199 = vector.broadcast %lt3A_198 : i32 to vector<16xi32>
      %lt3A_200 = arith.cmpi slt, %xor3A_197, %lt3A_199 : vector<16xi32>
      %add3A_201 = arith.constant 16 : i32
      %add3A_202 = vector.broadcast %add3A_201 : i32 to vector<16xi32>
      %add3A_203 = arith.addi %xor3A_197, %add3A_202 : vector<16xi32>
      %select_n3A_204 = arith.select %lt3A_200, %add3A_203, %xor3A_197 : vector<16xi1>, vector<16xi32>
      %broadcast_in_dim3A_205 = vector.shape_cast %select_n3A_204 : vector<16xi32> to vector<16x1xi32>
      %gather3A_206 = vector.shape_cast %broadcast_in_dim3A_205 : vector<16x1xi32> to vector<16xi32>
      %gather3A_207 = tpu.dynamic_gather %get3A_194[%gather3A_206] in [0] : vector<16xf32>, vector<16xi32> -> vector<16xf32>
      %add3A_208 = arith.addf %get3A_194, %gather3A_207 : vector<16xf32>
      %xor3A_209 = arith.constant 2 : i32
      %xor3A_210 = vector.broadcast %xor3A_209 : i32 to vector<16xi32>
      %xor3A_211 = arith.xori %iota3A, %xor3A_210 : vector<16xi32>
      %lt3A_212 = arith.constant 0 : i32
      %lt3A_213 = vector.broadcast %lt3A_212 : i32 to vector<16xi32>
      %lt3A_214 = arith.cmpi slt, %xor3A_211, %lt3A_213 : vector<16xi32>
      %add3A_215 = arith.constant 16 : i32
      %add3A_216 = vector.broadcast %add3A_215 : i32 to vector<16xi32>
      %add3A_217 = arith.addi %xor3A_211, %add3A_216 : vector<16xi32>
      %select_n3A_218 = arith.select %lt3A_214, %add3A_217, %xor3A_211 : vector<16xi1>, vector<16xi32>
      %broadcast_in_dim3A_219 = vector.shape_cast %select_n3A_218 : vector<16xi32> to vector<16x1xi32>
      %gather3A_220 = vector.shape_cast %broadcast_in_dim3A_219 : vector<16x1xi32> to vector<16xi32>
      %gather3A_221 = tpu.dynamic_gather %add3A_208[%gather3A_220] in [0] : vector<16xf32>, vector<16xi32> -> vector<16xf32>
      %add3A_222 = arith.addf %add3A_208, %gather3A_221 : vector<16xf32>
      %xor3A_223 = arith.constant 4 : i32
      %xor3A_224 = vector.broadcast %xor3A_223 : i32 to vector<16xi32>
      %xor3A_225 = arith.xori %iota3A, %xor3A_224 : vector<16xi32>
      %lt3A_226 = arith.constant 0 : i32
      %lt3A_227 = vector.broadcast %lt3A_226 : i32 to vector<16xi32>
      %lt3A_228 = arith.cmpi slt, %xor3A_225, %lt3A_227 : vector<16xi32>
      %add3A_229 = arith.constant 16 : i32
      %add3A_230 = vector.broadcast %add3A_229 : i32 to vector<16xi32>
      %add3A_231 = arith.addi %xor3A_225, %add3A_230 : vector<16xi32>
      %select_n3A_232 = arith.select %lt3A_228, %add3A_231, %xor3A_225 : vector<16xi1>, vector<16xi32>
      %broadcast_in_dim3A_233 = vector.shape_cast %select_n3A_232 : vector<16xi32> to vector<16x1xi32>
      %gather3A_234 = vector.shape_cast %broadcast_in_dim3A_233 : vector<16x1xi32> to vector<16xi32>
      %gather3A_235 = tpu.dynamic_gather %add3A_222[%gather3A_234] in [0] : vector<16xf32>, vector<16xi32> -> vector<16xf32>
      %add3A_236 = arith.addf %add3A_222, %gather3A_235 : vector<16xf32>
      %xor3A_237 = arith.constant 8 : i32
      %xor3A_238 = vector.broadcast %xor3A_237 : i32 to vector<16xi32>
      %xor3A_239 = arith.xori %iota3A, %xor3A_238 : vector<16xi32>
      %lt3A_240 = arith.constant 0 : i32
      %lt3A_241 = vector.broadcast %lt3A_240 : i32 to vector<16xi32>
      %lt3A_242 = arith.cmpi slt, %xor3A_239, %lt3A_241 : vector<16xi32>
      %add3A_243 = arith.constant 16 : i32
      %add3A_244 = vector.broadcast %add3A_243 : i32 to vector<16xi32>
      %add3A_245 = arith.addi %xor3A_239, %add3A_244 : vector<16xi32>
      %select_n3A_246 = arith.select %lt3A_242, %add3A_245, %xor3A_239 : vector<16xi1>, vector<16xi32>
      %broadcast_in_dim3A_247 = vector.shape_cast %select_n3A_246 : vector<16xi32> to vector<16x1xi32>
      %gather3A_248 = vector.shape_cast %broadcast_in_dim3A_247 : vector<16x1xi32> to vector<16xi32>
      %gather3A_249 = tpu.dynamic_gather %add3A_236[%gather3A_248] in [0] : vector<16xf32>, vector<16xi32> -> vector<16xf32>
      %add3A_250 = arith.addf %add3A_236, %gather3A_249 : vector<16xf32>
      %sub3A_251 = arith.subf %broadcast_in_dim3A_133, %add3A_250 : vector<16xf32>
      %swap3A_252 = arith.constant 112 : index
      %swap3A_253 = tpu.vector_load %arg6[%swap3A_252] {strides = array<i32>} : memref<144xf32, #tpu.memory_space<vmem>>, vector<16xf32>,
      %swap3A_254 = vector.shape_cast %swap3A_253 : vector<16xf32> to vector<16xf32>
      %swap3A_255 = vector.shape_cast %broadcast_in_dim3A_4 : vector<16xf32> to vector<16xf32>
      tpu.vector_store %arg6[%swap3A_252], %swap3A_255 {strides = array<i32>} : memref<144xf32, #tpu.memory_space<vmem>>, vector<16xf32>,
      %swap3A_256 = arith.constant 128 : index
      %swap3A_257 = tpu.vector_load %arg6[%swap3A_256] {strides = array<i32>} : memref<144xf32, #tpu.memory_space<vmem>>, vector<16xf32>,
      %swap3A_258 = vector.shape_cast %swap3A_257 : vector<16xf32> to vector<16xf32>
      %swap3A_259 = vector.shape_cast %broadcast_in_dim3A_4 : vector<16xf32> to vector<16xf32>
      tpu.vector_store %arg6[%swap3A_256], %swap3A_259 {strides = array<i32>} : memref<144xf32, #tpu.memory_space<vmem>>, vector<16xf32>,
      %scan3A_260 = arith.constant 0 : i32
      %scan3A_261 = arith.constant 0 : i32
      %scan3A_262 = arith.constant 128 : i32
      %scan3A_263 = arith.addi %scan3A_261, %scan3A_262 : i32
      %scan3A_264 = arith.constant 1 : i32
      %scan3A_265 = scf.for %scan3A_333 = %scan3A_261 to %scan3A_263 step %scan3A_264 iter_args(%scan3A_334 = %scan3A_260) -> (i32)  : i32 {
        %mul3A_335 = arith.constant 16 : i32
        %mul3A_336 = arith.muli %scan3A_333, %mul3A_335 : i32
        %get3A_337 = arith.index_cast %mul3A_336 : i32 to index
        %get3A_338 = tpu.vector_load %arg4[%get3A_337] {strides = array<i32>} : memref<2048xf32, #tpu.memory_space<vmem>>, vector<16xf32>,
        %get3A_339 = vector.shape_cast %get3A_338 : vector<16xf32> to vector<16xf32>
        %gt3A = arith.cmpf ogt, %get3A_339, %add3A_170 : vector<16xf32>
        %select_n3A_340 = arith.select %gt3A, %broadcast_in_dim3A_2, %broadcast_in_dim3A_4 : vector<16xi1>, vector<16xf32>
        %gt3A_341 = arith.cmpf ogt, %get3A_339, %add3A_180 : vector<16xf32>
        %select_n3A_342 = arith.select %gt3A_341, %broadcast_in_dim3A_2, %broadcast_in_dim3A_4 : vector<16xi1>, vector<16xf32>
        %sub3A_343 = arith.subf %broadcast_in_dim3A_2, %select_n3A_340 : vector<16xf32>
        %mul3A_344 = arith.mulf %select_n3A_342, %sub3A_343 : vector<16xf32>
        %sub3A_345 = arith.constant 1 : i32
        %sub3A_346 = vector.broadcast %sub3A_345 : i32 to vector<16xi32>
        %sub3A_347 = arith.subi %iota3A, %sub3A_346 : vector<16xi32>
        %max3A_348 = arith.constant 0 : i32
        %max3A_349 = vector.broadcast %max3A_348 : i32 to vector<16xi32>
        %max3A_350 = arith.maxsi %sub3A_347, %max3A_349 : vector<16xi32>
        %lt3A_351 = arith.constant 0 : i32
        %lt3A_352 = vector.broadcast %lt3A_351 : i32 to vector<16xi32>
        %lt3A_353 = arith.cmpi slt, %max3A_350, %lt3A_352 : vector<16xi32>
        %add3A_354 = arith.constant 16 : i32
        %add3A_355 = vector.broadcast %add3A_354 : i32 to vector<16xi32>
        %add3A_356 = arith.addi %max3A_350, %add3A_355 : vector<16xi32>
        %select_n3A_357 = arith.select %lt3A_353, %add3A_356, %max3A_350 : vector<16xi1>, vector<16xi32>
        %broadcast_in_dim3A_358 = vector.shape_cast %select_n3A_357 : vector<16xi32> to vector<16x1xi32>
        %gather3A_359 = vector.shape_cast %broadcast_in_dim3A_358 : vector<16x1xi32> to vector<16xi32>
        %gather3A_360 = tpu.dynamic_gather %mul3A_344[%gather3A_359] in [0] : vector<16xf32>, vector<16xi32> -> vector<16xf32>
        %ge3A = arith.constant 1 : i32
        %ge3A_361 = vector.broadcast %ge3A : i32 to vector<16xi32>
        %ge3A_362 = arith.cmpi sge, %iota3A, %ge3A_361 : vector<16xi32>
        %select_n3A_363 = arith.select %ge3A_362, %gather3A_360, %broadcast_in_dim3A_4 : vector<16xi1>, vector<16xf32>
        %add3A_364 = arith.addf %mul3A_344, %select_n3A_363 : vector<16xf32>
        %sub3A_365 = arith.constant 2 : i32
        %sub3A_366 = vector.broadcast %sub3A_365 : i32 to vector<16xi32>
        %sub3A_367 = arith.subi %iota3A, %sub3A_366 : vector<16xi32>
        %max3A_368 = arith.constant 0 : i32
        %max3A_369 = vector.broadcast %max3A_368 : i32 to vector<16xi32>
        %max3A_370 = arith.maxsi %sub3A_367, %max3A_369 : vector<16xi32>
        %lt3A_371 = arith.constant 0 : i32
        %lt3A_372 = vector.broadcast %lt3A_371 : i32 to vector<16xi32>
        %lt3A_373 = arith.cmpi slt, %max3A_370, %lt3A_372 : vector<16xi32>
        %add3A_374 = arith.constant 16 : i32
        %add3A_375 = vector.broadcast %add3A_374 : i32 to vector<16xi32>
        %add3A_376 = arith.addi %max3A_370, %add3A_375 : vector<16xi32>
        %select_n3A_377 = arith.select %lt3A_373, %add3A_376, %max3A_370 : vector<16xi1>, vector<16xi32>
        %broadcast_in_dim3A_378 = vector.shape_cast %select_n3A_377 : vector<16xi32> to vector<16x1xi32>
        %gather3A_379 = vector.shape_cast %broadcast_in_dim3A_378 : vector<16x1xi32> to vector<16xi32>
        %gather3A_380 = tpu.dynamic_gather %add3A_364[%gather3A_379] in [0] : vector<16xf32>, vector<16xi32> -> vector<16xf32>
        %ge3A_381 = arith.constant 2 : i32
        %ge3A_382 = vector.broadcast %ge3A_381 : i32 to vector<16xi32>
        %ge3A_383 = arith.cmpi sge, %iota3A, %ge3A_382 : vector<16xi32>
        %select_n3A_384 = arith.select %ge3A_383, %gather3A_380, %broadcast_in_dim3A_4 : vector<16xi1>, vector<16xf32>
        %add3A_385 = arith.addf %add3A_364, %select_n3A_384 : vector<16xf32>
        %sub3A_386 = arith.constant 4 : i32
        %sub3A_387 = vector.broadcast %sub3A_386 : i32 to vector<16xi32>
        %sub3A_388 = arith.subi %iota3A, %sub3A_387 : vector<16xi32>
        %max3A_389 = arith.constant 0 : i32
        %max3A_390 = vector.broadcast %max3A_389 : i32 to vector<16xi32>
        %max3A_391 = arith.maxsi %sub3A_388, %max3A_390 : vector<16xi32>
        %lt3A_392 = arith.constant 0 : i32
        %lt3A_393 = vector.broadcast %lt3A_392 : i32 to vector<16xi32>
        %lt3A_394 = arith.cmpi slt, %max3A_391, %lt3A_393 : vector<16xi32>
        %add3A_395 = arith.constant 16 : i32
        %add3A_396 = vector.broadcast %add3A_395 : i32 to vector<16xi32>
        %add3A_397 = arith.addi %max3A_391, %add3A_396 : vector<16xi32>
        %select_n3A_398 = arith.select %lt3A_394, %add3A_397, %max3A_391 : vector<16xi1>, vector<16xi32>
        %broadcast_in_dim3A_399 = vector.shape_cast %select_n3A_398 : vector<16xi32> to vector<16x1xi32>
        %gather3A_400 = vector.shape_cast %broadcast_in_dim3A_399 : vector<16x1xi32> to vector<16xi32>
        %gather3A_401 = tpu.dynamic_gather %add3A_385[%gather3A_400] in [0] : vector<16xf32>, vector<16xi32> -> vector<16xf32>
        %ge3A_402 = arith.constant 4 : i32
        %ge3A_403 = vector.broadcast %ge3A_402 : i32 to vector<16xi32>
        %ge3A_404 = arith.cmpi sge, %iota3A, %ge3A_403 : vector<16xi32>
        %select_n3A_405 = arith.select %ge3A_404, %gather3A_401, %broadcast_in_dim3A_4 : vector<16xi1>, vector<16xf32>
        %add3A_406 = arith.addf %add3A_385, %select_n3A_405 : vector<16xf32>
        %sub3A_407 = arith.constant 8 : i32
        %sub3A_408 = vector.broadcast %sub3A_407 : i32 to vector<16xi32>
        %sub3A_409 = arith.subi %iota3A, %sub3A_408 : vector<16xi32>
        %max3A_410 = arith.constant 0 : i32
        %max3A_411 = vector.broadcast %max3A_410 : i32 to vector<16xi32>
        %max3A_412 = arith.maxsi %sub3A_409, %max3A_411 : vector<16xi32>
        %lt3A_413 = arith.constant 0 : i32
        %lt3A_414 = vector.broadcast %lt3A_413 : i32 to vector<16xi32>
        %lt3A_415 = arith.cmpi slt, %max3A_412, %lt3A_414 : vector<16xi32>
        %add3A_416 = arith.constant 16 : i32
        %add3A_417 = vector.broadcast %add3A_416 : i32 to vector<16xi32>
        %add3A_418 = arith.addi %max3A_412, %add3A_417 : vector<16xi32>
        %select_n3A_419 = arith.select %lt3A_415, %add3A_418, %max3A_412 : vector<16xi1>, vector<16xi32>
        %broadcast_in_dim3A_420 = vector.shape_cast %select_n3A_419 : vector<16xi32> to vector<16x1xi32>
        %gather3A_421 = vector.shape_cast %broadcast_in_dim3A_420 : vector<16x1xi32> to vector<16xi32>
        %gather3A_422 = tpu.dynamic_gather %add3A_406[%gather3A_421] in [0] : vector<16xf32>, vector<16xi32> -> vector<16xf32>
        %ge3A_423 = arith.constant 8 : i32
        %ge3A_424 = vector.broadcast %ge3A_423 : i32 to vector<16xi32>
        %ge3A_425 = arith.cmpi sge, %iota3A, %ge3A_424 : vector<16xi32>
        %select_n3A_426 = arith.select %ge3A_425, %gather3A_422, %broadcast_in_dim3A_4 : vector<16xi1>, vector<16xf32>
        %add3A_427 = arith.addf %add3A_406, %select_n3A_426 : vector<16xf32>
        %get3A_428 = arith.constant 128 : index
        %get3A_429 = tpu.vector_load %arg6[%get3A_428] {strides = array<i32>} : memref<144xf32, #tpu.memory_space<vmem>>, vector<16xf32>,
        %get3A_430 = vector.shape_cast %get3A_429 : vector<16xf32> to vector<16xf32>
        %add3A_431 = arith.addf %add3A_427, %get3A_430 : vector<16xf32>
        %le3A = arith.cmpf ole, %add3A_431, %sub3A_251 : vector<16xf32>
        %select_n3A_432 = arith.select %le3A, %broadcast_in_dim3A_2, %broadcast_in_dim3A_4 : vector<16xi1>, vector<16xf32>
        %mul3A_433 = arith.mulf %mul3A_344, %select_n3A_432 : vector<16xf32>
        %add3A_434 = arith.addf %select_n3A_340, %mul3A_433 : vector<16xf32>
        %sub3A_435 = arith.subf %get3A_339, %max3A_73 : vector<16xf32>
        %exp3A = math.exp %sub3A_435 : vector<16xf32>
        %mul3A_436 = arith.mulf %add3A_434, %exp3A : vector<16xf32>
        %mul3A_437 = arith.constant 16 : i32
        %mul3A_438 = arith.muli %scan3A_333, %mul3A_437 : i32
        %swap3A_439 = arith.index_cast %mul3A_438 : i32 to index
        %swap3A_440 = tpu.vector_load %arg5[%swap3A_439] {strides = array<i32>} : memref<2048xf32, #tpu.memory_space<vmem>>, vector<16xf32>,
        %swap3A_441 = vector.shape_cast %swap3A_440 : vector<16xf32> to vector<16xf32>
        %swap3A_442 = vector.shape_cast %mul3A_436 : vector<16xf32> to vector<16xf32>
        tpu.vector_store %arg5[%swap3A_439], %swap3A_442 {strides = array<i32>} : memref<2048xf32, #tpu.memory_space<vmem>>, vector<16xf32>,
        %get3A_443 = arith.constant 112 : index
        %get3A_444 = tpu.vector_load %arg6[%get3A_443] {strides = array<i32>} : memref<144xf32, #tpu.memory_space<vmem>>, vector<16xf32>,
        %get3A_445 = vector.shape_cast %get3A_444 : vector<16xf32> to vector<16xf32>
        %add3A_446 = arith.addf %get3A_445, %mul3A_436 : vector<16xf32>
        %swap3A_447 = arith.constant 112 : index
        %swap3A_448 = tpu.vector_load %arg6[%swap3A_447] {strides = array<i32>} : memref<144xf32, #tpu.memory_space<vmem>>, vector<16xf32>,
        %swap3A_449 = vector.shape_cast %swap3A_448 : vector<16xf32> to vector<16xf32>
        %swap3A_450 = vector.shape_cast %add3A_446 : vector<16xf32> to vector<16xf32>
        tpu.vector_store %arg6[%swap3A_447], %swap3A_450 {strides = array<i32>} : memref<144xf32, #tpu.memory_space<vmem>>, vector<16xf32>,
        %get3A_451 = arith.constant 128 : index
        %get3A_452 = tpu.vector_load %arg6[%get3A_451] {strides = array<i32>} : memref<144xf32, #tpu.memory_space<vmem>>, vector<16xf32>,
        %get3A_453 = vector.shape_cast %get3A_452 : vector<16xf32> to vector<16xf32>
        %xor3A_454 = arith.constant 1 : i32
        %xor3A_455 = vector.broadcast %xor3A_454 : i32 to vector<16xi32>
        %xor3A_456 = arith.xori %iota3A, %xor3A_455 : vector<16xi32>
        %lt3A_457 = arith.constant 0 : i32
        %lt3A_458 = vector.broadcast %lt3A_457 : i32 to vector<16xi32>
        %lt3A_459 = arith.cmpi slt, %xor3A_456, %lt3A_458 : vector<16xi32>
        %add3A_460 = arith.constant 16 : i32
        %add3A_461 = vector.broadcast %add3A_460 : i32 to vector<16xi32>
        %add3A_462 = arith.addi %xor3A_456, %add3A_461 : vector<16xi32>
        %select_n3A_463 = arith.select %lt3A_459, %add3A_462, %xor3A_456 : vector<16xi1>, vector<16xi32>
        %broadcast_in_dim3A_464 = vector.shape_cast %select_n3A_463 : vector<16xi32> to vector<16x1xi32>
        %gather3A_465 = vector.shape_cast %broadcast_in_dim3A_464 : vector<16x1xi32> to vector<16xi32>
        %gather3A_466 = tpu.dynamic_gather %mul3A_344[%gather3A_465] in [0] : vector<16xf32>, vector<16xi32> -> vector<16xf32>
        %add3A_467 = arith.addf %mul3A_344, %gather3A_466 : vector<16xf32>
        %xor3A_468 = arith.constant 2 : i32
        %xor3A_469 = vector.broadcast %xor3A_468 : i32 to vector<16xi32>
        %xor3A_470 = arith.xori %iota3A, %xor3A_469 : vector<16xi32>
        %lt3A_471 = arith.constant 0 : i32
        %lt3A_472 = vector.broadcast %lt3A_471 : i32 to vector<16xi32>
        %lt3A_473 = arith.cmpi slt, %xor3A_470, %lt3A_472 : vector<16xi32>
        %add3A_474 = arith.constant 16 : i32
        %add3A_475 = vector.broadcast %add3A_474 : i32 to vector<16xi32>
        %add3A_476 = arith.addi %xor3A_470, %add3A_475 : vector<16xi32>
        %select_n3A_477 = arith.select %lt3A_473, %add3A_476, %xor3A_470 : vector<16xi1>, vector<16xi32>
        %broadcast_in_dim3A_478 = vector.shape_cast %select_n3A_477 : vector<16xi32> to vector<16x1xi32>
        %gather3A_479 = vector.shape_cast %broadcast_in_dim3A_478 : vector<16x1xi32> to vector<16xi32>
        %gather3A_480 = tpu.dynamic_gather %add3A_467[%gather3A_479] in [0] : vector<16xf32>, vector<16xi32> -> vector<16xf32>
        %add3A_481 = arith.addf %add3A_467, %gather3A_480 : vector<16xf32>
        %xor3A_482 = arith.constant 4 : i32
        %xor3A_483 = vector.broadcast %xor3A_482 : i32 to vector<16xi32>
        %xor3A_484 = arith.xori %iota3A, %xor3A_483 : vector<16xi32>
        %lt3A_485 = arith.constant 0 : i32
        %lt3A_486 = vector.broadcast %lt3A_485 : i32 to vector<16xi32>
        %lt3A_487 = arith.cmpi slt, %xor3A_484, %lt3A_486 : vector<16xi32>
        %add3A_488 = arith.constant 16 : i32
        %add3A_489 = vector.broadcast %add3A_488 : i32 to vector<16xi32>
        %add3A_490 = arith.addi %xor3A_484, %add3A_489 : vector<16xi32>
        %select_n3A_491 = arith.select %lt3A_487, %add3A_490, %xor3A_484 : vector<16xi1>, vector<16xi32>
        %broadcast_in_dim3A_492 = vector.shape_cast %select_n3A_491 : vector<16xi32> to vector<16x1xi32>
        %gather3A_493 = vector.shape_cast %broadcast_in_dim3A_492 : vector<16x1xi32> to vector<16xi32>
        %gather3A_494 = tpu.dynamic_gather %add3A_481[%gather3A_493] in [0] : vector<16xf32>, vector<16xi32> -> vector<16xf32>
        %add3A_495 = arith.addf %add3A_481, %gather3A_494 : vector<16xf32>
        %xor3A_496 = arith.constant 8 : i32
        %xor3A_497 = vector.broadcast %xor3A_496 : i32 to vector<16xi32>
        %xor3A_498 = arith.xori %iota3A, %xor3A_497 : vector<16xi32>
        %lt3A_499 = arith.constant 0 : i32
        %lt3A_500 = vector.broadcast %lt3A_499 : i32 to vector<16xi32>
        %lt3A_501 = arith.cmpi slt, %xor3A_498, %lt3A_500 : vector<16xi32>
        %add3A_502 = arith.constant 16 : i32
        %add3A_503 = vector.broadcast %add3A_502 : i32 to vector<16xi32>
        %add3A_504 = arith.addi %xor3A_498, %add3A_503 : vector<16xi32>
        %select_n3A_505 = arith.select %lt3A_501, %add3A_504, %xor3A_498 : vector<16xi1>, vector<16xi32>
        %broadcast_in_dim3A_506 = vector.shape_cast %select_n3A_505 : vector<16xi32> to vector<16x1xi32>
        %gather3A_507 = vector.shape_cast %broadcast_in_dim3A_506 : vector<16x1xi32> to vector<16xi32>
        %gather3A_508 = tpu.dynamic_gather %add3A_495[%gather3A_507] in [0] : vector<16xf32>, vector<16xi32> -> vector<16xf32>
        %add3A_509 = arith.addf %add3A_495, %gather3A_508 : vector<16xf32>
        %add3A_510 = arith.addf %get3A_453, %add3A_509 : vector<16xf32>
        %swap3A_511 = arith.constant 128 : index
        %swap3A_512 = tpu.vector_load %arg6[%swap3A_511] {strides = array<i32>} : memref<144xf32, #tpu.memory_space<vmem>>, vector<16xf32>,
        %swap3A_513 = vector.shape_cast %swap3A_512 : vector<16xf32> to vector<16xf32>
        %swap3A_514 = vector.shape_cast %add3A_510 : vector<16xf32> to vector<16xf32>
        tpu.vector_store %arg6[%swap3A_511], %swap3A_514 {strides = array<i32>} : memref<144xf32, #tpu.memory_space<vmem>>, vector<16xf32>,
        %scan3A_515 = arith.constant 0 : i32
        scf.yield %scan3A_515 : i32
      }
      %scan3A_266 = arith.constant 128 : i32
      %get3A_267 = arith.constant 112 : index
      %get3A_268 = tpu.vector_load %arg6[%get3A_267] {strides = array<i32>} : memref<144xf32, #tpu.memory_space<vmem>>, vector<16xf32>,
      %get3A_269 = vector.shape_cast %get3A_268 : vector<16xf32> to vector<16xf32>
      %xor3A_270 = arith.constant 1 : i32
      %xor3A_271 = vector.broadcast %xor3A_270 : i32 to vector<16xi32>
      %xor3A_272 = arith.xori %iota3A, %xor3A_271 : vector<16xi32>
      %lt3A_273 = arith.constant 0 : i32
      %lt3A_274 = vector.broadcast %lt3A_273 : i32 to vector<16xi32>
      %lt3A_275 = arith.cmpi slt, %xor3A_272, %lt3A_274 : vector<16xi32>
      %add3A_276 = arith.constant 16 : i32
      %add3A_277 = vector.broadcast %add3A_276 : i32 to vector<16xi32>
      %add3A_278 = arith.addi %xor3A_272, %add3A_277 : vector<16xi32>
      %select_n3A_279 = arith.select %lt3A_275, %add3A_278, %xor3A_272 : vector<16xi1>, vector<16xi32>
      %broadcast_in_dim3A_280 = vector.shape_cast %select_n3A_279 : vector<16xi32> to vector<16x1xi32>
      %gather3A_281 = vector.shape_cast %broadcast_in_dim3A_280 : vector<16x1xi32> to vector<16xi32>
      %gather3A_282 = tpu.dynamic_gather %get3A_269[%gather3A_281] in [0] : vector<16xf32>, vector<16xi32> -> vector<16xf32>
      %add3A_283 = arith.addf %get3A_269, %gather3A_282 : vector<16xf32>
      %xor3A_284 = arith.constant 2 : i32
      %xor3A_285 = vector.broadcast %xor3A_284 : i32 to vector<16xi32>
      %xor3A_286 = arith.xori %iota3A, %xor3A_285 : vector<16xi32>
      %lt3A_287 = arith.constant 0 : i32
      %lt3A_288 = vector.broadcast %lt3A_287 : i32 to vector<16xi32>
      %lt3A_289 = arith.cmpi slt, %xor3A_286, %lt3A_288 : vector<16xi32>
      %add3A_290 = arith.constant 16 : i32
      %add3A_291 = vector.broadcast %add3A_290 : i32 to vector<16xi32>
      %add3A_292 = arith.addi %xor3A_286, %add3A_291 : vector<16xi32>
      %select_n3A_293 = arith.select %lt3A_289, %add3A_292, %xor3A_286 : vector<16xi1>, vector<16xi32>
      %broadcast_in_dim3A_294 = vector.shape_cast %select_n3A_293 : vector<16xi32> to vector<16x1xi32>
      %gather3A_295 = vector.shape_cast %broadcast_in_dim3A_294 : vector<16x1xi32> to vector<16xi32>
      %gather3A_296 = tpu.dynamic_gather %add3A_283[%gather3A_295] in [0] : vector<16xf32>, vector<16xi32> -> vector<16xf32>
      %add3A_297 = arith.addf %add3A_283, %gather3A_296 : vector<16xf32>
      %xor3A_298 = arith.constant 4 : i32
      %xor3A_299 = vector.broadcast %xor3A_298 : i32 to vector<16xi32>
      %xor3A_300 = arith.xori %iota3A, %xor3A_299 : vector<16xi32>
      %lt3A_301 = arith.constant 0 : i32
      %lt3A_302 = vector.broadcast %lt3A_301 : i32 to vector<16xi32>
      %lt3A_303 = arith.cmpi slt, %xor3A_300, %lt3A_302 : vector<16xi32>
      %add3A_304 = arith.constant 16 : i32
      %add3A_305 = vector.broadcast %add3A_304 : i32 to vector<16xi32>
      %add3A_306 = arith.addi %xor3A_300, %add3A_305 : vector<16xi32>
      %select_n3A_307 = arith.select %lt3A_303, %add3A_306, %xor3A_300 : vector<16xi1>, vector<16xi32>
      %broadcast_in_dim3A_308 = vector.shape_cast %select_n3A_307 : vector<16xi32> to vector<16x1xi32>
      %gather3A_309 = vector.shape_cast %broadcast_in_dim3A_308 : vector<16x1xi32> to vector<16xi32>
      %gather3A_310 = tpu.dynamic_gather %add3A_297[%gather3A_309] in [0] : vector<16xf32>, vector<16xi32> -> vector<16xf32>
      %add3A_311 = arith.addf %add3A_297, %gather3A_310 : vector<16xf32>
      %xor3A_312 = arith.constant 8 : i32
      %xor3A_313 = vector.broadcast %xor3A_312 : i32 to vector<16xi32>
      %xor3A_314 = arith.xori %iota3A, %xor3A_313 : vector<16xi32>
      %lt3A_315 = arith.constant 0 : i32
      %lt3A_316 = vector.broadcast %lt3A_315 : i32 to vector<16xi32>
      %lt3A_317 = arith.cmpi slt, %xor3A_314, %lt3A_316 : vector<16xi32>
      %add3A_318 = arith.constant 16 : i32
      %add3A_319 = vector.broadcast %add3A_318 : i32 to vector<16xi32>
      %add3A_320 = arith.addi %xor3A_314, %add3A_319 : vector<16xi32>
      %select_n3A_321 = arith.select %lt3A_317, %add3A_320, %xor3A_314 : vector<16xi1>, vector<16xi32>
      %broadcast_in_dim3A_322 = vector.shape_cast %select_n3A_321 : vector<16xi32> to vector<16x1xi32>
      %gather3A_323 = vector.shape_cast %broadcast_in_dim3A_322 : vector<16x1xi32> to vector<16xi32>
      %gather3A_324 = tpu.dynamic_gather %add3A_311[%gather3A_323] in [0] : vector<16xf32>, vector<16xi32> -> vector<16xf32>
      %add3A_325 = arith.addf %add3A_311, %gather3A_324 : vector<16xf32>
      %scan3A_326 = arith.constant 0 : i32
      %scan3A_327 = arith.constant 0 : i32
      %scan3A_328 = arith.constant 128 : i32
      %scan3A_329 = arith.addi %scan3A_327, %scan3A_328 : i32
      %scan3A_330 = arith.constant 1 : i32
      %scan3A_331 = scf.for %scan3A_333 = %scan3A_327 to %scan3A_329 step %scan3A_330 iter_args(%scan3A_334 = %scan3A_326) -> (i32)  : i32 {
        %mul3A_335 = arith.constant 16 : i32
        %mul3A_336 = arith.muli %scan3A_333, %mul3A_335 : i32
        %get3A_337 = arith.index_cast %mul3A_336 : i32 to index
        %get3A_338 = tpu.vector_load %arg5[%get3A_337] {strides = array<i32>} : memref<2048xf32, #tpu.memory_space<vmem>>, vector<16xf32>,
        %get3A_339 = vector.shape_cast %get3A_338 : vector<16xf32> to vector<16xf32>
        %div3A = arith.divf %get3A_339, %add3A_325 : vector<16xf32>
        %mul3A_340 = arith.constant 16 : i32
        %mul3A_341 = arith.muli %scan3A_333, %mul3A_340 : i32
        %swap3A_342 = arith.index_cast %mul3A_341 : i32 to index
        %swap3A_343 = tpu.vector_load %arg5[%swap3A_342] {strides = array<i32>} : memref<2048xf32, #tpu.memory_space<vmem>>, vector<16xf32>,
        %swap3A_344 = vector.shape_cast %swap3A_343 : vector<16xf32> to vector<16xf32>
        %swap3A_345 = vector.shape_cast %div3A : vector<16xf32> to vector<16xf32>
        tpu.vector_store %arg5[%swap3A_342], %swap3A_345 {strides = array<i32>} : memref<2048xf32, #tpu.memory_space<vmem>>, vector<16xf32>,
        %scan3A_346 = arith.constant 0 : i32
        scf.yield %scan3A_346 : i32
      }
      %scan3A_332 = arith.constant 128 : i32
      "tpu.region"() ({
        %run_scoped3A = tpu.sem_alloc : memref<!tpu.dma_semaphore, #tpu.memory_space<semaphore_mem>>
        %dma_start3A = arith.constant 0 : i32
        %dma_start3A_333 = tpu.memref_slice %arg3[%arg0, %dma_start3A] : memref<2x2048xf32, #tpu.memory_space<hbm>> -> memref<1x2048xf32, #tpu.memory_space<hbm>>
        %dma_start3A_334 = tpu.memref_squeeze %dma_start3A_333 : memref<1x2048xf32, #tpu.memory_space<hbm>> -> memref<2048xf32, #tpu.memory_space<hbm>>
        %dma_start3A_335 = arith.constant 0 : i32
        %dma_start3A_336 = tpu.memref_slice %arg3[%arg0, %dma_start3A_335] : memref<2x2048xf32, #tpu.memory_space<hbm>> -> memref<1x2048xf32, #tpu.memory_space<hbm>>
        %dma_start3A_337 = tpu.memref_squeeze %dma_start3A_336 : memref<1x2048xf32, #tpu.memory_space<hbm>> -> memref<2048xf32, #tpu.memory_space<hbm>>
        tpu.enqueue_dma source(%arg5 : memref<2048xf32, #tpu.memory_space<vmem>>) target(%dma_start3A_337 : memref<2048xf32, #tpu.memory_space<hbm>>) target_semaphore(%run_scoped3A : memref<!tpu.dma_semaphore, #tpu.memory_space<semaphore_mem>>)
        %dma_wait3A = arith.constant 0 : i32
        %dma_wait3A_338 = tpu.memref_slice %arg3[%arg0, %dma_wait3A] : memref<2x2048xf32, #tpu.memory_space<hbm>> -> memref<1x2048xf32, #tpu.memory_space<hbm>>
        %dma_wait3A_339 = tpu.memref_squeeze %dma_wait3A_338 : memref<1x2048xf32, #tpu.memory_space<hbm>> -> memref<2048xf32, #tpu.memory_space<hbm>>
        %dma_wait3A_340 = arith.constant 0 : i32
        %dma_wait3A_341 = tpu.memref_slice %arg3[%arg0, %dma_wait3A_340] : memref<2x2048xf32, #tpu.memory_space<hbm>> -> memref<1x2048xf32, #tpu.memory_space<hbm>>
        %dma_wait3A_342 = tpu.memref_squeeze %dma_wait3A_341 : memref<1x2048xf32, #tpu.memory_space<hbm>> -> memref<2048xf32, #tpu.memory_space<hbm>>
        tpu.wait_dma2 semaphore(%run_scoped3A : memref<!tpu.dma_semaphore, #tpu.memory_space<semaphore_mem>>) src(%arg5 : memref<2048xf32, #tpu.memory_space<vmem>>) dst(%dma_wait3A_342 : memref<2048xf32, #tpu.memory_space<hbm>>)
        tpu.yield
      }) : () -> ()
    } else {
    }
    return
  }
}

module attributes {stable_mosaic.version = 14 : i64} {
  func.func @_qkv_kernel(%arg0: i32, %arg1: i32, %arg2: memref<1x512x768xf32, #tpu.memory_space<vmem>>, %arg3: memref<768x768xf32, #tpu.memory_space<vmem>>, %arg4: memref<1x768xf32, #tpu.memory_space<vmem>>, %arg5: memref<768x768xf32, #tpu.memory_space<vmem>>, %arg6: memref<1x768xf32, #tpu.memory_space<vmem>>, %arg7: memref<768x768xf32, #tpu.memory_space<vmem>>, %arg8: memref<1x768xf32, #tpu.memory_space<vmem>>, %arg9: memref<1x512x768xf32, #tpu.memory_space<vmem>>, %arg10: memref<1x512x768xf32, #tpu.memory_space<vmem>>, %arg11: memref<1x512x768xf32, #tpu.memory_space<vmem>>) attributes {dimension_semantics = [#tpu.dimension_semantics<parallel>, #tpu.dimension_semantics<parallel>], iteration_bounds = array<i64: 2, 4>, scalar_prefetch = 0 : i64, scratch_operands = 0 : i64, tpu.core_type = #tpu.core_type<tc>, window_params = [{transform_indices = @transform_0, window_bounds = array<i64: 1, 512, 768>}, {pipeline_mode = #tpu.pipeline_mode<synchronous>, transform_indices = @transform_1, window_bounds = array<i64: 768, 768>}, {pipeline_mode = #tpu.pipeline_mode<synchronous>, transform_indices = @transform_2, window_bounds = array<i64: 1, 768>}, {pipeline_mode = #tpu.pipeline_mode<synchronous>, transform_indices = @transform_3, window_bounds = array<i64: 768, 768>}, {pipeline_mode = #tpu.pipeline_mode<synchronous>, transform_indices = @transform_4, window_bounds = array<i64: 1, 768>}, {pipeline_mode = #tpu.pipeline_mode<synchronous>, transform_indices = @transform_5, window_bounds = array<i64: 768, 768>}, {pipeline_mode = #tpu.pipeline_mode<synchronous>, transform_indices = @transform_6, window_bounds = array<i64: 1, 768>}, {transform_indices = @transform_7, window_bounds = array<i64: 1, 512, 768>}, {transform_indices = @transform_8, window_bounds = array<i64: 1, 512, 768>}, {transform_indices = @transform_9, window_bounds = array<i64: 1, 512, 768>}]} {
    %get3A = arith.constant 0 : index
    %get3A_0 = arith.constant 0 : index
    %get3A_1 = arith.constant 0 : index
    %get3A_2 = vector.load %arg2[%get3A, %get3A_0, %get3A_1] : memref<1x512x768xf32, #tpu.memory_space<vmem>>, vector<1x512x768xf32>
    %get3A_3 = vector.shape_cast %get3A_2 : vector<1x512x768xf32> to vector<512x768xf32>
    %get3A_4 = arith.constant 0 : index
    %get3A_5 = arith.constant 0 : index
    %get3A_6 = vector.load %arg3[%get3A_4, %get3A_5] : memref<768x768xf32, #tpu.memory_space<vmem>>, vector<768x768xf32>
    %convert_element_type3A = arith.truncf %get3A_3 : vector<512x768xf32> to vector<512x768xbf16>
    %convert_element_type3A_7 = arith.extf %convert_element_type3A : vector<512x768xbf16> to vector<512x768xf32>
    %sub3A = arith.subf %get3A_3, %convert_element_type3A_7 : vector<512x768xf32>
    %convert_element_type3A_8 = arith.truncf %sub3A : vector<512x768xf32> to vector<512x768xbf16>
    %convert_element_type3A_9 = arith.truncf %get3A_6 : vector<768x768xf32> to vector<768x768xbf16>
    %convert_element_type3A_10 = arith.extf %convert_element_type3A_9 : vector<768x768xbf16> to vector<768x768xf32>
    %sub3A_11 = arith.subf %get3A_6, %convert_element_type3A_10 : vector<768x768xf32>
    %convert_element_type3A_12 = arith.truncf %sub3A_11 : vector<768x768xf32> to vector<768x768xbf16>
    %dot_general3A = arith.constant dense<0.000000e+00> : vector<512x768xf32>
    %dot_general3A_13 = tpu.matmul %convert_element_type3A, %convert_element_type3A_9, %dot_general3A {dimension_numbers = #tpu.dot_dimension_numbers<[1], [0], [0], [1], [0, 0, 1, 1], [], []>, transpose_lhs_hint = false} : vector<512x768xbf16>, vector<768x768xbf16>, vector<512x768xf32> -> vector<512x768xf32>
    %dot_general3A_14 = arith.constant dense<0.000000e+00> : vector<512x768xf32>
    %dot_general3A_15 = tpu.matmul %convert_element_type3A_8, %convert_element_type3A_9, %dot_general3A_14 {dimension_numbers = #tpu.dot_dimension_numbers<[1], [0], [0], [1], [0, 0, 1, 1], [], []>, transpose_lhs_hint = false} : vector<512x768xbf16>, vector<768x768xbf16>, vector<512x768xf32> -> vector<512x768xf32>
    %add3A = arith.addf %dot_general3A_13, %dot_general3A_15 : vector<512x768xf32>
    %dot_general3A_16 = arith.constant dense<0.000000e+00> : vector<512x768xf32>
    %dot_general3A_17 = tpu.matmul %convert_element_type3A, %convert_element_type3A_12, %dot_general3A_16 {dimension_numbers = #tpu.dot_dimension_numbers<[1], [0], [0], [1], [0, 0, 1, 1], [], []>, transpose_lhs_hint = false} : vector<512x768xbf16>, vector<768x768xbf16>, vector<512x768xf32> -> vector<512x768xf32>
    %add3A_18 = arith.addf %add3A, %dot_general3A_17 : vector<512x768xf32>
    %get3A_19 = arith.constant 0 : index
    %get3A_20 = arith.constant 0 : index
    %get3A_21 = vector.load %arg4[%get3A_19, %get3A_20] : memref<1x768xf32, #tpu.memory_space<vmem>>, vector<1x768xf32>
    %add3A_22 = vector.broadcast %get3A_21 : vector<1x768xf32> to vector<512x768xf32>
    %add3A_23 = arith.addf %add3A_18, %add3A_22 : vector<512x768xf32>
    %swap3A = arith.constant 0 : index
    %swap3A_24 = arith.constant 0 : index
    %swap3A_25 = arith.constant 0 : index
    %swap3A_26 = vector.load %arg9[%swap3A, %swap3A_24, %swap3A_25] : memref<1x512x768xf32, #tpu.memory_space<vmem>>, vector<1x512x768xf32>
    %swap3A_27 = vector.shape_cast %swap3A_26 : vector<1x512x768xf32> to vector<512x768xf32>
    %swap3A_28 = vector.shape_cast %add3A_23 : vector<512x768xf32> to vector<1x512x768xf32>
    tpu.vector_store %arg9[%swap3A, %swap3A_24, %swap3A_25], %swap3A_28 {strides = array<i32>} : memref<1x512x768xf32, #tpu.memory_space<vmem>>, vector<1x512x768xf32>,
    %get3A_29 = arith.constant 0 : index
    %get3A_30 = arith.constant 0 : index
    %get3A_31 = vector.load %arg5[%get3A_29, %get3A_30] : memref<768x768xf32, #tpu.memory_space<vmem>>, vector<768x768xf32>
    %convert_element_type3A_32 = arith.truncf %get3A_3 : vector<512x768xf32> to vector<512x768xbf16>
    %convert_element_type3A_33 = arith.extf %convert_element_type3A_32 : vector<512x768xbf16> to vector<512x768xf32>
    %sub3A_34 = arith.subf %get3A_3, %convert_element_type3A_33 : vector<512x768xf32>
    %convert_element_type3A_35 = arith.truncf %sub3A_34 : vector<512x768xf32> to vector<512x768xbf16>
    %convert_element_type3A_36 = arith.truncf %get3A_31 : vector<768x768xf32> to vector<768x768xbf16>
    %convert_element_type3A_37 = arith.extf %convert_element_type3A_36 : vector<768x768xbf16> to vector<768x768xf32>
    %sub3A_38 = arith.subf %get3A_31, %convert_element_type3A_37 : vector<768x768xf32>
    %convert_element_type3A_39 = arith.truncf %sub3A_38 : vector<768x768xf32> to vector<768x768xbf16>
    %dot_general3A_40 = arith.constant dense<0.000000e+00> : vector<512x768xf32>
    %dot_general3A_41 = tpu.matmul %convert_element_type3A_32, %convert_element_type3A_36, %dot_general3A_40 {dimension_numbers = #tpu.dot_dimension_numbers<[1], [0], [0], [1], [0, 0, 1, 1], [], []>, transpose_lhs_hint = false} : vector<512x768xbf16>, vector<768x768xbf16>, vector<512x768xf32> -> vector<512x768xf32>
    %dot_general3A_42 = arith.constant dense<0.000000e+00> : vector<512x768xf32>
    %dot_general3A_43 = tpu.matmul %convert_element_type3A_35, %convert_element_type3A_36, %dot_general3A_42 {dimension_numbers = #tpu.dot_dimension_numbers<[1], [0], [0], [1], [0, 0, 1, 1], [], []>, transpose_lhs_hint = false} : vector<512x768xbf16>, vector<768x768xbf16>, vector<512x768xf32> -> vector<512x768xf32>
    %add3A_44 = arith.addf %dot_general3A_41, %dot_general3A_43 : vector<512x768xf32>
    %dot_general3A_45 = arith.constant dense<0.000000e+00> : vector<512x768xf32>
    %dot_general3A_46 = tpu.matmul %convert_element_type3A_32, %convert_element_type3A_39, %dot_general3A_45 {dimension_numbers = #tpu.dot_dimension_numbers<[1], [0], [0], [1], [0, 0, 1, 1], [], []>, transpose_lhs_hint = false} : vector<512x768xbf16>, vector<768x768xbf16>, vector<512x768xf32> -> vector<512x768xf32>
    %add3A_47 = arith.addf %add3A_44, %dot_general3A_46 : vector<512x768xf32>
    %get3A_48 = arith.constant 0 : index
    %get3A_49 = arith.constant 0 : index
    %get3A_50 = vector.load %arg6[%get3A_48, %get3A_49] : memref<1x768xf32, #tpu.memory_space<vmem>>, vector<1x768xf32>
    %add3A_51 = vector.broadcast %get3A_50 : vector<1x768xf32> to vector<512x768xf32>
    %add3A_52 = arith.addf %add3A_47, %add3A_51 : vector<512x768xf32>
    %swap3A_53 = arith.constant 0 : index
    %swap3A_54 = arith.constant 0 : index
    %swap3A_55 = arith.constant 0 : index
    %swap3A_56 = vector.load %arg10[%swap3A_53, %swap3A_54, %swap3A_55] : memref<1x512x768xf32, #tpu.memory_space<vmem>>, vector<1x512x768xf32>
    %swap3A_57 = vector.shape_cast %swap3A_56 : vector<1x512x768xf32> to vector<512x768xf32>
    %swap3A_58 = vector.shape_cast %add3A_52 : vector<512x768xf32> to vector<1x512x768xf32>
    tpu.vector_store %arg10[%swap3A_53, %swap3A_54, %swap3A_55], %swap3A_58 {strides = array<i32>} : memref<1x512x768xf32, #tpu.memory_space<vmem>>, vector<1x512x768xf32>,
    %get3A_59 = arith.constant 0 : index
    %get3A_60 = arith.constant 0 : index
    %get3A_61 = vector.load %arg7[%get3A_59, %get3A_60] : memref<768x768xf32, #tpu.memory_space<vmem>>, vector<768x768xf32>
    %convert_element_type3A_62 = arith.truncf %get3A_3 : vector<512x768xf32> to vector<512x768xbf16>
    %convert_element_type3A_63 = arith.extf %convert_element_type3A_62 : vector<512x768xbf16> to vector<512x768xf32>
    %sub3A_64 = arith.subf %get3A_3, %convert_element_type3A_63 : vector<512x768xf32>
    %convert_element_type3A_65 = arith.truncf %sub3A_64 : vector<512x768xf32> to vector<512x768xbf16>
    %convert_element_type3A_66 = arith.truncf %get3A_61 : vector<768x768xf32> to vector<768x768xbf16>
    %convert_element_type3A_67 = arith.extf %convert_element_type3A_66 : vector<768x768xbf16> to vector<768x768xf32>
    %sub3A_68 = arith.subf %get3A_61, %convert_element_type3A_67 : vector<768x768xf32>
    %convert_element_type3A_69 = arith.truncf %sub3A_68 : vector<768x768xf32> to vector<768x768xbf16>
    %dot_general3A_70 = arith.constant dense<0.000000e+00> : vector<512x768xf32>
    %dot_general3A_71 = tpu.matmul %convert_element_type3A_62, %convert_element_type3A_66, %dot_general3A_70 {dimension_numbers = #tpu.dot_dimension_numbers<[1], [0], [0], [1], [0, 0, 1, 1], [], []>, transpose_lhs_hint = false} : vector<512x768xbf16>, vector<768x768xbf16>, vector<512x768xf32> -> vector<512x768xf32>
    %dot_general3A_72 = arith.constant dense<0.000000e+00> : vector<512x768xf32>
    %dot_general3A_73 = tpu.matmul %convert_element_type3A_65, %convert_element_type3A_66, %dot_general3A_72 {dimension_numbers = #tpu.dot_dimension_numbers<[1], [0], [0], [1], [0, 0, 1, 1], [], []>, transpose_lhs_hint = false} : vector<512x768xbf16>, vector<768x768xbf16>, vector<512x768xf32> -> vector<512x768xf32>
    %add3A_74 = arith.addf %dot_general3A_71, %dot_general3A_73 : vector<512x768xf32>
    %dot_general3A_75 = arith.constant dense<0.000000e+00> : vector<512x768xf32>
    %dot_general3A_76 = tpu.matmul %convert_element_type3A_62, %convert_element_type3A_69, %dot_general3A_75 {dimension_numbers = #tpu.dot_dimension_numbers<[1], [0], [0], [1], [0, 0, 1, 1], [], []>, transpose_lhs_hint = false} : vector<512x768xbf16>, vector<768x768xbf16>, vector<512x768xf32> -> vector<512x768xf32>
    %add3A_77 = arith.addf %add3A_74, %dot_general3A_76 : vector<512x768xf32>
    %get3A_78 = arith.constant 0 : index
    %get3A_79 = arith.constant 0 : index
    %get3A_80 = vector.load %arg8[%get3A_78, %get3A_79] : memref<1x768xf32, #tpu.memory_space<vmem>>, vector<1x768xf32>
    %add3A_81 = vector.broadcast %get3A_80 : vector<1x768xf32> to vector<512x768xf32>
    %add3A_82 = arith.addf %add3A_77, %add3A_81 : vector<512x768xf32>
    %swap3A_83 = arith.constant 0 : index
    %swap3A_84 = arith.constant 0 : index
    %swap3A_85 = arith.constant 0 : index
    %swap3A_86 = vector.load %arg11[%swap3A_83, %swap3A_84, %swap3A_85] : memref<1x512x768xf32, #tpu.memory_space<vmem>>, vector<1x512x768xf32>
    %swap3A_87 = vector.shape_cast %swap3A_86 : vector<1x512x768xf32> to vector<512x768xf32>
    %swap3A_88 = vector.shape_cast %add3A_82 : vector<512x768xf32> to vector<1x512x768xf32>
    tpu.vector_store %arg11[%swap3A_83, %swap3A_84, %swap3A_85], %swap3A_88 {strides = array<i32>} : memref<1x512x768xf32, #tpu.memory_space<vmem>>, vector<1x512x768xf32>,
    return
  }
  func.func @transform_0(%arg0: i32, %arg1: i32) -> (i32, i32, i32) {
    %c0_i32 = arith.constant 0 : i32
    %c0_i32_0 = arith.constant 0 : i32
    return %arg0, %arg1, %c0_i32 : i32, i32, i32
  }
  func.func @transform_1(%arg0: i32, %arg1: i32) -> (i32, i32) {
    %c0_i32 = arith.constant 0 : i32
    %c0_i32_0 = arith.constant 0 : i32
    %c0_i32_1 = arith.constant 0 : i32
    return %c0_i32, %c0_i32_0 : i32, i32
  }
  func.func @transform_2(%arg0: i32, %arg1: i32) -> (i32, i32) {
    %c0_i32 = arith.constant 0 : i32
    %c0_i32_0 = arith.constant 0 : i32
    %c0_i32_1 = arith.constant 0 : i32
    return %c0_i32, %c0_i32_0 : i32, i32
  }
  func.func @transform_3(%arg0: i32, %arg1: i32) -> (i32, i32) {
    %c0_i32 = arith.constant 0 : i32
    %c0_i32_0 = arith.constant 0 : i32
    %c0_i32_1 = arith.constant 0 : i32
    return %c0_i32, %c0_i32_0 : i32, i32
  }
  func.func @transform_4(%arg0: i32, %arg1: i32) -> (i32, i32) {
    %c0_i32 = arith.constant 0 : i32
    %c0_i32_0 = arith.constant 0 : i32
    %c0_i32_1 = arith.constant 0 : i32
    return %c0_i32, %c0_i32_0 : i32, i32
  }
  func.func @transform_5(%arg0: i32, %arg1: i32) -> (i32, i32) {
    %c0_i32 = arith.constant 0 : i32
    %c0_i32_0 = arith.constant 0 : i32
    %c0_i32_1 = arith.constant 0 : i32
    return %c0_i32, %c0_i32_0 : i32, i32
  }
  func.func @transform_6(%arg0: i32, %arg1: i32) -> (i32, i32) {
    %c0_i32 = arith.constant 0 : i32
    %c0_i32_0 = arith.constant 0 : i32
    %c0_i32_1 = arith.constant 0 : i32
    return %c0_i32, %c0_i32_0 : i32, i32
  }
  func.func @transform_7(%arg0: i32, %arg1: i32) -> (i32, i32, i32) {
    %c0_i32 = arith.constant 0 : i32
    %c0_i32_0 = arith.constant 0 : i32
    return %arg0, %arg1, %c0_i32 : i32, i32, i32
  }
  func.func @transform_8(%arg0: i32, %arg1: i32) -> (i32, i32, i32) {
    %c0_i32 = arith.constant 0 : i32
    %c0_i32_0 = arith.constant 0 : i32
    return %arg0, %arg1, %c0_i32 : i32, i32, i32
  }
  func.func @transform_9(%arg0: i32, %arg1: i32) -> (i32, i32, i32) {
    %c0_i32 = arith.constant 0 : i32
    %c0_i32_0 = arith.constant 0 : i32
    return %arg0, %arg1, %c0_i32 : i32, i32, i32
  }
}

module attributes {stable_mosaic.version = 14 : i64} {
  func.func @_spec_kernel(%arg0: i32, %arg1: i32, %arg2: memref<1x256x640xf32, #tpu.memory_space<vmem>>, %arg3: memref<1x256x640xf32, #tpu.memory_space<vmem>>, %arg4: memref<1x256x640xf32, #tpu.memory_space<vmem>>, %arg5: memref<1x256x640xf32, #tpu.memory_space<vmem>>, %arg6: memref<1x1x640xf32, #tpu.memory_space<vmem>>, %arg7: memref<1x1x640xf32, #tpu.memory_space<vmem>>) attributes {dimension_semantics = [#tpu.dimension_semantics<parallel>, #tpu.dimension_semantics<arbitrary>], iteration_bounds = array<i64: 2, 3>, scalar_prefetch = 0 : i64, scratch_operands = 0 : i64, tpu.core_type = #tpu.core_type<tc>, window_params = [{transform_indices = @transform_0, window_bounds = array<i64: 1, 256, 640>}, {transform_indices = @transform_1, window_bounds = array<i64: 1, 256, 640>}, {transform_indices = @transform_2, window_bounds = array<i64: 1, 256, 640>}, {transform_indices = @transform_3, window_bounds = array<i64: 1, 256, 640>}, {transform_indices = @transform_4, window_bounds = array<i64: 1, 1, 640>}, {transform_indices = @transform_5, window_bounds = array<i64: 1, 1, 640>}]} {
    %eq3A = arith.constant 0 : i32
    %eq3A_0 = arith.cmpi eq, %arg1, %eq3A : i32
    %convert_element_type3A = arith.extui %eq3A_0 : i1 to i32
    %cond3A = arith.constant 0 : i32
    %cond3A_1 = arith.cmpi ne, %convert_element_type3A, %cond3A : i32
    scf.if %cond3A_1 {
      %broadcast_in_dim3A_57 = arith.constant 0.000000e+00 : f32
      %broadcast_in_dim3A_58 = vector.broadcast %broadcast_in_dim3A_57 : f32 to vector<1x640xf32>
      %swap3A_59 = arith.constant 0 : index
      %swap3A_60 = arith.constant 0 : index
      %swap3A_61 = arith.constant 0 : index
      %swap3A_62 = vector.load %arg6[%swap3A_59, %swap3A_60, %swap3A_61] : memref<1x1x640xf32, #tpu.memory_space<vmem>>, vector<1x1x640xf32>
      %swap3A_63 = vector.shape_cast %swap3A_62 : vector<1x1x640xf32> to vector<1x640xf32>
      %swap3A_64 = vector.shape_cast %broadcast_in_dim3A_58 : vector<1x640xf32> to vector<1x1x640xf32>
      tpu.vector_store %arg6[%swap3A_59, %swap3A_60, %swap3A_61], %swap3A_64 {strides = array<i32>} : memref<1x1x640xf32, #tpu.memory_space<vmem>>, vector<1x1x640xf32>,
      %broadcast_in_dim3A_65 = arith.constant 0.000000e+00 : f32
      %broadcast_in_dim3A_66 = vector.broadcast %broadcast_in_dim3A_65 : f32 to vector<1x640xf32>
      %swap3A_67 = arith.constant 0 : index
      %swap3A_68 = arith.constant 0 : index
      %swap3A_69 = arith.constant 0 : index
      %swap3A_70 = vector.load %arg7[%swap3A_67, %swap3A_68, %swap3A_69] : memref<1x1x640xf32, #tpu.memory_space<vmem>>, vector<1x1x640xf32>
      %swap3A_71 = vector.shape_cast %swap3A_70 : vector<1x1x640xf32> to vector<1x640xf32>
      %swap3A_72 = vector.shape_cast %broadcast_in_dim3A_66 : vector<1x640xf32> to vector<1x1x640xf32>
      tpu.vector_store %arg7[%swap3A_67, %swap3A_68, %swap3A_69], %swap3A_72 {strides = array<i32>} : memref<1x1x640xf32, #tpu.memory_space<vmem>>, vector<1x1x640xf32>,
    } else {
    }
    %get3A = arith.constant 0 : index
    %get3A_2 = arith.constant 0 : index
    %get3A_3 = arith.constant 0 : index
    %get3A_4 = vector.load %arg2[%get3A, %get3A_2, %get3A_3] : memref<1x256x640xf32, #tpu.memory_space<vmem>>, vector<1x256x640xf32>
    %get3A_5 = vector.shape_cast %get3A_4 : vector<1x256x640xf32> to vector<256x640xf32>
    %get3A_6 = arith.constant 0 : index
    %get3A_7 = arith.constant 0 : index
    %get3A_8 = arith.constant 0 : index
    %get3A_9 = vector.load %arg3[%get3A_6, %get3A_7, %get3A_8] : memref<1x256x640xf32, #tpu.memory_space<vmem>>, vector<1x256x640xf32>
    %get3A_10 = vector.shape_cast %get3A_9 : vector<1x256x640xf32> to vector<256x640xf32>
    %get3A_11 = arith.constant 0 : index
    %get3A_12 = arith.constant 0 : index
    %get3A_13 = arith.constant 0 : index
    %get3A_14 = vector.load %arg4[%get3A_11, %get3A_12, %get3A_13] : memref<1x256x640xf32, #tpu.memory_space<vmem>>, vector<1x256x640xf32>
    %get3A_15 = vector.shape_cast %get3A_14 : vector<1x256x640xf32> to vector<256x640xf32>
    %get3A_16 = arith.constant 0 : index
    %get3A_17 = arith.constant 0 : index
    %get3A_18 = arith.constant 0 : index
    %get3A_19 = vector.load %arg5[%get3A_16, %get3A_17, %get3A_18] : memref<1x256x640xf32, #tpu.memory_space<vmem>>, vector<1x256x640xf32>
    %get3A_20 = vector.shape_cast %get3A_19 : vector<1x256x640xf32> to vector<256x640xf32>
    %get3A_21 = arith.constant 0 : index
    %get3A_22 = arith.constant 0 : index
    %get3A_23 = arith.constant 0 : index
    %get3A_24 = vector.load %arg6[%get3A_21, %get3A_22, %get3A_23] : memref<1x1x640xf32, #tpu.memory_space<vmem>>, vector<1x1x640xf32>
    %get3A_25 = vector.shape_cast %get3A_24 : vector<1x1x640xf32> to vector<1x640xf32>
    %mul3A = arith.mulf %get3A_5, %get3A_15 : vector<256x640xf32>
    %mul3A_26 = arith.mulf %get3A_10, %get3A_20 : vector<256x640xf32>
    %add3A = arith.addf %mul3A, %mul3A_26 : vector<256x640xf32>
    %reduce_sum3A = arith.constant dense<0.000000e+00> : vector<640xf32>
    %reduce_sum3A_27 = vector.multi_reduction <add>, %add3A, %reduce_sum3A [0] : vector<256x640xf32> to vector<640xf32>
    %broadcast_in_dim3A = vector.shape_cast %reduce_sum3A_27 : vector<640xf32> to vector<1x640xf32>
    %mul3A_28 = arith.constant 0.00130208337 : f32
    %mul3A_29 = vector.broadcast %mul3A_28 : f32 to vector<1x640xf32>
    %mul3A_30 = arith.mulf %broadcast_in_dim3A, %mul3A_29 : vector<1x640xf32>
    %add3A_31 = arith.addf %get3A_25, %mul3A_30 : vector<1x640xf32>
    %swap3A = arith.constant 0 : index
    %swap3A_32 = arith.constant 0 : index
    %swap3A_33 = arith.constant 0 : index
    %swap3A_34 = vector.load %arg6[%swap3A, %swap3A_32, %swap3A_33] : memref<1x1x640xf32, #tpu.memory_space<vmem>>, vector<1x1x640xf32>
    %swap3A_35 = vector.shape_cast %swap3A_34 : vector<1x1x640xf32> to vector<1x640xf32>
    %swap3A_36 = vector.shape_cast %add3A_31 : vector<1x640xf32> to vector<1x1x640xf32>
    tpu.vector_store %arg6[%swap3A, %swap3A_32, %swap3A_33], %swap3A_36 {strides = array<i32>} : memref<1x1x640xf32, #tpu.memory_space<vmem>>, vector<1x1x640xf32>,
    %get3A_37 = arith.constant 0 : index
    %get3A_38 = arith.constant 0 : index
    %get3A_39 = arith.constant 0 : index
    %get3A_40 = vector.load %arg7[%get3A_37, %get3A_38, %get3A_39] : memref<1x1x640xf32, #tpu.memory_space<vmem>>, vector<1x1x640xf32>
    %get3A_41 = vector.shape_cast %get3A_40 : vector<1x1x640xf32> to vector<1x640xf32>
    %mul3A_42 = arith.mulf %get3A_10, %get3A_15 : vector<256x640xf32>
    %mul3A_43 = arith.mulf %get3A_5, %get3A_20 : vector<256x640xf32>
    %sub3A = arith.subf %mul3A_42, %mul3A_43 : vector<256x640xf32>
    %reduce_sum3A_44 = arith.constant dense<0.000000e+00> : vector<640xf32>
    %reduce_sum3A_45 = vector.multi_reduction <add>, %sub3A, %reduce_sum3A_44 [0] : vector<256x640xf32> to vector<640xf32>
    %broadcast_in_dim3A_46 = vector.shape_cast %reduce_sum3A_45 : vector<640xf32> to vector<1x640xf32>
    %mul3A_47 = arith.constant 0.00130208337 : f32
    %mul3A_48 = vector.broadcast %mul3A_47 : f32 to vector<1x640xf32>
    %mul3A_49 = arith.mulf %broadcast_in_dim3A_46, %mul3A_48 : vector<1x640xf32>
    %add3A_50 = arith.addf %get3A_41, %mul3A_49 : vector<1x640xf32>
    %swap3A_51 = arith.constant 0 : index
    %swap3A_52 = arith.constant 0 : index
    %swap3A_53 = arith.constant 0 : index
    %swap3A_54 = vector.load %arg7[%swap3A_51, %swap3A_52, %swap3A_53] : memref<1x1x640xf32, #tpu.memory_space<vmem>>, vector<1x1x640xf32>
    %swap3A_55 = vector.shape_cast %swap3A_54 : vector<1x1x640xf32> to vector<1x640xf32>
    %swap3A_56 = vector.shape_cast %add3A_50 : vector<1x640xf32> to vector<1x1x640xf32>
    tpu.vector_store %arg7[%swap3A_51, %swap3A_52, %swap3A_53], %swap3A_56 {strides = array<i32>} : memref<1x1x640xf32, #tpu.memory_space<vmem>>, vector<1x1x640xf32>,
    return
  }
  func.func @transform_0(%arg0: i32, %arg1: i32) -> (i32, i32, i32) {
    %c0_i32 = arith.constant 0 : i32
    %c0_i32_0 = arith.constant 0 : i32
    return %arg0, %arg1, %c0_i32 : i32, i32, i32
  }
  func.func @transform_1(%arg0: i32, %arg1: i32) -> (i32, i32, i32) {
    %c0_i32 = arith.constant 0 : i32
    %c0_i32_0 = arith.constant 0 : i32
    return %arg0, %arg1, %c0_i32 : i32, i32, i32
  }
  func.func @transform_2(%arg0: i32, %arg1: i32) -> (i32, i32, i32) {
    %c0_i32 = arith.constant 0 : i32
    %c0_i32_0 = arith.constant 0 : i32
    return %arg0, %arg1, %c0_i32 : i32, i32, i32
  }
  func.func @transform_3(%arg0: i32, %arg1: i32) -> (i32, i32, i32) {
    %c0_i32 = arith.constant 0 : i32
    %c0_i32_0 = arith.constant 0 : i32
    return %arg0, %arg1, %c0_i32 : i32, i32, i32
  }
  func.func @transform_4(%arg0: i32, %arg1: i32) -> (i32, i32, i32) {
    %c0_i32 = arith.constant 0 : i32
    %c0_i32_0 = arith.constant 0 : i32
    %c0_i32_1 = arith.constant 0 : i32
    return %arg0, %c0_i32, %c0_i32_0 : i32, i32, i32
  }
  func.func @transform_5(%arg0: i32, %arg1: i32) -> (i32, i32, i32) {
    %c0_i32 = arith.constant 0 : i32
    %c0_i32_0 = arith.constant 0 : i32
    %c0_i32_1 = arith.constant 0 : i32
    return %arg0, %c0_i32, %c0_i32_0 : i32, i32, i32
  }
}

module attributes {stable_mosaic.version = 14 : i64} {
  func.func @_fwdqk_kernel(%arg0: i32, %arg1: i32, %arg2: memref<1x2048x256xf32, #tpu.memory_space<vmem>>, %arg3: memref<1x2048x256xf32, #tpu.memory_space<vmem>>, %arg4: memref<2048x640xf32, #tpu.memory_space<vmem>>, %arg5: memref<2048x640xf32, #tpu.memory_space<vmem>>, %arg6: memref<1x256x640xf32, #tpu.memory_space<vmem>>, %arg7: memref<1x256x640xf32, #tpu.memory_space<vmem>>, %arg8: memref<1x256x640xf32, #tpu.memory_space<vmem>>, %arg9: memref<1x256x640xf32, #tpu.memory_space<vmem>>) attributes {dimension_semantics = [#tpu.dimension_semantics<parallel>, #tpu.dimension_semantics<parallel>], iteration_bounds = array<i64: 2, 3>, scalar_prefetch = 0 : i64, scratch_operands = 0 : i64, tpu.core_type = #tpu.core_type<tc>, window_params = [{transform_indices = @transform_0, window_bounds = array<i64: 1, 2048, 256>}, {transform_indices = @transform_1, window_bounds = array<i64: 1, 2048, 256>}, {pipeline_mode = #tpu.pipeline_mode<synchronous>, transform_indices = @transform_2, window_bounds = array<i64: 2048, 640>}, {pipeline_mode = #tpu.pipeline_mode<synchronous>, transform_indices = @transform_3, window_bounds = array<i64: 2048, 640>}, {transform_indices = @transform_4, window_bounds = array<i64: 1, 256, 640>}, {transform_indices = @transform_5, window_bounds = array<i64: 1, 256, 640>}, {transform_indices = @transform_6, window_bounds = array<i64: 1, 256, 640>}, {transform_indices = @transform_7, window_bounds = array<i64: 1, 256, 640>}]} {
    %get3A = arith.constant 0 : index
    %get3A_0 = arith.constant 0 : index
    %get3A_1 = vector.load %arg4[%get3A, %get3A_0] : memref<2048x640xf32, #tpu.memory_space<vmem>>, vector<2048x640xf32>
    %get3A_2 = arith.constant 0 : index
    %get3A_3 = arith.constant 0 : index
    %get3A_4 = vector.load %arg5[%get3A_2, %get3A_3] : memref<2048x640xf32, #tpu.memory_space<vmem>>, vector<2048x640xf32>
    %get3A_5 = arith.constant 0 : index
    %get3A_6 = arith.constant 0 : index
    %get3A_7 = arith.constant 0 : index
    %get3A_8 = vector.load %arg2[%get3A_5, %get3A_6, %get3A_7] : memref<1x2048x256xf32, #tpu.memory_space<vmem>>, vector<1x2048x256xf32>
    %get3A_9 = vector.shape_cast %get3A_8 : vector<1x2048x256xf32> to vector<2048x256xf32>
    %get3A_10 = arith.constant 0 : index
    %get3A_11 = arith.constant 0 : index
    %get3A_12 = arith.constant 0 : index
    %get3A_13 = vector.load %arg3[%get3A_10, %get3A_11, %get3A_12] : memref<1x2048x256xf32, #tpu.memory_space<vmem>>, vector<1x2048x256xf32>
    %get3A_14 = vector.shape_cast %get3A_13 : vector<1x2048x256xf32> to vector<2048x256xf32>
    %convert_element_type3A = arith.truncf %get3A_9 : vector<2048x256xf32> to vector<2048x256xbf16>
    %convert_element_type3A_15 = arith.extf %convert_element_type3A : vector<2048x256xbf16> to vector<2048x256xf32>
    %sub3A = arith.subf %get3A_9, %convert_element_type3A_15 : vector<2048x256xf32>
    %convert_element_type3A_16 = arith.truncf %sub3A : vector<2048x256xf32> to vector<2048x256xbf16>
    %convert_element_type3A_17 = arith.truncf %get3A_1 : vector<2048x640xf32> to vector<2048x640xbf16>
    %convert_element_type3A_18 = arith.extf %convert_element_type3A_17 : vector<2048x640xbf16> to vector<2048x640xf32>
    %sub3A_19 = arith.subf %get3A_1, %convert_element_type3A_18 : vector<2048x640xf32>
    %convert_element_type3A_20 = arith.truncf %sub3A_19 : vector<2048x640xf32> to vector<2048x640xbf16>
    %dot_general3A = arith.constant dense<0.000000e+00> : vector<256x640xf32>
    %dot_general3A_21 = tpu.matmul %convert_element_type3A, %convert_element_type3A_17, %dot_general3A {dimension_numbers = #tpu.dot_dimension_numbers<[0], [0], [1], [1], [0, 1, 1, 1], [], []>, transpose_lhs_hint = false} : vector<2048x256xbf16>, vector<2048x640xbf16>, vector<256x640xf32> -> vector<256x640xf32>
    %dot_general3A_22 = arith.constant dense<0.000000e+00> : vector<256x640xf32>
    %dot_general3A_23 = tpu.matmul %convert_element_type3A_16, %convert_element_type3A_17, %dot_general3A_22 {dimension_numbers = #tpu.dot_dimension_numbers<[0], [0], [1], [1], [0, 1, 1, 1], [], []>, transpose_lhs_hint = false} : vector<2048x256xbf16>, vector<2048x640xbf16>, vector<256x640xf32> -> vector<256x640xf32>
    %add3A = arith.addf %dot_general3A_21, %dot_general3A_23 : vector<256x640xf32>
    %dot_general3A_24 = arith.constant dense<0.000000e+00> : vector<256x640xf32>
    %dot_general3A_25 = tpu.matmul %convert_element_type3A, %convert_element_type3A_20, %dot_general3A_24 {dimension_numbers = #tpu.dot_dimension_numbers<[0], [0], [1], [1], [0, 1, 1, 1], [], []>, transpose_lhs_hint = false} : vector<2048x256xbf16>, vector<2048x640xbf16>, vector<256x640xf32> -> vector<256x640xf32>
    %add3A_26 = arith.addf %add3A, %dot_general3A_25 : vector<256x640xf32>
    %swap3A = arith.constant 0 : index
    %swap3A_27 = arith.constant 0 : index
    %swap3A_28 = arith.constant 0 : index
    %swap3A_29 = vector.load %arg6[%swap3A, %swap3A_27, %swap3A_28] : memref<1x256x640xf32, #tpu.memory_space<vmem>>, vector<1x256x640xf32>
    %swap3A_30 = vector.shape_cast %swap3A_29 : vector<1x256x640xf32> to vector<256x640xf32>
    %swap3A_31 = vector.shape_cast %add3A_26 : vector<256x640xf32> to vector<1x256x640xf32>
    tpu.vector_store %arg6[%swap3A, %swap3A_27, %swap3A_28], %swap3A_31 {strides = array<i32>} : memref<1x256x640xf32, #tpu.memory_space<vmem>>, vector<1x256x640xf32>,
    %convert_element_type3A_32 = arith.truncf %get3A_9 : vector<2048x256xf32> to vector<2048x256xbf16>
    %convert_element_type3A_33 = arith.extf %convert_element_type3A_32 : vector<2048x256xbf16> to vector<2048x256xf32>
    %sub3A_34 = arith.subf %get3A_9, %convert_element_type3A_33 : vector<2048x256xf32>
    %convert_element_type3A_35 = arith.truncf %sub3A_34 : vector<2048x256xf32> to vector<2048x256xbf16>
    %convert_element_type3A_36 = arith.truncf %get3A_4 : vector<2048x640xf32> to vector<2048x640xbf16>
    %convert_element_type3A_37 = arith.extf %convert_element_type3A_36 : vector<2048x640xbf16> to vector<2048x640xf32>
    %sub3A_38 = arith.subf %get3A_4, %convert_element_type3A_37 : vector<2048x640xf32>
    %convert_element_type3A_39 = arith.truncf %sub3A_38 : vector<2048x640xf32> to vector<2048x640xbf16>
    %dot_general3A_40 = arith.constant dense<0.000000e+00> : vector<256x640xf32>
    %dot_general3A_41 = tpu.matmul %convert_element_type3A_32, %convert_element_type3A_36, %dot_general3A_40 {dimension_numbers = #tpu.dot_dimension_numbers<[0], [0], [1], [1], [0, 1, 1, 1], [], []>, transpose_lhs_hint = false} : vector<2048x256xbf16>, vector<2048x640xbf16>, vector<256x640xf32> -> vector<256x640xf32>
    %dot_general3A_42 = arith.constant dense<0.000000e+00> : vector<256x640xf32>
    %dot_general3A_43 = tpu.matmul %convert_element_type3A_35, %convert_element_type3A_36, %dot_general3A_42 {dimension_numbers = #tpu.dot_dimension_numbers<[0], [0], [1], [1], [0, 1, 1, 1], [], []>, transpose_lhs_hint = false} : vector<2048x256xbf16>, vector<2048x640xbf16>, vector<256x640xf32> -> vector<256x640xf32>
    %add3A_44 = arith.addf %dot_general3A_41, %dot_general3A_43 : vector<256x640xf32>
    %dot_general3A_45 = arith.constant dense<0.000000e+00> : vector<256x640xf32>
    %dot_general3A_46 = tpu.matmul %convert_element_type3A_32, %convert_element_type3A_39, %dot_general3A_45 {dimension_numbers = #tpu.dot_dimension_numbers<[0], [0], [1], [1], [0, 1, 1, 1], [], []>, transpose_lhs_hint = false} : vector<2048x256xbf16>, vector<2048x640xbf16>, vector<256x640xf32> -> vector<256x640xf32>
    %add3A_47 = arith.addf %add3A_44, %dot_general3A_46 : vector<256x640xf32>
    %swap3A_48 = arith.constant 0 : index
    %swap3A_49 = arith.constant 0 : index
    %swap3A_50 = arith.constant 0 : index
    %swap3A_51 = vector.load %arg7[%swap3A_48, %swap3A_49, %swap3A_50] : memref<1x256x640xf32, #tpu.memory_space<vmem>>, vector<1x256x640xf32>
    %swap3A_52 = vector.shape_cast %swap3A_51 : vector<1x256x640xf32> to vector<256x640xf32>
    %swap3A_53 = vector.shape_cast %add3A_47 : vector<256x640xf32> to vector<1x256x640xf32>
    tpu.vector_store %arg7[%swap3A_48, %swap3A_49, %swap3A_50], %swap3A_53 {strides = array<i32>} : memref<1x256x640xf32, #tpu.memory_space<vmem>>, vector<1x256x640xf32>,
    %convert_element_type3A_54 = arith.truncf %get3A_14 : vector<2048x256xf32> to vector<2048x256xbf16>
    %convert_element_type3A_55 = arith.extf %convert_element_type3A_54 : vector<2048x256xbf16> to vector<2048x256xf32>
    %sub3A_56 = arith.subf %get3A_14, %convert_element_type3A_55 : vector<2048x256xf32>
    %convert_element_type3A_57 = arith.truncf %sub3A_56 : vector<2048x256xf32> to vector<2048x256xbf16>
    %convert_element_type3A_58 = arith.truncf %get3A_1 : vector<2048x640xf32> to vector<2048x640xbf16>
    %convert_element_type3A_59 = arith.extf %convert_element_type3A_58 : vector<2048x640xbf16> to vector<2048x640xf32>
    %sub3A_60 = arith.subf %get3A_1, %convert_element_type3A_59 : vector<2048x640xf32>
    %convert_element_type3A_61 = arith.truncf %sub3A_60 : vector<2048x640xf32> to vector<2048x640xbf16>
    %dot_general3A_62 = arith.constant dense<0.000000e+00> : vector<256x640xf32>
    %dot_general3A_63 = tpu.matmul %convert_element_type3A_54, %convert_element_type3A_58, %dot_general3A_62 {dimension_numbers = #tpu.dot_dimension_numbers<[0], [0], [1], [1], [0, 1, 1, 1], [], []>, transpose_lhs_hint = false} : vector<2048x256xbf16>, vector<2048x640xbf16>, vector<256x640xf32> -> vector<256x640xf32>
    %dot_general3A_64 = arith.constant dense<0.000000e+00> : vector<256x640xf32>
    %dot_general3A_65 = tpu.matmul %convert_element_type3A_57, %convert_element_type3A_58, %dot_general3A_64 {dimension_numbers = #tpu.dot_dimension_numbers<[0], [0], [1], [1], [0, 1, 1, 1], [], []>, transpose_lhs_hint = false} : vector<2048x256xbf16>, vector<2048x640xbf16>, vector<256x640xf32> -> vector<256x640xf32>
    %add3A_66 = arith.addf %dot_general3A_63, %dot_general3A_65 : vector<256x640xf32>
    %dot_general3A_67 = arith.constant dense<0.000000e+00> : vector<256x640xf32>
    %dot_general3A_68 = tpu.matmul %convert_element_type3A_54, %convert_element_type3A_61, %dot_general3A_67 {dimension_numbers = #tpu.dot_dimension_numbers<[0], [0], [1], [1], [0, 1, 1, 1], [], []>, transpose_lhs_hint = false} : vector<2048x256xbf16>, vector<2048x640xbf16>, vector<256x640xf32> -> vector<256x640xf32>
    %add3A_69 = arith.addf %add3A_66, %dot_general3A_68 : vector<256x640xf32>
    %swap3A_70 = arith.constant 0 : index
    %swap3A_71 = arith.constant 0 : index
    %swap3A_72 = arith.constant 0 : index
    %swap3A_73 = vector.load %arg8[%swap3A_70, %swap3A_71, %swap3A_72] : memref<1x256x640xf32, #tpu.memory_space<vmem>>, vector<1x256x640xf32>
    %swap3A_74 = vector.shape_cast %swap3A_73 : vector<1x256x640xf32> to vector<256x640xf32>
    %swap3A_75 = vector.shape_cast %add3A_69 : vector<256x640xf32> to vector<1x256x640xf32>
    tpu.vector_store %arg8[%swap3A_70, %swap3A_71, %swap3A_72], %swap3A_75 {strides = array<i32>} : memref<1x256x640xf32, #tpu.memory_space<vmem>>, vector<1x256x640xf32>,
    %convert_element_type3A_76 = arith.truncf %get3A_14 : vector<2048x256xf32> to vector<2048x256xbf16>
    %convert_element_type3A_77 = arith.extf %convert_element_type3A_76 : vector<2048x256xbf16> to vector<2048x256xf32>
    %sub3A_78 = arith.subf %get3A_14, %convert_element_type3A_77 : vector<2048x256xf32>
    %convert_element_type3A_79 = arith.truncf %sub3A_78 : vector<2048x256xf32> to vector<2048x256xbf16>
    %convert_element_type3A_80 = arith.truncf %get3A_4 : vector<2048x640xf32> to vector<2048x640xbf16>
    %convert_element_type3A_81 = arith.extf %convert_element_type3A_80 : vector<2048x640xbf16> to vector<2048x640xf32>
    %sub3A_82 = arith.subf %get3A_4, %convert_element_type3A_81 : vector<2048x640xf32>
    %convert_element_type3A_83 = arith.truncf %sub3A_82 : vector<2048x640xf32> to vector<2048x640xbf16>
    %dot_general3A_84 = arith.constant dense<0.000000e+00> : vector<256x640xf32>
    %dot_general3A_85 = tpu.matmul %convert_element_type3A_76, %convert_element_type3A_80, %dot_general3A_84 {dimension_numbers = #tpu.dot_dimension_numbers<[0], [0], [1], [1], [0, 1, 1, 1], [], []>, transpose_lhs_hint = false} : vector<2048x256xbf16>, vector<2048x640xbf16>, vector<256x640xf32> -> vector<256x640xf32>
    %dot_general3A_86 = arith.constant dense<0.000000e+00> : vector<256x640xf32>
    %dot_general3A_87 = tpu.matmul %convert_element_type3A_79, %convert_element_type3A_80, %dot_general3A_86 {dimension_numbers = #tpu.dot_dimension_numbers<[0], [0], [1], [1], [0, 1, 1, 1], [], []>, transpose_lhs_hint = false} : vector<2048x256xbf16>, vector<2048x640xbf16>, vector<256x640xf32> -> vector<256x640xf32>
    %add3A_88 = arith.addf %dot_general3A_85, %dot_general3A_87 : vector<256x640xf32>
    %dot_general3A_89 = arith.constant dense<0.000000e+00> : vector<256x640xf32>
    %dot_general3A_90 = tpu.matmul %convert_element_type3A_76, %convert_element_type3A_83, %dot_general3A_89 {dimension_numbers = #tpu.dot_dimension_numbers<[0], [0], [1], [1], [0, 1, 1, 1], [], []>, transpose_lhs_hint = false} : vector<2048x256xbf16>, vector<2048x640xbf16>, vector<256x640xf32> -> vector<256x640xf32>
    %add3A_91 = arith.addf %add3A_88, %dot_general3A_90 : vector<256x640xf32>
    %swap3A_92 = arith.constant 0 : index
    %swap3A_93 = arith.constant 0 : index
    %swap3A_94 = arith.constant 0 : index
    %swap3A_95 = vector.load %arg9[%swap3A_92, %swap3A_93, %swap3A_94] : memref<1x256x640xf32, #tpu.memory_space<vmem>>, vector<1x256x640xf32>
    %swap3A_96 = vector.shape_cast %swap3A_95 : vector<1x256x640xf32> to vector<256x640xf32>
    %swap3A_97 = vector.shape_cast %add3A_91 : vector<256x640xf32> to vector<1x256x640xf32>
    tpu.vector_store %arg9[%swap3A_92, %swap3A_93, %swap3A_94], %swap3A_97 {strides = array<i32>} : memref<1x256x640xf32, #tpu.memory_space<vmem>>, vector<1x256x640xf32>,
    return
  }
  func.func @transform_0(%arg0: i32, %arg1: i32) -> (i32, i32, i32) {
    %c0_i32 = arith.constant 0 : i32
    %c0_i32_0 = arith.constant 0 : i32
    return %arg0, %c0_i32, %arg1 : i32, i32, i32
  }
  func.func @transform_1(%arg0: i32, %arg1: i32) -> (i32, i32, i32) {
    %c0_i32 = arith.constant 0 : i32
    %c0_i32_0 = arith.constant 0 : i32
    return %arg0, %c0_i32, %arg1 : i32, i32, i32
  }
  func.func @transform_2(%arg0: i32, %arg1: i32) -> (i32, i32) {
    %c0_i32 = arith.constant 0 : i32
    %c0_i32_0 = arith.constant 0 : i32
    %c0_i32_1 = arith.constant 0 : i32
    return %c0_i32, %c0_i32_0 : i32, i32
  }
  func.func @transform_3(%arg0: i32, %arg1: i32) -> (i32, i32) {
    %c0_i32 = arith.constant 0 : i32
    %c0_i32_0 = arith.constant 0 : i32
    %c0_i32_1 = arith.constant 0 : i32
    return %c0_i32, %c0_i32_0 : i32, i32
  }
  func.func @transform_4(%arg0: i32, %arg1: i32) -> (i32, i32, i32) {
    %c0_i32 = arith.constant 0 : i32
    %c0_i32_0 = arith.constant 0 : i32
    return %arg0, %arg1, %c0_i32 : i32, i32, i32
  }
  func.func @transform_5(%arg0: i32, %arg1: i32) -> (i32, i32, i32) {
    %c0_i32 = arith.constant 0 : i32
    %c0_i32_0 = arith.constant 0 : i32
    return %arg0, %arg1, %c0_i32 : i32, i32, i32
  }
  func.func @transform_6(%arg0: i32, %arg1: i32) -> (i32, i32, i32) {
    %c0_i32 = arith.constant 0 : i32
    %c0_i32_0 = arith.constant 0 : i32
    return %arg0, %arg1, %c0_i32 : i32, i32, i32
  }
  func.func @transform_7(%arg0: i32, %arg1: i32) -> (i32, i32, i32) {
    %c0_i32 = arith.constant 0 : i32
    %c0_i32_0 = arith.constant 0 : i32
    return %arg0, %arg1, %c0_i32 : i32, i32, i32
  }
}

module attributes {stable_mosaic.version = 14 : i64} {
  func.func @_mv_kernel(%arg0: i32, %arg1: memref<1x1x640xf32, #tpu.memory_space<vmem>>, %arg2: memref<1x1x640xf32, #tpu.memory_space<vmem>>, %arg3: memref<640x2048xf32, #tpu.memory_space<vmem>>, %arg4: memref<640x2048xf32, #tpu.memory_space<vmem>>, %arg5: memref<1x1x2048xf32, #tpu.memory_space<vmem>>) attributes {dimension_semantics = [#tpu.dimension_semantics<arbitrary>], iteration_bounds = array<i64: 2>, scalar_prefetch = 0 : i64, scratch_operands = 0 : i64, tpu.core_type = #tpu.core_type<tc>, window_params = [{transform_indices = @transform_0, window_bounds = array<i64: 1, 1, 640>}, {transform_indices = @transform_1, window_bounds = array<i64: 1, 1, 640>}, {pipeline_mode = #tpu.pipeline_mode<synchronous>, transform_indices = @transform_2, window_bounds = array<i64: 640, 2048>}, {pipeline_mode = #tpu.pipeline_mode<synchronous>, transform_indices = @transform_3, window_bounds = array<i64: 640, 2048>}, {transform_indices = @transform_4, window_bounds = array<i64: 1, 1, 2048>}]} {
    %get3A = arith.constant 0 : index
    %get3A_0 = arith.constant 0 : index
    %get3A_1 = arith.constant 0 : index
    %get3A_2 = vector.load %arg1[%get3A, %get3A_0, %get3A_1] : memref<1x1x640xf32, #tpu.memory_space<vmem>>, vector<1x1x640xf32>
    %get3A_3 = vector.shape_cast %get3A_2 : vector<1x1x640xf32> to vector<1x640xf32>
    %get3A_4 = arith.constant 0 : index
    %get3A_5 = arith.constant 0 : index
    %get3A_6 = vector.load %arg3[%get3A_4, %get3A_5] : memref<640x2048xf32, #tpu.memory_space<vmem>>, vector<640x2048xf32>
    %convert_element_type3A = arith.truncf %get3A_3 : vector<1x640xf32> to vector<1x640xbf16>
    %convert_element_type3A_7 = arith.extf %convert_element_type3A : vector<1x640xbf16> to vector<1x640xf32>
    %sub3A = arith.subf %get3A_3, %convert_element_type3A_7 : vector<1x640xf32>
    %convert_element_type3A_8 = arith.truncf %sub3A : vector<1x640xf32> to vector<1x640xbf16>
    %convert_element_type3A_9 = arith.truncf %get3A_6 : vector<640x2048xf32> to vector<640x2048xbf16>
    %convert_element_type3A_10 = arith.extf %convert_element_type3A_9 : vector<640x2048xbf16> to vector<640x2048xf32>
    %sub3A_11 = arith.subf %get3A_6, %convert_element_type3A_10 : vector<640x2048xf32>
    %convert_element_type3A_12 = arith.truncf %sub3A_11 : vector<640x2048xf32> to vector<640x2048xbf16>
    %dot_general3A = arith.constant dense<0.000000e+00> : vector<1x2048xf32>
    %dot_general3A_13 = tpu.matmul %convert_element_type3A, %convert_element_type3A_9, %dot_general3A {dimension_numbers = #tpu.dot_dimension_numbers<[1], [0], [0], [1], [0, 0, 1, 1], [], []>, transpose_lhs_hint = false} : vector<1x640xbf16>, vector<640x2048xbf16>, vector<1x2048xf32> -> vector<1x2048xf32>
    %dot_general3A_14 = arith.constant dense<0.000000e+00> : vector<1x2048xf32>
    %dot_general3A_15 = tpu.matmul %convert_element_type3A_8, %convert_element_type3A_9, %dot_general3A_14 {dimension_numbers = #tpu.dot_dimension_numbers<[1], [0], [0], [1], [0, 0, 1, 1], [], []>, transpose_lhs_hint = false} : vector<1x640xbf16>, vector<640x2048xbf16>, vector<1x2048xf32> -> vector<1x2048xf32>
    %add3A = arith.addf %dot_general3A_13, %dot_general3A_15 : vector<1x2048xf32>
    %dot_general3A_16 = arith.constant dense<0.000000e+00> : vector<1x2048xf32>
    %dot_general3A_17 = tpu.matmul %convert_element_type3A, %convert_element_type3A_12, %dot_general3A_16 {dimension_numbers = #tpu.dot_dimension_numbers<[1], [0], [0], [1], [0, 0, 1, 1], [], []>, transpose_lhs_hint = false} : vector<1x640xbf16>, vector<640x2048xbf16>, vector<1x2048xf32> -> vector<1x2048xf32>
    %add3A_18 = arith.addf %add3A, %dot_general3A_17 : vector<1x2048xf32>
    %get3A_19 = arith.constant 0 : index
    %get3A_20 = arith.constant 0 : index
    %get3A_21 = arith.constant 0 : index
    %get3A_22 = vector.load %arg2[%get3A_19, %get3A_20, %get3A_21] : memref<1x1x640xf32, #tpu.memory_space<vmem>>, vector<1x1x640xf32>
    %get3A_23 = vector.shape_cast %get3A_22 : vector<1x1x640xf32> to vector<1x640xf32>
    %get3A_24 = arith.constant 0 : index
    %get3A_25 = arith.constant 0 : index
    %get3A_26 = vector.load %arg4[%get3A_24, %get3A_25] : memref<640x2048xf32, #tpu.memory_space<vmem>>, vector<640x2048xf32>
    %convert_element_type3A_27 = arith.truncf %get3A_23 : vector<1x640xf32> to vector<1x640xbf16>
    %convert_element_type3A_28 = arith.extf %convert_element_type3A_27 : vector<1x640xbf16> to vector<1x640xf32>
    %sub3A_29 = arith.subf %get3A_23, %convert_element_type3A_28 : vector<1x640xf32>
    %convert_element_type3A_30 = arith.truncf %sub3A_29 : vector<1x640xf32> to vector<1x640xbf16>
    %convert_element_type3A_31 = arith.truncf %get3A_26 : vector<640x2048xf32> to vector<640x2048xbf16>
    %convert_element_type3A_32 = arith.extf %convert_element_type3A_31 : vector<640x2048xbf16> to vector<640x2048xf32>
    %sub3A_33 = arith.subf %get3A_26, %convert_element_type3A_32 : vector<640x2048xf32>
    %convert_element_type3A_34 = arith.truncf %sub3A_33 : vector<640x2048xf32> to vector<640x2048xbf16>
    %dot_general3A_35 = arith.constant dense<0.000000e+00> : vector<1x2048xf32>
    %dot_general3A_36 = tpu.matmul %convert_element_type3A_27, %convert_element_type3A_31, %dot_general3A_35 {dimension_numbers = #tpu.dot_dimension_numbers<[1], [0], [0], [1], [0, 0, 1, 1], [], []>, transpose_lhs_hint = false} : vector<1x640xbf16>, vector<640x2048xbf16>, vector<1x2048xf32> -> vector<1x2048xf32>
    %dot_general3A_37 = arith.constant dense<0.000000e+00> : vector<1x2048xf32>
    %dot_general3A_38 = tpu.matmul %convert_element_type3A_30, %convert_element_type3A_31, %dot_general3A_37 {dimension_numbers = #tpu.dot_dimension_numbers<[1], [0], [0], [1], [0, 0, 1, 1], [], []>, transpose_lhs_hint = false} : vector<1x640xbf16>, vector<640x2048xbf16>, vector<1x2048xf32> -> vector<1x2048xf32>
    %add3A_39 = arith.addf %dot_general3A_36, %dot_general3A_38 : vector<1x2048xf32>
    %dot_general3A_40 = arith.constant dense<0.000000e+00> : vector<1x2048xf32>
    %dot_general3A_41 = tpu.matmul %convert_element_type3A_27, %convert_element_type3A_34, %dot_general3A_40 {dimension_numbers = #tpu.dot_dimension_numbers<[1], [0], [0], [1], [0, 0, 1, 1], [], []>, transpose_lhs_hint = false} : vector<1x640xbf16>, vector<640x2048xbf16>, vector<1x2048xf32> -> vector<1x2048xf32>
    %add3A_42 = arith.addf %add3A_39, %dot_general3A_41 : vector<1x2048xf32>
    %add3A_43 = arith.addf %add3A_18, %add3A_42 : vector<1x2048xf32>
    %swap3A = arith.constant 0 : index
    %swap3A_44 = arith.constant 0 : index
    %swap3A_45 = arith.constant 0 : index
    %swap3A_46 = vector.load %arg5[%swap3A, %swap3A_44, %swap3A_45] : memref<1x1x2048xf32, #tpu.memory_space<vmem>>, vector<1x1x2048xf32>
    %swap3A_47 = vector.shape_cast %swap3A_46 : vector<1x1x2048xf32> to vector<1x2048xf32>
    %swap3A_48 = vector.shape_cast %add3A_43 : vector<1x2048xf32> to vector<1x1x2048xf32>
    tpu.vector_store %arg5[%swap3A, %swap3A_44, %swap3A_45], %swap3A_48 {strides = array<i32>} : memref<1x1x2048xf32, #tpu.memory_space<vmem>>, vector<1x1x2048xf32>,
    return
  }
  func.func @transform_0(%arg0: i32) -> (i32, i32, i32) {
    %c0_i32 = arith.constant 0 : i32
    %c0_i32_0 = arith.constant 0 : i32
    %c0_i32_1 = arith.constant 0 : i32
    return %arg0, %c0_i32, %c0_i32_0 : i32, i32, i32
  }
  func.func @transform_1(%arg0: i32) -> (i32, i32, i32) {
    %c0_i32 = arith.constant 0 : i32
    %c0_i32_0 = arith.constant 0 : i32
    %c0_i32_1 = arith.constant 0 : i32
    return %arg0, %c0_i32, %c0_i32_0 : i32, i32, i32
  }
  func.func @transform_2(%arg0: i32) -> (i32, i32) {
    %c0_i32 = arith.constant 0 : i32
    %c0_i32_0 = arith.constant 0 : i32
    %c0_i32_1 = arith.constant 0 : i32
    return %c0_i32, %c0_i32_0 : i32, i32
  }
  func.func @transform_3(%arg0: i32) -> (i32, i32) {
    %c0_i32 = arith.constant 0 : i32
    %c0_i32_0 = arith.constant 0 : i32
    %c0_i32_1 = arith.constant 0 : i32
    return %c0_i32, %c0_i32_0 : i32, i32
  }
  func.func @transform_4(%arg0: i32) -> (i32, i32, i32) {
    %c0_i32 = arith.constant 0 : i32
    %c0_i32_0 = arith.constant 0 : i32
    %c0_i32_1 = arith.constant 0 : i32
    return %arg0, %c0_i32, %c0_i32_0 : i32, i32, i32
  }
}

module attributes {stable_mosaic.version = 14 : i64} {
  func.func @_fwdv_kernel(%arg0: i32, %arg1: i32, %arg2: memref<1x2048x256xf32, #tpu.memory_space<vmem>>, %arg3: memref<2048x640xf32, #tpu.memory_space<vmem>>, %arg4: memref<2048x640xf32, #tpu.memory_space<vmem>>, %arg5: memref<2048x512xf32, #tpu.memory_space<vmem>>, %arg6: memref<2048x512xf32, #tpu.memory_space<vmem>>, %arg7: memref<1x256x640xf32, #tpu.memory_space<vmem>>, %arg8: memref<1x256x640xf32, #tpu.memory_space<vmem>>, %arg9: memref<1x256x512xf32, #tpu.memory_space<vmem>>, %arg10: memref<1x256x512xf32, #tpu.memory_space<vmem>>) attributes {dimension_semantics = [#tpu.dimension_semantics<parallel>, #tpu.dimension_semantics<parallel>], iteration_bounds = array<i64: 2, 3>, scalar_prefetch = 0 : i64, scratch_operands = 0 : i64, tpu.core_type = #tpu.core_type<tc>, window_params = [{transform_indices = @transform_0, window_bounds = array<i64: 1, 2048, 256>}, {pipeline_mode = #tpu.pipeline_mode<synchronous>, transform_indices = @transform_1, window_bounds = array<i64: 2048, 640>}, {pipeline_mode = #tpu.pipeline_mode<synchronous>, transform_indices = @transform_2, window_bounds = array<i64: 2048, 640>}, {pipeline_mode = #tpu.pipeline_mode<synchronous>, transform_indices = @transform_3, window_bounds = array<i64: 2048, 512>}, {pipeline_mode = #tpu.pipeline_mode<synchronous>, transform_indices = @transform_4, window_bounds = array<i64: 2048, 512>}, {transform_indices = @transform_5, window_bounds = array<i64: 1, 256, 640>}, {transform_indices = @transform_6, window_bounds = array<i64: 1, 256, 640>}, {transform_indices = @transform_7, window_bounds = array<i64: 1, 256, 512>}, {transform_indices = @transform_8, window_bounds = array<i64: 1, 256, 512>}]} {
    %get3A = arith.constant 0 : index
    %get3A_0 = arith.constant 0 : index
    %get3A_1 = arith.constant 0 : index
    %get3A_2 = vector.load %arg2[%get3A, %get3A_0, %get3A_1] : memref<1x2048x256xf32, #tpu.memory_space<vmem>>, vector<1x2048x256xf32>
    %get3A_3 = vector.shape_cast %get3A_2 : vector<1x2048x256xf32> to vector<2048x256xf32>
    %get3A_4 = arith.constant 0 : index
    %get3A_5 = arith.constant 0 : index
    %get3A_6 = vector.load %arg3[%get3A_4, %get3A_5] : memref<2048x640xf32, #tpu.memory_space<vmem>>, vector<2048x640xf32>
    %convert_element_type3A = arith.truncf %get3A_3 : vector<2048x256xf32> to vector<2048x256xbf16>
    %convert_element_type3A_7 = arith.extf %convert_element_type3A : vector<2048x256xbf16> to vector<2048x256xf32>
    %sub3A = arith.subf %get3A_3, %convert_element_type3A_7 : vector<2048x256xf32>
    %convert_element_type3A_8 = arith.truncf %sub3A : vector<2048x256xf32> to vector<2048x256xbf16>
    %convert_element_type3A_9 = arith.truncf %get3A_6 : vector<2048x640xf32> to vector<2048x640xbf16>
    %convert_element_type3A_10 = arith.extf %convert_element_type3A_9 : vector<2048x640xbf16> to vector<2048x640xf32>
    %sub3A_11 = arith.subf %get3A_6, %convert_element_type3A_10 : vector<2048x640xf32>
    %convert_element_type3A_12 = arith.truncf %sub3A_11 : vector<2048x640xf32> to vector<2048x640xbf16>
    %dot_general3A = arith.constant dense<0.000000e+00> : vector<256x640xf32>
    %dot_general3A_13 = tpu.matmul %convert_element_type3A, %convert_element_type3A_9, %dot_general3A {dimension_numbers = #tpu.dot_dimension_numbers<[0], [0], [1], [1], [0, 1, 1, 1], [], []>, transpose_lhs_hint = false} : vector<2048x256xbf16>, vector<2048x640xbf16>, vector<256x640xf32> -> vector<256x640xf32>
    %dot_general3A_14 = arith.constant dense<0.000000e+00> : vector<256x640xf32>
    %dot_general3A_15 = tpu.matmul %convert_element_type3A_8, %convert_element_type3A_9, %dot_general3A_14 {dimension_numbers = #tpu.dot_dimension_numbers<[0], [0], [1], [1], [0, 1, 1, 1], [], []>, transpose_lhs_hint = false} : vector<2048x256xbf16>, vector<2048x640xbf16>, vector<256x640xf32> -> vector<256x640xf32>
    %add3A = arith.addf %dot_general3A_13, %dot_general3A_15 : vector<256x640xf32>
    %dot_general3A_16 = arith.constant dense<0.000000e+00> : vector<256x640xf32>
    %dot_general3A_17 = tpu.matmul %convert_element_type3A, %convert_element_type3A_12, %dot_general3A_16 {dimension_numbers = #tpu.dot_dimension_numbers<[0], [0], [1], [1], [0, 1, 1, 1], [], []>, transpose_lhs_hint = false} : vector<2048x256xbf16>, vector<2048x640xbf16>, vector<256x640xf32> -> vector<256x640xf32>
    %add3A_18 = arith.addf %add3A, %dot_general3A_17 : vector<256x640xf32>
    %swap3A = arith.constant 0 : index
    %swap3A_19 = arith.constant 0 : index
    %swap3A_20 = arith.constant 0 : index
    %swap3A_21 = vector.load %arg7[%swap3A, %swap3A_19, %swap3A_20] : memref<1x256x640xf32, #tpu.memory_space<vmem>>, vector<1x256x640xf32>
    %swap3A_22 = vector.shape_cast %swap3A_21 : vector<1x256x640xf32> to vector<256x640xf32>
    %swap3A_23 = vector.shape_cast %add3A_18 : vector<256x640xf32> to vector<1x256x640xf32>
    tpu.vector_store %arg7[%swap3A, %swap3A_19, %swap3A_20], %swap3A_23 {strides = array<i32>} : memref<1x256x640xf32, #tpu.memory_space<vmem>>, vector<1x256x640xf32>,
    %get3A_24 = arith.constant 0 : index
    %get3A_25 = arith.constant 0 : index
    %get3A_26 = vector.load %arg4[%get3A_24, %get3A_25] : memref<2048x640xf32, #tpu.memory_space<vmem>>, vector<2048x640xf32>
    %convert_element_type3A_27 = arith.truncf %get3A_3 : vector<2048x256xf32> to vector<2048x256xbf16>
    %convert_element_type3A_28 = arith.extf %convert_element_type3A_27 : vector<2048x256xbf16> to vector<2048x256xf32>
    %sub3A_29 = arith.subf %get3A_3, %convert_element_type3A_28 : vector<2048x256xf32>
    %convert_element_type3A_30 = arith.truncf %sub3A_29 : vector<2048x256xf32> to vector<2048x256xbf16>
    %convert_element_type3A_31 = arith.truncf %get3A_26 : vector<2048x640xf32> to vector<2048x640xbf16>
    %convert_element_type3A_32 = arith.extf %convert_element_type3A_31 : vector<2048x640xbf16> to vector<2048x640xf32>
    %sub3A_33 = arith.subf %get3A_26, %convert_element_type3A_32 : vector<2048x640xf32>
    %convert_element_type3A_34 = arith.truncf %sub3A_33 : vector<2048x640xf32> to vector<2048x640xbf16>
    %dot_general3A_35 = arith.constant dense<0.000000e+00> : vector<256x640xf32>
    %dot_general3A_36 = tpu.matmul %convert_element_type3A_27, %convert_element_type3A_31, %dot_general3A_35 {dimension_numbers = #tpu.dot_dimension_numbers<[0], [0], [1], [1], [0, 1, 1, 1], [], []>, transpose_lhs_hint = false} : vector<2048x256xbf16>, vector<2048x640xbf16>, vector<256x640xf32> -> vector<256x640xf32>
    %dot_general3A_37 = arith.constant dense<0.000000e+00> : vector<256x640xf32>
    %dot_general3A_38 = tpu.matmul %convert_element_type3A_30, %convert_element_type3A_31, %dot_general3A_37 {dimension_numbers = #tpu.dot_dimension_numbers<[0], [0], [1], [1], [0, 1, 1, 1], [], []>, transpose_lhs_hint = false} : vector<2048x256xbf16>, vector<2048x640xbf16>, vector<256x640xf32> -> vector<256x640xf32>
    %add3A_39 = arith.addf %dot_general3A_36, %dot_general3A_38 : vector<256x640xf32>
    %dot_general3A_40 = arith.constant dense<0.000000e+00> : vector<256x640xf32>
    %dot_general3A_41 = tpu.matmul %convert_element_type3A_27, %convert_element_type3A_34, %dot_general3A_40 {dimension_numbers = #tpu.dot_dimension_numbers<[0], [0], [1], [1], [0, 1, 1, 1], [], []>, transpose_lhs_hint = false} : vector<2048x256xbf16>, vector<2048x640xbf16>, vector<256x640xf32> -> vector<256x640xf32>
    %add3A_42 = arith.addf %add3A_39, %dot_general3A_41 : vector<256x640xf32>
    %swap3A_43 = arith.constant 0 : index
    %swap3A_44 = arith.constant 0 : index
    %swap3A_45 = arith.constant 0 : index
    %swap3A_46 = vector.load %arg8[%swap3A_43, %swap3A_44, %swap3A_45] : memref<1x256x640xf32, #tpu.memory_space<vmem>>, vector<1x256x640xf32>
    %swap3A_47 = vector.shape_cast %swap3A_46 : vector<1x256x640xf32> to vector<256x640xf32>
    %swap3A_48 = vector.shape_cast %add3A_42 : vector<256x640xf32> to vector<1x256x640xf32>
    tpu.vector_store %arg8[%swap3A_43, %swap3A_44, %swap3A_45], %swap3A_48 {strides = array<i32>} : memref<1x256x640xf32, #tpu.memory_space<vmem>>, vector<1x256x640xf32>,
    %get3A_49 = arith.constant 0 : index
    %get3A_50 = arith.constant 0 : index
    %get3A_51 = vector.load %arg5[%get3A_49, %get3A_50] : memref<2048x512xf32, #tpu.memory_space<vmem>>, vector<2048x512xf32>
    %convert_element_type3A_52 = arith.truncf %get3A_3 : vector<2048x256xf32> to vector<2048x256xbf16>
    %convert_element_type3A_53 = arith.extf %convert_element_type3A_52 : vector<2048x256xbf16> to vector<2048x256xf32>
    %sub3A_54 = arith.subf %get3A_3, %convert_element_type3A_53 : vector<2048x256xf32>
    %convert_element_type3A_55 = arith.truncf %sub3A_54 : vector<2048x256xf32> to vector<2048x256xbf16>
    %convert_element_type3A_56 = arith.truncf %get3A_51 : vector<2048x512xf32> to vector<2048x512xbf16>
    %convert_element_type3A_57 = arith.extf %convert_element_type3A_56 : vector<2048x512xbf16> to vector<2048x512xf32>
    %sub3A_58 = arith.subf %get3A_51, %convert_element_type3A_57 : vector<2048x512xf32>
    %convert_element_type3A_59 = arith.truncf %sub3A_58 : vector<2048x512xf32> to vector<2048x512xbf16>
    %dot_general3A_60 = arith.constant dense<0.000000e+00> : vector<256x512xf32>
    %dot_general3A_61 = tpu.matmul %convert_element_type3A_52, %convert_element_type3A_56, %dot_general3A_60 {dimension_numbers = #tpu.dot_dimension_numbers<[0], [0], [1], [1], [0, 1, 1, 1], [], []>, transpose_lhs_hint = false} : vector<2048x256xbf16>, vector<2048x512xbf16>, vector<256x512xf32> -> vector<256x512xf32>
    %dot_general3A_62 = arith.constant dense<0.000000e+00> : vector<256x512xf32>
    %dot_general3A_63 = tpu.matmul %convert_element_type3A_55, %convert_element_type3A_56, %dot_general3A_62 {dimension_numbers = #tpu.dot_dimension_numbers<[0], [0], [1], [1], [0, 1, 1, 1], [], []>, transpose_lhs_hint = false} : vector<2048x256xbf16>, vector<2048x512xbf16>, vector<256x512xf32> -> vector<256x512xf32>
    %add3A_64 = arith.addf %dot_general3A_61, %dot_general3A_63 : vector<256x512xf32>
    %dot_general3A_65 = arith.constant dense<0.000000e+00> : vector<256x512xf32>
    %dot_general3A_66 = tpu.matmul %convert_element_type3A_52, %convert_element_type3A_59, %dot_general3A_65 {dimension_numbers = #tpu.dot_dimension_numbers<[0], [0], [1], [1], [0, 1, 1, 1], [], []>, transpose_lhs_hint = false} : vector<2048x256xbf16>, vector<2048x512xbf16>, vector<256x512xf32> -> vector<256x512xf32>
    %add3A_67 = arith.addf %add3A_64, %dot_general3A_66 : vector<256x512xf32>
    %swap3A_68 = arith.constant 0 : index
    %swap3A_69 = arith.constant 0 : index
    %swap3A_70 = arith.constant 0 : index
    %swap3A_71 = vector.load %arg9[%swap3A_68, %swap3A_69, %swap3A_70] : memref<1x256x512xf32, #tpu.memory_space<vmem>>, vector<1x256x512xf32>
    %swap3A_72 = vector.shape_cast %swap3A_71 : vector<1x256x512xf32> to vector<256x512xf32>
    %swap3A_73 = vector.shape_cast %add3A_67 : vector<256x512xf32> to vector<1x256x512xf32>
    tpu.vector_store %arg9[%swap3A_68, %swap3A_69, %swap3A_70], %swap3A_73 {strides = array<i32>} : memref<1x256x512xf32, #tpu.memory_space<vmem>>, vector<1x256x512xf32>,
    %get3A_74 = arith.constant 0 : index
    %get3A_75 = arith.constant 0 : index
    %get3A_76 = vector.load %arg6[%get3A_74, %get3A_75] : memref<2048x512xf32, #tpu.memory_space<vmem>>, vector<2048x512xf32>
    %convert_element_type3A_77 = arith.truncf %get3A_3 : vector<2048x256xf32> to vector<2048x256xbf16>
    %convert_element_type3A_78 = arith.extf %convert_element_type3A_77 : vector<2048x256xbf16> to vector<2048x256xf32>
    %sub3A_79 = arith.subf %get3A_3, %convert_element_type3A_78 : vector<2048x256xf32>
    %convert_element_type3A_80 = arith.truncf %sub3A_79 : vector<2048x256xf32> to vector<2048x256xbf16>
    %convert_element_type3A_81 = arith.truncf %get3A_76 : vector<2048x512xf32> to vector<2048x512xbf16>
    %convert_element_type3A_82 = arith.extf %convert_element_type3A_81 : vector<2048x512xbf16> to vector<2048x512xf32>
    %sub3A_83 = arith.subf %get3A_76, %convert_element_type3A_82 : vector<2048x512xf32>
    %convert_element_type3A_84 = arith.truncf %sub3A_83 : vector<2048x512xf32> to vector<2048x512xbf16>
    %dot_general3A_85 = arith.constant dense<0.000000e+00> : vector<256x512xf32>
    %dot_general3A_86 = tpu.matmul %convert_element_type3A_77, %convert_element_type3A_81, %dot_general3A_85 {dimension_numbers = #tpu.dot_dimension_numbers<[0], [0], [1], [1], [0, 1, 1, 1], [], []>, transpose_lhs_hint = false} : vector<2048x256xbf16>, vector<2048x512xbf16>, vector<256x512xf32> -> vector<256x512xf32>
    %dot_general3A_87 = arith.constant dense<0.000000e+00> : vector<256x512xf32>
    %dot_general3A_88 = tpu.matmul %convert_element_type3A_80, %convert_element_type3A_81, %dot_general3A_87 {dimension_numbers = #tpu.dot_dimension_numbers<[0], [0], [1], [1], [0, 1, 1, 1], [], []>, transpose_lhs_hint = false} : vector<2048x256xbf16>, vector<2048x512xbf16>, vector<256x512xf32> -> vector<256x512xf32>
    %add3A_89 = arith.addf %dot_general3A_86, %dot_general3A_88 : vector<256x512xf32>
    %dot_general3A_90 = arith.constant dense<0.000000e+00> : vector<256x512xf32>
    %dot_general3A_91 = tpu.matmul %convert_element_type3A_77, %convert_element_type3A_84, %dot_general3A_90 {dimension_numbers = #tpu.dot_dimension_numbers<[0], [0], [1], [1], [0, 1, 1, 1], [], []>, transpose_lhs_hint = false} : vector<2048x256xbf16>, vector<2048x512xbf16>, vector<256x512xf32> -> vector<256x512xf32>
    %add3A_92 = arith.addf %add3A_89, %dot_general3A_91 : vector<256x512xf32>
    %swap3A_93 = arith.constant 0 : index
    %swap3A_94 = arith.constant 0 : index
    %swap3A_95 = arith.constant 0 : index
    %swap3A_96 = vector.load %arg10[%swap3A_93, %swap3A_94, %swap3A_95] : memref<1x256x512xf32, #tpu.memory_space<vmem>>, vector<1x256x512xf32>
    %swap3A_97 = vector.shape_cast %swap3A_96 : vector<1x256x512xf32> to vector<256x512xf32>
    %swap3A_98 = vector.shape_cast %add3A_92 : vector<256x512xf32> to vector<1x256x512xf32>
    tpu.vector_store %arg10[%swap3A_93, %swap3A_94, %swap3A_95], %swap3A_98 {strides = array<i32>} : memref<1x256x512xf32, #tpu.memory_space<vmem>>, vector<1x256x512xf32>,
    return
  }
  func.func @transform_0(%arg0: i32, %arg1: i32) -> (i32, i32, i32) {
    %c0_i32 = arith.constant 0 : i32
    %c0_i32_0 = arith.constant 0 : i32
    return %arg0, %c0_i32, %arg1 : i32, i32, i32
  }
  func.func @transform_1(%arg0: i32, %arg1: i32) -> (i32, i32) {
    %c0_i32 = arith.constant 0 : i32
    %c0_i32_0 = arith.constant 0 : i32
    %c0_i32_1 = arith.constant 0 : i32
    return %c0_i32, %c0_i32_0 : i32, i32
  }
  func.func @transform_2(%arg0: i32, %arg1: i32) -> (i32, i32) {
    %c0_i32 = arith.constant 0 : i32
    %c0_i32_0 = arith.constant 0 : i32
    %c0_i32_1 = arith.constant 0 : i32
    return %c0_i32, %c0_i32_0 : i32, i32
  }
  func.func @transform_3(%arg0: i32, %arg1: i32) -> (i32, i32) {
    %c0_i32 = arith.constant 0 : i32
    %c0_i32_0 = arith.constant 0 : i32
    %c0_i32_1 = arith.constant 0 : i32
    return %c0_i32, %c0_i32_0 : i32, i32
  }
  func.func @transform_4(%arg0: i32, %arg1: i32) -> (i32, i32) {
    %c0_i32 = arith.constant 0 : i32
    %c0_i32_0 = arith.constant 0 : i32
    %c0_i32_1 = arith.constant 0 : i32
    return %c0_i32, %c0_i32_0 : i32, i32
  }
  func.func @transform_5(%arg0: i32, %arg1: i32) -> (i32, i32, i32) {
    %c0_i32 = arith.constant 0 : i32
    %c0_i32_0 = arith.constant 0 : i32
    return %arg0, %arg1, %c0_i32 : i32, i32, i32
  }
  func.func @transform_6(%arg0: i32, %arg1: i32) -> (i32, i32, i32) {
    %c0_i32 = arith.constant 0 : i32
    %c0_i32_0 = arith.constant 0 : i32
    return %arg0, %arg1, %c0_i32 : i32, i32, i32
  }
  func.func @transform_7(%arg0: i32, %arg1: i32) -> (i32, i32, i32) {
    %c0_i32 = arith.constant 0 : i32
    %c0_i32_0 = arith.constant 0 : i32
    return %arg0, %arg1, %c0_i32 : i32, i32, i32
  }
  func.func @transform_8(%arg0: i32, %arg1: i32) -> (i32, i32, i32) {
    %c0_i32 = arith.constant 0 : i32
    %c0_i32_0 = arith.constant 0 : i32
    return %arg0, %arg1, %c0_i32 : i32, i32, i32
  }
}

module attributes {stable_mosaic.version = 14 : i64} {
  func.func @_inv_kernel(%arg0: i32, %arg1: i32, %arg2: memref<1x256x640xf32, #tpu.memory_space<vmem>>, %arg3: memref<1x256x640xf32, #tpu.memory_space<vmem>>, %arg4: memref<1x256x640xf32, #tpu.memory_space<vmem>>, %arg5: memref<1x256x640xf32, #tpu.memory_space<vmem>>, %arg6: memref<1x256x640xf32, #tpu.memory_space<vmem>>, %arg7: memref<1x256x640xf32, #tpu.memory_space<vmem>>, %arg8: memref<640x2048xf32, #tpu.memory_space<vmem>>, %arg9: memref<640x2048xf32, #tpu.memory_space<vmem>>, %arg10: memref<1x256x2048xf32, #tpu.memory_space<vmem>>, %arg11: memref<1x256x2048xf32, #tpu.memory_space<vmem>>, %arg12: memref<1x256x2048xf32, #tpu.memory_space<vmem>>) attributes {dimension_semantics = [#tpu.dimension_semantics<parallel>, #tpu.dimension_semantics<parallel>], iteration_bounds = array<i64: 2, 3>, scalar_prefetch = 0 : i64, scratch_operands = 0 : i64, tpu.core_type = #tpu.core_type<tc>, window_params = [{transform_indices = @transform_0, window_bounds = array<i64: 1, 256, 640>}, {transform_indices = @transform_1, window_bounds = array<i64: 1, 256, 640>}, {transform_indices = @transform_2, window_bounds = array<i64: 1, 256, 640>}, {transform_indices = @transform_3, window_bounds = array<i64: 1, 256, 640>}, {transform_indices = @transform_4, window_bounds = array<i64: 1, 256, 640>}, {transform_indices = @transform_5, window_bounds = array<i64: 1, 256, 640>}, {pipeline_mode = #tpu.pipeline_mode<synchronous>, transform_indices = @transform_6, window_bounds = array<i64: 640, 2048>}, {pipeline_mode = #tpu.pipeline_mode<synchronous>, transform_indices = @transform_7, window_bounds = array<i64: 640, 2048>}, {transform_indices = @transform_8, window_bounds = array<i64: 1, 256, 2048>}, {transform_indices = @transform_9, window_bounds = array<i64: 1, 256, 2048>}, {transform_indices = @transform_10, window_bounds = array<i64: 1, 256, 2048>}]} {
    %get3A = arith.constant 0 : index
    %get3A_0 = arith.constant 0 : index
    %get3A_1 = vector.load %arg8[%get3A, %get3A_0] : memref<640x2048xf32, #tpu.memory_space<vmem>>, vector<640x2048xf32>
    %get3A_2 = arith.constant 0 : index
    %get3A_3 = arith.constant 0 : index
    %get3A_4 = vector.load %arg9[%get3A_2, %get3A_3] : memref<640x2048xf32, #tpu.memory_space<vmem>>, vector<640x2048xf32>
    %convert_element_type3A = arith.truncf %get3A_1 : vector<640x2048xf32> to vector<640x2048xbf16>
    %convert_element_type3A_5 = arith.truncf %get3A_4 : vector<640x2048xf32> to vector<640x2048xbf16>
    %get3A_6 = arith.constant 0 : index
    %get3A_7 = arith.constant 0 : index
    %get3A_8 = arith.constant 0 : index
    %get3A_9 = vector.load %arg2[%get3A_6, %get3A_7, %get3A_8] : memref<1x256x640xf32, #tpu.memory_space<vmem>>, vector<1x256x640xf32>
    %get3A_10 = vector.shape_cast %get3A_9 : vector<1x256x640xf32> to vector<256x640xf32>
    %convert_element_type3A_11 = arith.truncf %get3A_10 : vector<256x640xf32> to vector<256x640xbf16>
    %dot_general3A = arith.constant dense<0.000000e+00> : vector<256x2048xf32>
    %dot_general3A_12 = tpu.matmul %convert_element_type3A_11, %convert_element_type3A, %dot_general3A {dimension_numbers = #tpu.dot_dimension_numbers<[1], [0], [0], [1], [0, 0, 1, 1], [], []>, transpose_lhs_hint = false} : vector<256x640xbf16>, vector<640x2048xbf16>, vector<256x2048xf32> -> vector<256x2048xf32>
    %get3A_13 = arith.constant 0 : index
    %get3A_14 = arith.constant 0 : index
    %get3A_15 = arith.constant 0 : index
    %get3A_16 = vector.load %arg3[%get3A_13, %get3A_14, %get3A_15] : memref<1x256x640xf32, #tpu.memory_space<vmem>>, vector<1x256x640xf32>
    %get3A_17 = vector.shape_cast %get3A_16 : vector<1x256x640xf32> to vector<256x640xf32>
    %convert_element_type3A_18 = arith.truncf %get3A_17 : vector<256x640xf32> to vector<256x640xbf16>
    %dot_general3A_19 = arith.constant dense<0.000000e+00> : vector<256x2048xf32>
    %dot_general3A_20 = tpu.matmul %convert_element_type3A_18, %convert_element_type3A_5, %dot_general3A_19 {dimension_numbers = #tpu.dot_dimension_numbers<[1], [0], [0], [1], [0, 0, 1, 1], [], []>, transpose_lhs_hint = false} : vector<256x640xbf16>, vector<640x2048xbf16>, vector<256x2048xf32> -> vector<256x2048xf32>
    %add3A = arith.addf %dot_general3A_12, %dot_general3A_20 : vector<256x2048xf32>
    %swap3A = arith.constant 0 : index
    %swap3A_21 = arith.constant 0 : index
    %swap3A_22 = arith.constant 0 : index
    %swap3A_23 = vector.load %arg10[%swap3A, %swap3A_21, %swap3A_22] : memref<1x256x2048xf32, #tpu.memory_space<vmem>>, vector<1x256x2048xf32>
    %swap3A_24 = vector.shape_cast %swap3A_23 : vector<1x256x2048xf32> to vector<256x2048xf32>
    %swap3A_25 = vector.shape_cast %add3A : vector<256x2048xf32> to vector<1x256x2048xf32>
    tpu.vector_store %arg10[%swap3A, %swap3A_21, %swap3A_22], %swap3A_25 {strides = array<i32>} : memref<1x256x2048xf32, #tpu.memory_space<vmem>>, vector<1x256x2048xf32>,
    %get3A_26 = arith.constant 0 : index
    %get3A_27 = arith.constant 0 : index
    %get3A_28 = arith.constant 0 : index
    %get3A_29 = vector.load %arg4[%get3A_26, %get3A_27, %get3A_28] : memref<1x256x640xf32, #tpu.memory_space<vmem>>, vector<1x256x640xf32>
    %get3A_30 = vector.shape_cast %get3A_29 : vector<1x256x640xf32> to vector<256x640xf32>
    %convert_element_type3A_31 = arith.truncf %get3A_30 : vector<256x640xf32> to vector<256x640xbf16>
    %dot_general3A_32 = arith.constant dense<0.000000e+00> : vector<256x2048xf32>
    %dot_general3A_33 = tpu.matmul %convert_element_type3A_31, %convert_element_type3A, %dot_general3A_32 {dimension_numbers = #tpu.dot_dimension_numbers<[1], [0], [0], [1], [0, 0, 1, 1], [], []>, transpose_lhs_hint = false} : vector<256x640xbf16>, vector<640x2048xbf16>, vector<256x2048xf32> -> vector<256x2048xf32>
    %get3A_34 = arith.constant 0 : index
    %get3A_35 = arith.constant 0 : index
    %get3A_36 = arith.constant 0 : index
    %get3A_37 = vector.load %arg5[%get3A_34, %get3A_35, %get3A_36] : memref<1x256x640xf32, #tpu.memory_space<vmem>>, vector<1x256x640xf32>
    %get3A_38 = vector.shape_cast %get3A_37 : vector<1x256x640xf32> to vector<256x640xf32>
    %convert_element_type3A_39 = arith.truncf %get3A_38 : vector<256x640xf32> to vector<256x640xbf16>
    %dot_general3A_40 = arith.constant dense<0.000000e+00> : vector<256x2048xf32>
    %dot_general3A_41 = tpu.matmul %convert_element_type3A_39, %convert_element_type3A_5, %dot_general3A_40 {dimension_numbers = #tpu.dot_dimension_numbers<[1], [0], [0], [1], [0, 0, 1, 1], [], []>, transpose_lhs_hint = false} : vector<256x640xbf16>, vector<640x2048xbf16>, vector<256x2048xf32> -> vector<256x2048xf32>
    %add3A_42 = arith.addf %dot_general3A_33, %dot_general3A_41 : vector<256x2048xf32>
    %swap3A_43 = arith.constant 0 : index
    %swap3A_44 = arith.constant 0 : index
    %swap3A_45 = arith.constant 0 : index
    %swap3A_46 = vector.load %arg11[%swap3A_43, %swap3A_44, %swap3A_45] : memref<1x256x2048xf32, #tpu.memory_space<vmem>>, vector<1x256x2048xf32>
    %swap3A_47 = vector.shape_cast %swap3A_46 : vector<1x256x2048xf32> to vector<256x2048xf32>
    %swap3A_48 = vector.shape_cast %add3A_42 : vector<256x2048xf32> to vector<1x256x2048xf32>
    tpu.vector_store %arg11[%swap3A_43, %swap3A_44, %swap3A_45], %swap3A_48 {strides = array<i32>} : memref<1x256x2048xf32, #tpu.memory_space<vmem>>, vector<1x256x2048xf32>,
    %get3A_49 = arith.constant 0 : index
    %get3A_50 = arith.constant 0 : index
    %get3A_51 = arith.constant 0 : index
    %get3A_52 = vector.load %arg6[%get3A_49, %get3A_50, %get3A_51] : memref<1x256x640xf32, #tpu.memory_space<vmem>>, vector<1x256x640xf32>
    %get3A_53 = vector.shape_cast %get3A_52 : vector<1x256x640xf32> to vector<256x640xf32>
    %convert_element_type3A_54 = arith.truncf %get3A_53 : vector<256x640xf32> to vector<256x640xbf16>
    %convert_element_type3A_55 = arith.extf %convert_element_type3A_54 : vector<256x640xbf16> to vector<256x640xf32>
    %sub3A = arith.subf %get3A_53, %convert_element_type3A_55 : vector<256x640xf32>
    %convert_element_type3A_56 = arith.truncf %sub3A : vector<256x640xf32> to vector<256x640xbf16>
    %convert_element_type3A_57 = arith.truncf %get3A_1 : vector<640x2048xf32> to vector<640x2048xbf16>
    %convert_element_type3A_58 = arith.extf %convert_element_type3A_57 : vector<640x2048xbf16> to vector<640x2048xf32>
    %sub3A_59 = arith.subf %get3A_1, %convert_element_type3A_58 : vector<640x2048xf32>
    %convert_element_type3A_60 = arith.truncf %sub3A_59 : vector<640x2048xf32> to vector<640x2048xbf16>
    %dot_general3A_61 = arith.constant dense<0.000000e+00> : vector<256x2048xf32>
    %dot_general3A_62 = tpu.matmul %convert_element_type3A_54, %convert_element_type3A_57, %dot_general3A_61 {dimension_numbers = #tpu.dot_dimension_numbers<[1], [0], [0], [1], [0, 0, 1, 1], [], []>, transpose_lhs_hint = false} : vector<256x640xbf16>, vector<640x2048xbf16>, vector<256x2048xf32> -> vector<256x2048xf32>
    %dot_general3A_63 = arith.constant dense<0.000000e+00> : vector<256x2048xf32>
    %dot_general3A_64 = tpu.matmul %convert_element_type3A_56, %convert_element_type3A_57, %dot_general3A_63 {dimension_numbers = #tpu.dot_dimension_numbers<[1], [0], [0], [1], [0, 0, 1, 1], [], []>, transpose_lhs_hint = false} : vector<256x640xbf16>, vector<640x2048xbf16>, vector<256x2048xf32> -> vector<256x2048xf32>
    %add3A_65 = arith.addf %dot_general3A_62, %dot_general3A_64 : vector<256x2048xf32>
    %dot_general3A_66 = arith.constant dense<0.000000e+00> : vector<256x2048xf32>
    %dot_general3A_67 = tpu.matmul %convert_element_type3A_54, %convert_element_type3A_60, %dot_general3A_66 {dimension_numbers = #tpu.dot_dimension_numbers<[1], [0], [0], [1], [0, 0, 1, 1], [], []>, transpose_lhs_hint = false} : vector<256x640xbf16>, vector<640x2048xbf16>, vector<256x2048xf32> -> vector<256x2048xf32>
    %add3A_68 = arith.addf %add3A_65, %dot_general3A_67 : vector<256x2048xf32>
    %get3A_69 = arith.constant 0 : index
    %get3A_70 = arith.constant 0 : index
    %get3A_71 = arith.constant 0 : index
    %get3A_72 = vector.load %arg7[%get3A_69, %get3A_70, %get3A_71] : memref<1x256x640xf32, #tpu.memory_space<vmem>>, vector<1x256x640xf32>
    %get3A_73 = vector.shape_cast %get3A_72 : vector<1x256x640xf32> to vector<256x640xf32>
    %convert_element_type3A_74 = arith.truncf %get3A_73 : vector<256x640xf32> to vector<256x640xbf16>
    %convert_element_type3A_75 = arith.extf %convert_element_type3A_74 : vector<256x640xbf16> to vector<256x640xf32>
    %sub3A_76 = arith.subf %get3A_73, %convert_element_type3A_75 : vector<256x640xf32>
    %convert_element_type3A_77 = arith.truncf %sub3A_76 : vector<256x640xf32> to vector<256x640xbf16>
    %convert_element_type3A_78 = arith.truncf %get3A_4 : vector<640x2048xf32> to vector<640x2048xbf16>
    %convert_element_type3A_79 = arith.extf %convert_element_type3A_78 : vector<640x2048xbf16> to vector<640x2048xf32>
    %sub3A_80 = arith.subf %get3A_4, %convert_element_type3A_79 : vector<640x2048xf32>
    %convert_element_type3A_81 = arith.truncf %sub3A_80 : vector<640x2048xf32> to vector<640x2048xbf16>
    %dot_general3A_82 = arith.constant dense<0.000000e+00> : vector<256x2048xf32>
    %dot_general3A_83 = tpu.matmul %convert_element_type3A_74, %convert_element_type3A_78, %dot_general3A_82 {dimension_numbers = #tpu.dot_dimension_numbers<[1], [0], [0], [1], [0, 0, 1, 1], [], []>, transpose_lhs_hint = false} : vector<256x640xbf16>, vector<640x2048xbf16>, vector<256x2048xf32> -> vector<256x2048xf32>
    %dot_general3A_84 = arith.constant dense<0.000000e+00> : vector<256x2048xf32>
    %dot_general3A_85 = tpu.matmul %convert_element_type3A_77, %convert_element_type3A_78, %dot_general3A_84 {dimension_numbers = #tpu.dot_dimension_numbers<[1], [0], [0], [1], [0, 0, 1, 1], [], []>, transpose_lhs_hint = false} : vector<256x640xbf16>, vector<640x2048xbf16>, vector<256x2048xf32> -> vector<256x2048xf32>
    %add3A_86 = arith.addf %dot_general3A_83, %dot_general3A_85 : vector<256x2048xf32>
    %dot_general3A_87 = arith.constant dense<0.000000e+00> : vector<256x2048xf32>
    %dot_general3A_88 = tpu.matmul %convert_element_type3A_74, %convert_element_type3A_81, %dot_general3A_87 {dimension_numbers = #tpu.dot_dimension_numbers<[1], [0], [0], [1], [0, 0, 1, 1], [], []>, transpose_lhs_hint = false} : vector<256x640xbf16>, vector<640x2048xbf16>, vector<256x2048xf32> -> vector<256x2048xf32>
    %add3A_89 = arith.addf %add3A_86, %dot_general3A_88 : vector<256x2048xf32>
    %add3A_90 = arith.addf %add3A_68, %add3A_89 : vector<256x2048xf32>
    %swap3A_91 = arith.constant 0 : index
    %swap3A_92 = arith.constant 0 : index
    %swap3A_93 = arith.constant 0 : index
    %swap3A_94 = vector.load %arg12[%swap3A_91, %swap3A_92, %swap3A_93] : memref<1x256x2048xf32, #tpu.memory_space<vmem>>, vector<1x256x2048xf32>
    %swap3A_95 = vector.shape_cast %swap3A_94 : vector<1x256x2048xf32> to vector<256x2048xf32>
    %swap3A_96 = vector.shape_cast %add3A_90 : vector<256x2048xf32> to vector<1x256x2048xf32>
    tpu.vector_store %arg12[%swap3A_91, %swap3A_92, %swap3A_93], %swap3A_96 {strides = array<i32>} : memref<1x256x2048xf32, #tpu.memory_space<vmem>>, vector<1x256x2048xf32>,
    return
  }
  func.func @transform_0(%arg0: i32, %arg1: i32) -> (i32, i32, i32) {
    %c0_i32 = arith.constant 0 : i32
    %c0_i32_0 = arith.constant 0 : i32
    return %arg0, %arg1, %c0_i32 : i32, i32, i32
  }
  func.func @transform_1(%arg0: i32, %arg1: i32) -> (i32, i32, i32) {
    %c0_i32 = arith.constant 0 : i32
    %c0_i32_0 = arith.constant 0 : i32
    return %arg0, %arg1, %c0_i32 : i32, i32, i32
  }
  func.func @transform_2(%arg0: i32, %arg1: i32) -> (i32, i32, i32) {
    %c0_i32 = arith.constant 0 : i32
    %c0_i32_0 = arith.constant 0 : i32
    return %arg0, %arg1, %c0_i32 : i32, i32, i32
  }
  func.func @transform_3(%arg0: i32, %arg1: i32) -> (i32, i32, i32) {
    %c0_i32 = arith.constant 0 : i32
    %c0_i32_0 = arith.constant 0 : i32
    return %arg0, %arg1, %c0_i32 : i32, i32, i32
  }
  func.func @transform_4(%arg0: i32, %arg1: i32) -> (i32, i32, i32) {
    %c0_i32 = arith.constant 0 : i32
    %c0_i32_0 = arith.constant 0 : i32
    return %arg0, %arg1, %c0_i32 : i32, i32, i32
  }
  func.func @transform_5(%arg0: i32, %arg1: i32) -> (i32, i32, i32) {
    %c0_i32 = arith.constant 0 : i32
    %c0_i32_0 = arith.constant 0 : i32
    return %arg0, %arg1, %c0_i32 : i32, i32, i32
  }
  func.func @transform_6(%arg0: i32, %arg1: i32) -> (i32, i32) {
    %c0_i32 = arith.constant 0 : i32
    %c0_i32_0 = arith.constant 0 : i32
    %c0_i32_1 = arith.constant 0 : i32
    return %c0_i32, %c0_i32_0 : i32, i32
  }
  func.func @transform_7(%arg0: i32, %arg1: i32) -> (i32, i32) {
    %c0_i32 = arith.constant 0 : i32
    %c0_i32_0 = arith.constant 0 : i32
    %c0_i32_1 = arith.constant 0 : i32
    return %c0_i32, %c0_i32_0 : i32, i32
  }
  func.func @transform_8(%arg0: i32, %arg1: i32) -> (i32, i32, i32) {
    %c0_i32 = arith.constant 0 : i32
    %c0_i32_0 = arith.constant 0 : i32
    return %arg0, %arg1, %c0_i32 : i32, i32, i32
  }
  func.func @transform_9(%arg0: i32, %arg1: i32) -> (i32, i32, i32) {
    %c0_i32 = arith.constant 0 : i32
    %c0_i32_0 = arith.constant 0 : i32
    return %arg0, %arg1, %c0_i32 : i32, i32, i32
  }
  func.func @transform_10(%arg0: i32, %arg1: i32) -> (i32, i32, i32) {
    %c0_i32 = arith.constant 0 : i32
    %c0_i32_0 = arith.constant 0 : i32
    return %arg0, %arg1, %c0_i32 : i32, i32, i32
  }
}

module attributes {stable_mosaic.version = 14 : i64} {
  func.func @_attn_kernel(%arg0: i32, %arg1: i32, %arg2: i32, %arg3: memref<1x64x1024xf32, #tpu.memory_space<vmem>>, %arg4: memref<1x64x2048xf32, #tpu.memory_space<vmem>>, %arg5: memref<1x64x2048xf32, #tpu.memory_space<vmem>>, %arg6: memref<1x1x1024x64xf32, #tpu.memory_space<vmem>>) attributes {dimension_semantics = [#tpu.dimension_semantics<parallel>, #tpu.dimension_semantics<parallel>, #tpu.dimension_semantics<parallel>], iteration_bounds = array<i64: 2, 12, 2>, scalar_prefetch = 0 : i64, scratch_operands = 0 : i64, tpu.core_type = #tpu.core_type<tc>, window_params = [{transform_indices = @transform_0, window_bounds = array<i64: 1, 64, 1024>}, {transform_indices = @transform_1, window_bounds = array<i64: 1, 64, 2048>}, {transform_indices = @transform_2, window_bounds = array<i64: 1, 64, 2048>}, {transform_indices = @transform_3, window_bounds = array<i64: 1, 1, 1024, 64>}]} {
    %get3A = arith.constant 0 : index
    %get3A_0 = arith.constant 0 : index
    %get3A_1 = arith.constant 0 : index
    %get3A_2 = vector.load %arg3[%get3A, %get3A_0, %get3A_1] : memref<1x64x1024xf32, #tpu.memory_space<vmem>>, vector<1x64x1024xf32>
    %get3A_3 = vector.shape_cast %get3A_2 : vector<1x64x1024xf32> to vector<64x1024xf32>
    %convert_element_type3A = arith.truncf %get3A_3 : vector<64x1024xf32> to vector<64x1024xbf16>
    %get3A_4 = arith.constant 0 : index
    %get3A_5 = arith.constant 0 : index
    %get3A_6 = arith.constant 0 : index
    %get3A_7 = vector.load %arg4[%get3A_4, %get3A_5, %get3A_6] : memref<1x64x2048xf32, #tpu.memory_space<vmem>>, vector<1x64x2048xf32>
    %get3A_8 = vector.shape_cast %get3A_7 : vector<1x64x2048xf32> to vector<64x2048xf32>
    %convert_element_type3A_9 = arith.truncf %get3A_8 : vector<64x2048xf32> to vector<64x2048xbf16>
    %dot_general3A = arith.constant dense<0.000000e+00> : vector<1024x2048xf32>
    %dot_general3A_10 = tpu.matmul %convert_element_type3A, %convert_element_type3A_9, %dot_general3A {dimension_numbers = #tpu.dot_dimension_numbers<[0], [0], [1], [1], [0, 1, 1, 1], [], []>, transpose_lhs_hint = false} : vector<64x1024xbf16>, vector<64x2048xbf16>, vector<1024x2048xf32> -> vector<1024x2048xf32>
    %mul3A = arith.constant 1.250000e-01 : f32
    %mul3A_11 = vector.broadcast %mul3A : f32 to vector<1024x2048xf32>
    %mul3A_12 = arith.mulf %dot_general3A_10, %mul3A_11 : vector<1024x2048xf32>
    %exp3A = math.exp %mul3A_12 : vector<1024x2048xf32>
    %reduce_sum3A = arith.constant dense<0.000000e+00> : vector<1024xf32>
    %reduce_sum3A_13 = vector.multi_reduction <add>, %exp3A, %reduce_sum3A [1] : vector<1024x2048xf32> to vector<1024xf32>
    %broadcast_in_dim3A = vector.shape_cast %reduce_sum3A_13 : vector<1024xf32> to vector<1024x1xf32>
    %convert_element_type3A_14 = arith.truncf %exp3A : vector<1024x2048xf32> to vector<1024x2048xbf16>
    %get3A_15 = arith.constant 0 : index
    %get3A_16 = arith.constant 0 : index
    %get3A_17 = arith.constant 0 : index
    %get3A_18 = vector.load %arg5[%get3A_15, %get3A_16, %get3A_17] : memref<1x64x2048xf32, #tpu.memory_space<vmem>>, vector<1x64x2048xf32>
    %get3A_19 = vector.shape_cast %get3A_18 : vector<1x64x2048xf32> to vector<64x2048xf32>
    %convert_element_type3A_20 = arith.truncf %get3A_19 : vector<64x2048xf32> to vector<64x2048xbf16>
    %dot_general3A_21 = arith.constant dense<0.000000e+00> : vector<1024x64xf32>
    %dot_general3A_22 = tpu.matmul %convert_element_type3A_14, %convert_element_type3A_20, %dot_general3A_21 {dimension_numbers = #tpu.dot_dimension_numbers<[1], [1], [0], [0], [0, 0, 1, 0], [], []>, transpose_lhs_hint = false} : vector<1024x2048xbf16>, vector<64x2048xbf16>, vector<1024x64xf32> -> vector<1024x64xf32>
    %div3A = vector.broadcast %broadcast_in_dim3A : vector<1024x1xf32> to vector<1024x64xf32>
    %div3A_23 = arith.divf %dot_general3A_22, %div3A : vector<1024x64xf32>
    %swap3A = arith.constant 0 : index
    %swap3A_24 = arith.constant 0 : index
    %swap3A_25 = arith.constant 0 : index
    %swap3A_26 = arith.constant 0 : index
    %swap3A_27 = vector.load %arg6[%swap3A, %swap3A_24, %swap3A_25, %swap3A_26] : memref<1x1x1024x64xf32, #tpu.memory_space<vmem>>, vector<1x1x1024x64xf32>
    %swap3A_28 = vector.shape_cast %swap3A_27 : vector<1x1x1024x64xf32> to vector<1024x64xf32>
    %swap3A_29 = vector.shape_cast %div3A_23 : vector<1024x64xf32> to vector<1x1x1024x64xf32>
    tpu.vector_store %arg6[%swap3A, %swap3A_24, %swap3A_25, %swap3A_26], %swap3A_29 {strides = array<i32>} : memref<1x1x1024x64xf32, #tpu.memory_space<vmem>>, vector<1x1x1024x64xf32>,
    return
  }
  func.func @transform_0(%arg0: i32, %arg1: i32, %arg2: i32) -> (i32, i32, i32) {
    %c0_i32 = arith.constant 0 : i32
    return %arg0, %arg1, %arg2 : i32, i32, i32
  }
  func.func @transform_1(%arg0: i32, %arg1: i32, %arg2: i32) -> (i32, i32, i32) {
    %c0_i32 = arith.constant 0 : i32
    %c0_i32_0 = arith.constant 0 : i32
    return %arg0, %arg1, %c0_i32 : i32, i32, i32
  }
  func.func @transform_2(%arg0: i32, %arg1: i32, %arg2: i32) -> (i32, i32, i32) {
    %c0_i32 = arith.constant 0 : i32
    %c0_i32_0 = arith.constant 0 : i32
    return %arg0, %arg1, %c0_i32 : i32, i32, i32
  }
  func.func @transform_3(%arg0: i32, %arg1: i32, %arg2: i32) -> (i32, i32, i32, i32) {
    %c0_i32 = arith.constant 0 : i32
    %c0_i32_0 = arith.constant 0 : i32
    return %arg0, %arg1, %arg2, %c0_i32 : i32, i32, i32, i32
  }
}

module attributes {stable_mosaic.version = 14 : i64} {
  func.func @_gf_kernel(%arg0: i32, %arg1: memref<1x1x2048xf32, #tpu.memory_space<vmem>>, %arg2: memref<2048x640xf32, #tpu.memory_space<vmem>>, %arg3: memref<2048x640xf32, #tpu.memory_space<vmem>>, %arg4: memref<2048x512xf32, #tpu.memory_space<vmem>>, %arg5: memref<2048x512xf32, #tpu.memory_space<vmem>>, %arg6: memref<1x1x640xf32, #tpu.memory_space<vmem>>, %arg7: memref<1x1x640xf32, #tpu.memory_space<vmem>>, %arg8: memref<1x1x512xf32, #tpu.memory_space<vmem>>, %arg9: memref<1x1x512xf32, #tpu.memory_space<vmem>>) attributes {dimension_semantics = [#tpu.dimension_semantics<arbitrary>], iteration_bounds = array<i64: 2>, scalar_prefetch = 0 : i64, scratch_operands = 0 : i64, tpu.core_type = #tpu.core_type<tc>, window_params = [{transform_indices = @transform_0, window_bounds = array<i64: 1, 1, 2048>}, {pipeline_mode = #tpu.pipeline_mode<synchronous>, transform_indices = @transform_1, window_bounds = array<i64: 2048, 640>}, {pipeline_mode = #tpu.pipeline_mode<synchronous>, transform_indices = @transform_2, window_bounds = array<i64: 2048, 640>}, {pipeline_mode = #tpu.pipeline_mode<synchronous>, transform_indices = @transform_3, window_bounds = array<i64: 2048, 512>}, {pipeline_mode = #tpu.pipeline_mode<synchronous>, transform_indices = @transform_4, window_bounds = array<i64: 2048, 512>}, {transform_indices = @transform_5, window_bounds = array<i64: 1, 1, 640>}, {transform_indices = @transform_6, window_bounds = array<i64: 1, 1, 640>}, {transform_indices = @transform_7, window_bounds = array<i64: 1, 1, 512>}, {transform_indices = @transform_8, window_bounds = array<i64: 1, 1, 512>}]} {
    %get3A = arith.constant 0 : index
    %get3A_0 = arith.constant 0 : index
    %get3A_1 = arith.constant 0 : index
    %get3A_2 = vector.load %arg1[%get3A, %get3A_0, %get3A_1] : memref<1x1x2048xf32, #tpu.memory_space<vmem>>, vector<1x1x2048xf32>
    %get3A_3 = vector.shape_cast %get3A_2 : vector<1x1x2048xf32> to vector<1x2048xf32>
    %get3A_4 = arith.constant 0 : index
    %get3A_5 = arith.constant 0 : index
    %get3A_6 = vector.load %arg2[%get3A_4, %get3A_5] : memref<2048x640xf32, #tpu.memory_space<vmem>>, vector<2048x640xf32>
    %convert_element_type3A = arith.truncf %get3A_3 : vector<1x2048xf32> to vector<1x2048xbf16>
    %convert_element_type3A_7 = arith.extf %convert_element_type3A : vector<1x2048xbf16> to vector<1x2048xf32>
    %sub3A = arith.subf %get3A_3, %convert_element_type3A_7 : vector<1x2048xf32>
    %convert_element_type3A_8 = arith.truncf %sub3A : vector<1x2048xf32> to vector<1x2048xbf16>
    %convert_element_type3A_9 = arith.truncf %get3A_6 : vector<2048x640xf32> to vector<2048x640xbf16>
    %convert_element_type3A_10 = arith.extf %convert_element_type3A_9 : vector<2048x640xbf16> to vector<2048x640xf32>
    %sub3A_11 = arith.subf %get3A_6, %convert_element_type3A_10 : vector<2048x640xf32>
    %convert_element_type3A_12 = arith.truncf %sub3A_11 : vector<2048x640xf32> to vector<2048x640xbf16>
    %dot_general3A = arith.constant dense<0.000000e+00> : vector<1x640xf32>
    %dot_general3A_13 = tpu.matmul %convert_element_type3A, %convert_element_type3A_9, %dot_general3A {dimension_numbers = #tpu.dot_dimension_numbers<[1], [0], [0], [1], [0, 0, 1, 1], [], []>, transpose_lhs_hint = false} : vector<1x2048xbf16>, vector<2048x640xbf16>, vector<1x640xf32> -> vector<1x640xf32>
    %dot_general3A_14 = arith.constant dense<0.000000e+00> : vector<1x640xf32>
    %dot_general3A_15 = tpu.matmul %convert_element_type3A_8, %convert_element_type3A_9, %dot_general3A_14 {dimension_numbers = #tpu.dot_dimension_numbers<[1], [0], [0], [1], [0, 0, 1, 1], [], []>, transpose_lhs_hint = false} : vector<1x2048xbf16>, vector<2048x640xbf16>, vector<1x640xf32> -> vector<1x640xf32>
    %add3A = arith.addf %dot_general3A_13, %dot_general3A_15 : vector<1x640xf32>
    %dot_general3A_16 = arith.constant dense<0.000000e+00> : vector<1x640xf32>
    %dot_general3A_17 = tpu.matmul %convert_element_type3A, %convert_element_type3A_12, %dot_general3A_16 {dimension_numbers = #tpu.dot_dimension_numbers<[1], [0], [0], [1], [0, 0, 1, 1], [], []>, transpose_lhs_hint = false} : vector<1x2048xbf16>, vector<2048x640xbf16>, vector<1x640xf32> -> vector<1x640xf32>
    %add3A_18 = arith.addf %add3A, %dot_general3A_17 : vector<1x640xf32>
    %swap3A = arith.constant 0 : index
    %swap3A_19 = arith.constant 0 : index
    %swap3A_20 = arith.constant 0 : index
    %swap3A_21 = vector.load %arg6[%swap3A, %swap3A_19, %swap3A_20] : memref<1x1x640xf32, #tpu.memory_space<vmem>>, vector<1x1x640xf32>
    %swap3A_22 = vector.shape_cast %swap3A_21 : vector<1x1x640xf32> to vector<1x640xf32>
    %swap3A_23 = vector.shape_cast %add3A_18 : vector<1x640xf32> to vector<1x1x640xf32>
    tpu.vector_store %arg6[%swap3A, %swap3A_19, %swap3A_20], %swap3A_23 {strides = array<i32>} : memref<1x1x640xf32, #tpu.memory_space<vmem>>, vector<1x1x640xf32>,
    %get3A_24 = arith.constant 0 : index
    %get3A_25 = arith.constant 0 : index
    %get3A_26 = vector.load %arg3[%get3A_24, %get3A_25] : memref<2048x640xf32, #tpu.memory_space<vmem>>, vector<2048x640xf32>
    %convert_element_type3A_27 = arith.truncf %get3A_3 : vector<1x2048xf32> to vector<1x2048xbf16>
    %convert_element_type3A_28 = arith.extf %convert_element_type3A_27 : vector<1x2048xbf16> to vector<1x2048xf32>
    %sub3A_29 = arith.subf %get3A_3, %convert_element_type3A_28 : vector<1x2048xf32>
    %convert_element_type3A_30 = arith.truncf %sub3A_29 : vector<1x2048xf32> to vector<1x2048xbf16>
    %convert_element_type3A_31 = arith.truncf %get3A_26 : vector<2048x640xf32> to vector<2048x640xbf16>
    %convert_element_type3A_32 = arith.extf %convert_element_type3A_31 : vector<2048x640xbf16> to vector<2048x640xf32>
    %sub3A_33 = arith.subf %get3A_26, %convert_element_type3A_32 : vector<2048x640xf32>
    %convert_element_type3A_34 = arith.truncf %sub3A_33 : vector<2048x640xf32> to vector<2048x640xbf16>
    %dot_general3A_35 = arith.constant dense<0.000000e+00> : vector<1x640xf32>
    %dot_general3A_36 = tpu.matmul %convert_element_type3A_27, %convert_element_type3A_31, %dot_general3A_35 {dimension_numbers = #tpu.dot_dimension_numbers<[1], [0], [0], [1], [0, 0, 1, 1], [], []>, transpose_lhs_hint = false} : vector<1x2048xbf16>, vector<2048x640xbf16>, vector<1x640xf32> -> vector<1x640xf32>
    %dot_general3A_37 = arith.constant dense<0.000000e+00> : vector<1x640xf32>
    %dot_general3A_38 = tpu.matmul %convert_element_type3A_30, %convert_element_type3A_31, %dot_general3A_37 {dimension_numbers = #tpu.dot_dimension_numbers<[1], [0], [0], [1], [0, 0, 1, 1], [], []>, transpose_lhs_hint = false} : vector<1x2048xbf16>, vector<2048x640xbf16>, vector<1x640xf32> -> vector<1x640xf32>
    %add3A_39 = arith.addf %dot_general3A_36, %dot_general3A_38 : vector<1x640xf32>
    %dot_general3A_40 = arith.constant dense<0.000000e+00> : vector<1x640xf32>
    %dot_general3A_41 = tpu.matmul %convert_element_type3A_27, %convert_element_type3A_34, %dot_general3A_40 {dimension_numbers = #tpu.dot_dimension_numbers<[1], [0], [0], [1], [0, 0, 1, 1], [], []>, transpose_lhs_hint = false} : vector<1x2048xbf16>, vector<2048x640xbf16>, vector<1x640xf32> -> vector<1x640xf32>
    %add3A_42 = arith.addf %add3A_39, %dot_general3A_41 : vector<1x640xf32>
    %swap3A_43 = arith.constant 0 : index
    %swap3A_44 = arith.constant 0 : index
    %swap3A_45 = arith.constant 0 : index
    %swap3A_46 = vector.load %arg7[%swap3A_43, %swap3A_44, %swap3A_45] : memref<1x1x640xf32, #tpu.memory_space<vmem>>, vector<1x1x640xf32>
    %swap3A_47 = vector.shape_cast %swap3A_46 : vector<1x1x640xf32> to vector<1x640xf32>
    %swap3A_48 = vector.shape_cast %add3A_42 : vector<1x640xf32> to vector<1x1x640xf32>
    tpu.vector_store %arg7[%swap3A_43, %swap3A_44, %swap3A_45], %swap3A_48 {strides = array<i32>} : memref<1x1x640xf32, #tpu.memory_space<vmem>>, vector<1x1x640xf32>,
    %get3A_49 = arith.constant 0 : index
    %get3A_50 = arith.constant 0 : index
    %get3A_51 = vector.load %arg4[%get3A_49, %get3A_50] : memref<2048x512xf32, #tpu.memory_space<vmem>>, vector<2048x512xf32>
    %convert_element_type3A_52 = arith.truncf %get3A_3 : vector<1x2048xf32> to vector<1x2048xbf16>
    %convert_element_type3A_53 = arith.extf %convert_element_type3A_52 : vector<1x2048xbf16> to vector<1x2048xf32>
    %sub3A_54 = arith.subf %get3A_3, %convert_element_type3A_53 : vector<1x2048xf32>
    %convert_element_type3A_55 = arith.truncf %sub3A_54 : vector<1x2048xf32> to vector<1x2048xbf16>
    %convert_element_type3A_56 = arith.truncf %get3A_51 : vector<2048x512xf32> to vector<2048x512xbf16>
    %convert_element_type3A_57 = arith.extf %convert_element_type3A_56 : vector<2048x512xbf16> to vector<2048x512xf32>
    %sub3A_58 = arith.subf %get3A_51, %convert_element_type3A_57 : vector<2048x512xf32>
    %convert_element_type3A_59 = arith.truncf %sub3A_58 : vector<2048x512xf32> to vector<2048x512xbf16>
    %dot_general3A_60 = arith.constant dense<0.000000e+00> : vector<1x512xf32>
    %dot_general3A_61 = tpu.matmul %convert_element_type3A_52, %convert_element_type3A_56, %dot_general3A_60 {dimension_numbers = #tpu.dot_dimension_numbers<[1], [0], [0], [1], [0, 0, 1, 1], [], []>, transpose_lhs_hint = false} : vector<1x2048xbf16>, vector<2048x512xbf16>, vector<1x512xf32> -> vector<1x512xf32>
    %dot_general3A_62 = arith.constant dense<0.000000e+00> : vector<1x512xf32>
    %dot_general3A_63 = tpu.matmul %convert_element_type3A_55, %convert_element_type3A_56, %dot_general3A_62 {dimension_numbers = #tpu.dot_dimension_numbers<[1], [0], [0], [1], [0, 0, 1, 1], [], []>, transpose_lhs_hint = false} : vector<1x2048xbf16>, vector<2048x512xbf16>, vector<1x512xf32> -> vector<1x512xf32>
    %add3A_64 = arith.addf %dot_general3A_61, %dot_general3A_63 : vector<1x512xf32>
    %dot_general3A_65 = arith.constant dense<0.000000e+00> : vector<1x512xf32>
    %dot_general3A_66 = tpu.matmul %convert_element_type3A_52, %convert_element_type3A_59, %dot_general3A_65 {dimension_numbers = #tpu.dot_dimension_numbers<[1], [0], [0], [1], [0, 0, 1, 1], [], []>, transpose_lhs_hint = false} : vector<1x2048xbf16>, vector<2048x512xbf16>, vector<1x512xf32> -> vector<1x512xf32>
    %add3A_67 = arith.addf %add3A_64, %dot_general3A_66 : vector<1x512xf32>
    %swap3A_68 = arith.constant 0 : index
    %swap3A_69 = arith.constant 0 : index
    %swap3A_70 = arith.constant 0 : index
    %swap3A_71 = vector.load %arg8[%swap3A_68, %swap3A_69, %swap3A_70] : memref<1x1x512xf32, #tpu.memory_space<vmem>>, vector<1x1x512xf32>
    %swap3A_72 = vector.shape_cast %swap3A_71 : vector<1x1x512xf32> to vector<1x512xf32>
    %swap3A_73 = vector.shape_cast %add3A_67 : vector<1x512xf32> to vector<1x1x512xf32>
    tpu.vector_store %arg8[%swap3A_68, %swap3A_69, %swap3A_70], %swap3A_73 {strides = array<i32>} : memref<1x1x512xf32, #tpu.memory_space<vmem>>, vector<1x1x512xf32>,
    %get3A_74 = arith.constant 0 : index
    %get3A_75 = arith.constant 0 : index
    %get3A_76 = vector.load %arg5[%get3A_74, %get3A_75] : memref<2048x512xf32, #tpu.memory_space<vmem>>, vector<2048x512xf32>
    %convert_element_type3A_77 = arith.truncf %get3A_3 : vector<1x2048xf32> to vector<1x2048xbf16>
    %convert_element_type3A_78 = arith.extf %convert_element_type3A_77 : vector<1x2048xbf16> to vector<1x2048xf32>
    %sub3A_79 = arith.subf %get3A_3, %convert_element_type3A_78 : vector<1x2048xf32>
    %convert_element_type3A_80 = arith.truncf %sub3A_79 : vector<1x2048xf32> to vector<1x2048xbf16>
    %convert_element_type3A_81 = arith.truncf %get3A_76 : vector<2048x512xf32> to vector<2048x512xbf16>
    %convert_element_type3A_82 = arith.extf %convert_element_type3A_81 : vector<2048x512xbf16> to vector<2048x512xf32>
    %sub3A_83 = arith.subf %get3A_76, %convert_element_type3A_82 : vector<2048x512xf32>
    %convert_element_type3A_84 = arith.truncf %sub3A_83 : vector<2048x512xf32> to vector<2048x512xbf16>
    %dot_general3A_85 = arith.constant dense<0.000000e+00> : vector<1x512xf32>
    %dot_general3A_86 = tpu.matmul %convert_element_type3A_77, %convert_element_type3A_81, %dot_general3A_85 {dimension_numbers = #tpu.dot_dimension_numbers<[1], [0], [0], [1], [0, 0, 1, 1], [], []>, transpose_lhs_hint = false} : vector<1x2048xbf16>, vector<2048x512xbf16>, vector<1x512xf32> -> vector<1x512xf32>
    %dot_general3A_87 = arith.constant dense<0.000000e+00> : vector<1x512xf32>
    %dot_general3A_88 = tpu.matmul %convert_element_type3A_80, %convert_element_type3A_81, %dot_general3A_87 {dimension_numbers = #tpu.dot_dimension_numbers<[1], [0], [0], [1], [0, 0, 1, 1], [], []>, transpose_lhs_hint = false} : vector<1x2048xbf16>, vector<2048x512xbf16>, vector<1x512xf32> -> vector<1x512xf32>
    %add3A_89 = arith.addf %dot_general3A_86, %dot_general3A_88 : vector<1x512xf32>
    %dot_general3A_90 = arith.constant dense<0.000000e+00> : vector<1x512xf32>
    %dot_general3A_91 = tpu.matmul %convert_element_type3A_77, %convert_element_type3A_84, %dot_general3A_90 {dimension_numbers = #tpu.dot_dimension_numbers<[1], [0], [0], [1], [0, 0, 1, 1], [], []>, transpose_lhs_hint = false} : vector<1x2048xbf16>, vector<2048x512xbf16>, vector<1x512xf32> -> vector<1x512xf32>
    %add3A_92 = arith.addf %add3A_89, %dot_general3A_91 : vector<1x512xf32>
    %swap3A_93 = arith.constant 0 : index
    %swap3A_94 = arith.constant 0 : index
    %swap3A_95 = arith.constant 0 : index
    %swap3A_96 = vector.load %arg9[%swap3A_93, %swap3A_94, %swap3A_95] : memref<1x1x512xf32, #tpu.memory_space<vmem>>, vector<1x1x512xf32>
    %swap3A_97 = vector.shape_cast %swap3A_96 : vector<1x1x512xf32> to vector<1x512xf32>
    %swap3A_98 = vector.shape_cast %add3A_92 : vector<1x512xf32> to vector<1x1x512xf32>
    tpu.vector_store %arg9[%swap3A_93, %swap3A_94, %swap3A_95], %swap3A_98 {strides = array<i32>} : memref<1x1x512xf32, #tpu.memory_space<vmem>>, vector<1x1x512xf32>,
    return
  }
  func.func @transform_0(%arg0: i32) -> (i32, i32, i32) {
    %c0_i32 = arith.constant 0 : i32
    %c0_i32_0 = arith.constant 0 : i32
    %c0_i32_1 = arith.constant 0 : i32
    return %arg0, %c0_i32, %c0_i32_0 : i32, i32, i32
  }
  func.func @transform_1(%arg0: i32) -> (i32, i32) {
    %c0_i32 = arith.constant 0 : i32
    %c0_i32_0 = arith.constant 0 : i32
    %c0_i32_1 = arith.constant 0 : i32
    return %c0_i32, %c0_i32_0 : i32, i32
  }
  func.func @transform_2(%arg0: i32) -> (i32, i32) {
    %c0_i32 = arith.constant 0 : i32
    %c0_i32_0 = arith.constant 0 : i32
    %c0_i32_1 = arith.constant 0 : i32
    return %c0_i32, %c0_i32_0 : i32, i32
  }
  func.func @transform_3(%arg0: i32) -> (i32, i32) {
    %c0_i32 = arith.constant 0 : i32
    %c0_i32_0 = arith.constant 0 : i32
    %c0_i32_1 = arith.constant 0 : i32
    return %c0_i32, %c0_i32_0 : i32, i32
  }
  func.func @transform_4(%arg0: i32) -> (i32, i32) {
    %c0_i32 = arith.constant 0 : i32
    %c0_i32_0 = arith.constant 0 : i32
    %c0_i32_1 = arith.constant 0 : i32
    return %c0_i32, %c0_i32_0 : i32, i32
  }
  func.func @transform_5(%arg0: i32) -> (i32, i32, i32) {
    %c0_i32 = arith.constant 0 : i32
    %c0_i32_0 = arith.constant 0 : i32
    %c0_i32_1 = arith.constant 0 : i32
    return %arg0, %c0_i32, %c0_i32_0 : i32, i32, i32
  }
  func.func @transform_6(%arg0: i32) -> (i32, i32, i32) {
    %c0_i32 = arith.constant 0 : i32
    %c0_i32_0 = arith.constant 0 : i32
    %c0_i32_1 = arith.constant 0 : i32
    return %arg0, %c0_i32, %c0_i32_0 : i32, i32, i32
  }
  func.func @transform_7(%arg0: i32) -> (i32, i32, i32) {
    %c0_i32 = arith.constant 0 : i32
    %c0_i32_0 = arith.constant 0 : i32
    %c0_i32_1 = arith.constant 0 : i32
    return %arg0, %c0_i32, %c0_i32_0 : i32, i32, i32
  }
  func.func @transform_8(%arg0: i32) -> (i32, i32, i32) {
    %c0_i32 = arith.constant 0 : i32
    %c0_i32_0 = arith.constant 0 : i32
    %c0_i32_1 = arith.constant 0 : i32
    return %arg0, %c0_i32, %c0_i32_0 : i32, i32, i32
  }
}

module attributes {stable_mosaic.version = 14 : i64} {
  func.func @_dagg_kernel(%arg0: i32, %arg1: i32, %arg2: i32, %arg3: memref<1x256x640xf32, #tpu.memory_space<vmem>>, %arg4: memref<1x256x640xf32, #tpu.memory_space<vmem>>, %arg5: memref<1x256x512xf32, #tpu.memory_space<vmem>>, %arg6: memref<1x256x512xf32, #tpu.memory_space<vmem>>, %arg7: memref<1x1x640xf32, #tpu.memory_space<vmem>>, %arg8: memref<1x1x640xf32, #tpu.memory_space<vmem>>, %arg9: memref<1x1x512xf32, #tpu.memory_space<vmem>>, %arg10: memref<1x1x512xf32, #tpu.memory_space<vmem>>, %arg11: memref<640x512xf32, #tpu.memory_space<vmem>>, %arg12: memref<640x512xf32, #tpu.memory_space<vmem>>, %arg13: memref<512x512xf32, #tpu.memory_space<vmem>>, %arg14: memref<512x512xf32, #tpu.memory_space<vmem>>, %arg15: memref<1x512x256xf32, #tpu.memory_space<vmem>>) attributes {dimension_semantics = [#tpu.dimension_semantics<parallel>, #tpu.dimension_semantics<parallel>, #tpu.dimension_semantics<parallel>], iteration_bounds = array<i64: 2, 4, 3>, scalar_prefetch = 0 : i64, scratch_operands = 0 : i64, tpu.core_type = #tpu.core_type<tc>, window_params = [{transform_indices = @transform_0, window_bounds = array<i64: 1, 256, 640>}, {transform_indices = @transform_1, window_bounds = array<i64: 1, 256, 640>}, {transform_indices = @transform_2, window_bounds = array<i64: 1, 256, 512>}, {transform_indices = @transform_3, window_bounds = array<i64: 1, 256, 512>}, {transform_indices = @transform_4, window_bounds = array<i64: 1, 1, 640>}, {transform_indices = @transform_5, window_bounds = array<i64: 1, 1, 640>}, {transform_indices = @transform_6, window_bounds = array<i64: 1, 1, 512>}, {transform_indices = @transform_7, window_bounds = array<i64: 1, 1, 512>}, {transform_indices = @transform_8, window_bounds = array<i64: 640, 512>}, {transform_indices = @transform_9, window_bounds = array<i64: 640, 512>}, {transform_indices = @transform_10, window_bounds = array<i64: 512, 512>}, {transform_indices = @transform_11, window_bounds = array<i64: 512, 512>}, {transform_indices = @transform_12, window_bounds = array<i64: 1, 512, 256>}]} {
    %get3A = arith.constant 0 : index
    %get3A_0 = arith.constant 0 : index
    %get3A_1 = arith.constant 0 : index
    %get3A_2 = vector.load %arg7[%get3A, %get3A_0, %get3A_1] : memref<1x1x640xf32, #tpu.memory_space<vmem>>, vector<1x1x640xf32>
    %get3A_3 = vector.shape_cast %get3A_2 : vector<1x1x640xf32> to vector<1x640xf32>
    %get3A_4 = arith.constant 0 : index
    %get3A_5 = arith.constant 0 : index
    %get3A_6 = arith.constant 0 : index
    %get3A_7 = vector.load %arg8[%get3A_4, %get3A_5, %get3A_6] : memref<1x1x640xf32, #tpu.memory_space<vmem>>, vector<1x1x640xf32>
    %get3A_8 = vector.shape_cast %get3A_7 : vector<1x1x640xf32> to vector<1x640xf32>
    %get3A_9 = arith.constant 0 : index
    %get3A_10 = arith.constant 0 : index
    %get3A_11 = arith.constant 0 : index
    %get3A_12 = vector.load %arg9[%get3A_9, %get3A_10, %get3A_11] : memref<1x1x512xf32, #tpu.memory_space<vmem>>, vector<1x1x512xf32>
    %get3A_13 = vector.shape_cast %get3A_12 : vector<1x1x512xf32> to vector<1x512xf32>
    %get3A_14 = arith.constant 0 : index
    %get3A_15 = arith.constant 0 : index
    %get3A_16 = arith.constant 0 : index
    %get3A_17 = vector.load %arg10[%get3A_14, %get3A_15, %get3A_16] : memref<1x1x512xf32, #tpu.memory_space<vmem>>, vector<1x1x512xf32>
    %get3A_18 = vector.shape_cast %get3A_17 : vector<1x1x512xf32> to vector<1x512xf32>
    %get3A_19 = arith.constant 0 : index
    %get3A_20 = arith.constant 0 : index
    %get3A_21 = arith.constant 0 : index
    %get3A_22 = vector.load %arg3[%get3A_19, %get3A_20, %get3A_21] : memref<1x256x640xf32, #tpu.memory_space<vmem>>, vector<1x256x640xf32>
    %get3A_23 = vector.shape_cast %get3A_22 : vector<1x256x640xf32> to vector<256x640xf32>
    %get3A_24 = arith.constant 0 : index
    %get3A_25 = arith.constant 0 : index
    %get3A_26 = arith.constant 0 : index
    %get3A_27 = vector.load %arg4[%get3A_24, %get3A_25, %get3A_26] : memref<1x256x640xf32, #tpu.memory_space<vmem>>, vector<1x256x640xf32>
    %get3A_28 = vector.shape_cast %get3A_27 : vector<1x256x640xf32> to vector<256x640xf32>
    %get3A_29 = arith.constant 0 : index
    %get3A_30 = arith.constant 0 : index
    %get3A_31 = arith.constant 0 : index
    %get3A_32 = vector.load %arg5[%get3A_29, %get3A_30, %get3A_31] : memref<1x256x512xf32, #tpu.memory_space<vmem>>, vector<1x256x512xf32>
    %get3A_33 = vector.shape_cast %get3A_32 : vector<1x256x512xf32> to vector<256x512xf32>
    %get3A_34 = arith.constant 0 : index
    %get3A_35 = arith.constant 0 : index
    %get3A_36 = arith.constant 0 : index
    %get3A_37 = vector.load %arg6[%get3A_34, %get3A_35, %get3A_36] : memref<1x256x512xf32, #tpu.memory_space<vmem>>, vector<1x256x512xf32>
    %get3A_38 = vector.shape_cast %get3A_37 : vector<1x256x512xf32> to vector<256x512xf32>
    %mul3A = vector.broadcast %get3A_3 : vector<1x640xf32> to vector<256x640xf32>
    %mul3A_39 = arith.mulf %get3A_23, %mul3A : vector<256x640xf32>
    %mul3A_40 = vector.broadcast %get3A_8 : vector<1x640xf32> to vector<256x640xf32>
    %mul3A_41 = arith.mulf %get3A_28, %mul3A_40 : vector<256x640xf32>
    %add3A = arith.addf %mul3A_39, %mul3A_41 : vector<256x640xf32>
    %mul3A_42 = vector.broadcast %get3A_3 : vector<1x640xf32> to vector<256x640xf32>
    %mul3A_43 = arith.mulf %get3A_28, %mul3A_42 : vector<256x640xf32>
    %mul3A_44 = vector.broadcast %get3A_8 : vector<1x640xf32> to vector<256x640xf32>
    %mul3A_45 = arith.mulf %get3A_23, %mul3A_44 : vector<256x640xf32>
    %sub3A = arith.subf %mul3A_43, %mul3A_45 : vector<256x640xf32>
    %mul3A_46 = vector.broadcast %get3A_13 : vector<1x512xf32> to vector<256x512xf32>
    %mul3A_47 = arith.mulf %get3A_33, %mul3A_46 : vector<256x512xf32>
    %mul3A_48 = vector.broadcast %get3A_18 : vector<1x512xf32> to vector<256x512xf32>
    %mul3A_49 = arith.mulf %get3A_38, %mul3A_48 : vector<256x512xf32>
    %add3A_50 = arith.addf %mul3A_47, %mul3A_49 : vector<256x512xf32>
    %mul3A_51 = vector.broadcast %get3A_13 : vector<1x512xf32> to vector<256x512xf32>
    %mul3A_52 = arith.mulf %get3A_38, %mul3A_51 : vector<256x512xf32>
    %mul3A_53 = vector.broadcast %get3A_18 : vector<1x512xf32> to vector<256x512xf32>
    %mul3A_54 = arith.mulf %get3A_33, %mul3A_53 : vector<256x512xf32>
    %sub3A_55 = arith.subf %mul3A_52, %mul3A_54 : vector<256x512xf32>
    %get3A_56 = arith.constant 0 : index
    %get3A_57 = arith.constant 0 : index
    %get3A_58 = vector.load %arg11[%get3A_56, %get3A_57] : memref<640x512xf32, #tpu.memory_space<vmem>>, vector<640x512xf32>
    %convert_element_type3A = arith.truncf %get3A_58 : vector<640x512xf32> to vector<640x512xbf16>
    %convert_element_type3A_59 = arith.extf %convert_element_type3A : vector<640x512xbf16> to vector<640x512xf32>
    %sub3A_60 = arith.subf %get3A_58, %convert_element_type3A_59 : vector<640x512xf32>
    %convert_element_type3A_61 = arith.truncf %sub3A_60 : vector<640x512xf32> to vector<640x512xbf16>
    %convert_element_type3A_62 = arith.truncf %add3A : vector<256x640xf32> to vector<256x640xbf16>
    %convert_element_type3A_63 = arith.extf %convert_element_type3A_62 : vector<256x640xbf16> to vector<256x640xf32>
    %sub3A_64 = arith.subf %add3A, %convert_element_type3A_63 : vector<256x640xf32>
    %convert_element_type3A_65 = arith.truncf %sub3A_64 : vector<256x640xf32> to vector<256x640xbf16>
    %dot_general3A = arith.constant dense<0.000000e+00> : vector<512x256xf32>
    %dot_general3A_66 = tpu.matmul %convert_element_type3A, %convert_element_type3A_62, %dot_general3A {dimension_numbers = #tpu.dot_dimension_numbers<[0], [1], [1], [0], [0, 1, 1, 0], [], []>, transpose_lhs_hint = false} : vector<640x512xbf16>, vector<256x640xbf16>, vector<512x256xf32> -> vector<512x256xf32>
    %dot_general3A_67 = arith.constant dense<0.000000e+00> : vector<512x256xf32>
    %dot_general3A_68 = tpu.matmul %convert_element_type3A_61, %convert_element_type3A_62, %dot_general3A_67 {dimension_numbers = #tpu.dot_dimension_numbers<[0], [1], [1], [0], [0, 1, 1, 0], [], []>, transpose_lhs_hint = false} : vector<640x512xbf16>, vector<256x640xbf16>, vector<512x256xf32> -> vector<512x256xf32>
    %add3A_69 = arith.addf %dot_general3A_66, %dot_general3A_68 : vector<512x256xf32>
    %dot_general3A_70 = arith.constant dense<0.000000e+00> : vector<512x256xf32>
    %dot_general3A_71 = tpu.matmul %convert_element_type3A, %convert_element_type3A_65, %dot_general3A_70 {dimension_numbers = #tpu.dot_dimension_numbers<[0], [1], [1], [0], [0, 1, 1, 0], [], []>, transpose_lhs_hint = false} : vector<640x512xbf16>, vector<256x640xbf16>, vector<512x256xf32> -> vector<512x256xf32>
    %add3A_72 = arith.addf %add3A_69, %dot_general3A_71 : vector<512x256xf32>
    %get3A_73 = arith.constant 0 : index
    %get3A_74 = arith.constant 0 : index
    %get3A_75 = vector.load %arg12[%get3A_73, %get3A_74] : memref<640x512xf32, #tpu.memory_space<vmem>>, vector<640x512xf32>
    %convert_element_type3A_76 = arith.truncf %get3A_75 : vector<640x512xf32> to vector<640x512xbf16>
    %convert_element_type3A_77 = arith.extf %convert_element_type3A_76 : vector<640x512xbf16> to vector<640x512xf32>
    %sub3A_78 = arith.subf %get3A_75, %convert_element_type3A_77 : vector<640x512xf32>
    %convert_element_type3A_79 = arith.truncf %sub3A_78 : vector<640x512xf32> to vector<640x512xbf16>
    %convert_element_type3A_80 = arith.truncf %sub3A : vector<256x640xf32> to vector<256x640xbf16>
    %convert_element_type3A_81 = arith.extf %convert_element_type3A_80 : vector<256x640xbf16> to vector<256x640xf32>
    %sub3A_82 = arith.subf %sub3A, %convert_element_type3A_81 : vector<256x640xf32>
    %convert_element_type3A_83 = arith.truncf %sub3A_82 : vector<256x640xf32> to vector<256x640xbf16>
    %dot_general3A_84 = arith.constant dense<0.000000e+00> : vector<512x256xf32>
    %dot_general3A_85 = tpu.matmul %convert_element_type3A_76, %convert_element_type3A_80, %dot_general3A_84 {dimension_numbers = #tpu.dot_dimension_numbers<[0], [1], [1], [0], [0, 1, 1, 0], [], []>, transpose_lhs_hint = false} : vector<640x512xbf16>, vector<256x640xbf16>, vector<512x256xf32> -> vector<512x256xf32>
    %dot_general3A_86 = arith.constant dense<0.000000e+00> : vector<512x256xf32>
    %dot_general3A_87 = tpu.matmul %convert_element_type3A_79, %convert_element_type3A_80, %dot_general3A_86 {dimension_numbers = #tpu.dot_dimension_numbers<[0], [1], [1], [0], [0, 1, 1, 0], [], []>, transpose_lhs_hint = false} : vector<640x512xbf16>, vector<256x640xbf16>, vector<512x256xf32> -> vector<512x256xf32>
    %add3A_88 = arith.addf %dot_general3A_85, %dot_general3A_87 : vector<512x256xf32>
    %dot_general3A_89 = arith.constant dense<0.000000e+00> : vector<512x256xf32>
    %dot_general3A_90 = tpu.matmul %convert_element_type3A_76, %convert_element_type3A_83, %dot_general3A_89 {dimension_numbers = #tpu.dot_dimension_numbers<[0], [1], [1], [0], [0, 1, 1, 0], [], []>, transpose_lhs_hint = false} : vector<640x512xbf16>, vector<256x640xbf16>, vector<512x256xf32> -> vector<512x256xf32>
    %add3A_91 = arith.addf %add3A_88, %dot_general3A_90 : vector<512x256xf32>
    %add3A_92 = arith.addf %add3A_72, %add3A_91 : vector<512x256xf32>
    %get3A_93 = arith.constant 0 : index
    %get3A_94 = arith.constant 0 : index
    %get3A_95 = vector.load %arg13[%get3A_93, %get3A_94] : memref<512x512xf32, #tpu.memory_space<vmem>>, vector<512x512xf32>
    %convert_element_type3A_96 = arith.truncf %get3A_95 : vector<512x512xf32> to vector<512x512xbf16>
    %convert_element_type3A_97 = arith.extf %convert_element_type3A_96 : vector<512x512xbf16> to vector<512x512xf32>
    %sub3A_98 = arith.subf %get3A_95, %convert_element_type3A_97 : vector<512x512xf32>
    %convert_element_type3A_99 = arith.truncf %sub3A_98 : vector<512x512xf32> to vector<512x512xbf16>
    %convert_element_type3A_100 = arith.truncf %add3A_50 : vector<256x512xf32> to vector<256x512xbf16>
    %convert_element_type3A_101 = arith.extf %convert_element_type3A_100 : vector<256x512xbf16> to vector<256x512xf32>
    %sub3A_102 = arith.subf %add3A_50, %convert_element_type3A_101 : vector<256x512xf32>
    %convert_element_type3A_103 = arith.truncf %sub3A_102 : vector<256x512xf32> to vector<256x512xbf16>
    %dot_general3A_104 = arith.constant dense<0.000000e+00> : vector<512x256xf32>
    %dot_general3A_105 = tpu.matmul %convert_element_type3A_96, %convert_element_type3A_100, %dot_general3A_104 {dimension_numbers = #tpu.dot_dimension_numbers<[0], [1], [1], [0], [0, 1, 1, 0], [], []>, transpose_lhs_hint = false} : vector<512x512xbf16>, vector<256x512xbf16>, vector<512x256xf32> -> vector<512x256xf32>
    %dot_general3A_106 = arith.constant dense<0.000000e+00> : vector<512x256xf32>
    %dot_general3A_107 = tpu.matmul %convert_element_type3A_99, %convert_element_type3A_100, %dot_general3A_106 {dimension_numbers = #tpu.dot_dimension_numbers<[0], [1], [1], [0], [0, 1, 1, 0], [], []>, transpose_lhs_hint = false} : vector<512x512xbf16>, vector<256x512xbf16>, vector<512x256xf32> -> vector<512x256xf32>
    %add3A_108 = arith.addf %dot_general3A_105, %dot_general3A_107 : vector<512x256xf32>
    %dot_general3A_109 = arith.constant dense<0.000000e+00> : vector<512x256xf32>
    %dot_general3A_110 = tpu.matmul %convert_element_type3A_96, %convert_element_type3A_103, %dot_general3A_109 {dimension_numbers = #tpu.dot_dimension_numbers<[0], [1], [1], [0], [0, 1, 1, 0], [], []>, transpose_lhs_hint = false} : vector<512x512xbf16>, vector<256x512xbf16>, vector<512x256xf32> -> vector<512x256xf32>
    %add3A_111 = arith.addf %add3A_108, %dot_general3A_110 : vector<512x256xf32>
    %add3A_112 = arith.addf %add3A_92, %add3A_111 : vector<512x256xf32>
    %get3A_113 = arith.constant 0 : index
    %get3A_114 = arith.constant 0 : index
    %get3A_115 = vector.load %arg14[%get3A_113, %get3A_114] : memref<512x512xf32, #tpu.memory_space<vmem>>, vector<512x512xf32>
    %convert_element_type3A_116 = arith.truncf %get3A_115 : vector<512x512xf32> to vector<512x512xbf16>
    %convert_element_type3A_117 = arith.extf %convert_element_type3A_116 : vector<512x512xbf16> to vector<512x512xf32>
    %sub3A_118 = arith.subf %get3A_115, %convert_element_type3A_117 : vector<512x512xf32>
    %convert_element_type3A_119 = arith.truncf %sub3A_118 : vector<512x512xf32> to vector<512x512xbf16>
    %convert_element_type3A_120 = arith.truncf %sub3A_55 : vector<256x512xf32> to vector<256x512xbf16>
    %convert_element_type3A_121 = arith.extf %convert_element_type3A_120 : vector<256x512xbf16> to vector<256x512xf32>
    %sub3A_122 = arith.subf %sub3A_55, %convert_element_type3A_121 : vector<256x512xf32>
    %convert_element_type3A_123 = arith.truncf %sub3A_122 : vector<256x512xf32> to vector<256x512xbf16>
    %dot_general3A_124 = arith.constant dense<0.000000e+00> : vector<512x256xf32>
    %dot_general3A_125 = tpu.matmul %convert_element_type3A_116, %convert_element_type3A_120, %dot_general3A_124 {dimension_numbers = #tpu.dot_dimension_numbers<[0], [1], [1], [0], [0, 1, 1, 0], [], []>, transpose_lhs_hint = false} : vector<512x512xbf16>, vector<256x512xbf16>, vector<512x256xf32> -> vector<512x256xf32>
    %dot_general3A_126 = arith.constant dense<0.000000e+00> : vector<512x256xf32>
    %dot_general3A_127 = tpu.matmul %convert_element_type3A_119, %convert_element_type3A_120, %dot_general3A_126 {dimension_numbers = #tpu.dot_dimension_numbers<[0], [1], [1], [0], [0, 1, 1, 0], [], []>, transpose_lhs_hint = false} : vector<512x512xbf16>, vector<256x512xbf16>, vector<512x256xf32> -> vector<512x256xf32>
    %add3A_128 = arith.addf %dot_general3A_125, %dot_general3A_127 : vector<512x256xf32>
    %dot_general3A_129 = arith.constant dense<0.000000e+00> : vector<512x256xf32>
    %dot_general3A_130 = tpu.matmul %convert_element_type3A_116, %convert_element_type3A_123, %dot_general3A_129 {dimension_numbers = #tpu.dot_dimension_numbers<[0], [1], [1], [0], [0, 1, 1, 0], [], []>, transpose_lhs_hint = false} : vector<512x512xbf16>, vector<256x512xbf16>, vector<512x256xf32> -> vector<512x256xf32>
    %add3A_131 = arith.addf %add3A_128, %dot_general3A_130 : vector<512x256xf32>
    %add3A_132 = arith.addf %add3A_112, %add3A_131 : vector<512x256xf32>
    %swap3A = arith.constant 0 : index
    %swap3A_133 = arith.constant 0 : index
    %swap3A_134 = arith.constant 0 : index
    %swap3A_135 = vector.load %arg15[%swap3A, %swap3A_133, %swap3A_134] : memref<1x512x256xf32, #tpu.memory_space<vmem>>, vector<1x512x256xf32>
    %swap3A_136 = vector.shape_cast %swap3A_135 : vector<1x512x256xf32> to vector<512x256xf32>
    %swap3A_137 = vector.shape_cast %add3A_132 : vector<512x256xf32> to vector<1x512x256xf32>
    tpu.vector_store %arg15[%swap3A, %swap3A_133, %swap3A_134], %swap3A_137 {strides = array<i32>} : memref<1x512x256xf32, #tpu.memory_space<vmem>>, vector<1x512x256xf32>,
    return
  }
  func.func @transform_0(%arg0: i32, %arg1: i32, %arg2: i32) -> (i32, i32, i32) {
    %c0_i32 = arith.constant 0 : i32
    %c0_i32_0 = arith.constant 0 : i32
    return %arg0, %arg2, %c0_i32 : i32, i32, i32
  }
  func.func @transform_1(%arg0: i32, %arg1: i32, %arg2: i32) -> (i32, i32, i32) {
    %c0_i32 = arith.constant 0 : i32
    %c0_i32_0 = arith.constant 0 : i32
    return %arg0, %arg2, %c0_i32 : i32, i32, i32
  }
  func.func @transform_2(%arg0: i32, %arg1: i32, %arg2: i32) -> (i32, i32, i32) {
    %c0_i32 = arith.constant 0 : i32
    %c0_i32_0 = arith.constant 0 : i32
    return %arg0, %arg2, %c0_i32 : i32, i32, i32
  }
  func.func @transform_3(%arg0: i32, %arg1: i32, %arg2: i32) -> (i32, i32, i32) {
    %c0_i32 = arith.constant 0 : i32
    %c0_i32_0 = arith.constant 0 : i32
    return %arg0, %arg2, %c0_i32 : i32, i32, i32
  }
  func.func @transform_4(%arg0: i32, %arg1: i32, %arg2: i32) -> (i32, i32, i32) {
    %c0_i32 = arith.constant 0 : i32
    %c0_i32_0 = arith.constant 0 : i32
    %c0_i32_1 = arith.constant 0 : i32
    return %arg0, %c0_i32, %c0_i32_0 : i32, i32, i32
  }
  func.func @transform_5(%arg0: i32, %arg1: i32, %arg2: i32) -> (i32, i32, i32) {
    %c0_i32 = arith.constant 0 : i32
    %c0_i32_0 = arith.constant 0 : i32
    %c0_i32_1 = arith.constant 0 : i32
    return %arg0, %c0_i32, %c0_i32_0 : i32, i32, i32
  }
  func.func @transform_6(%arg0: i32, %arg1: i32, %arg2: i32) -> (i32, i32, i32) {
    %c0_i32 = arith.constant 0 : i32
    %c0_i32_0 = arith.constant 0 : i32
    %c0_i32_1 = arith.constant 0 : i32
    return %arg0, %c0_i32, %c0_i32_0 : i32, i32, i32
  }
  func.func @transform_7(%arg0: i32, %arg1: i32, %arg2: i32) -> (i32, i32, i32) {
    %c0_i32 = arith.constant 0 : i32
    %c0_i32_0 = arith.constant 0 : i32
    %c0_i32_1 = arith.constant 0 : i32
    return %arg0, %c0_i32, %c0_i32_0 : i32, i32, i32
  }
  func.func @transform_8(%arg0: i32, %arg1: i32, %arg2: i32) -> (i32, i32) {
    %c0_i32 = arith.constant 0 : i32
    %c0_i32_0 = arith.constant 0 : i32
    return %c0_i32, %arg1 : i32, i32
  }
  func.func @transform_9(%arg0: i32, %arg1: i32, %arg2: i32) -> (i32, i32) {
    %c0_i32 = arith.constant 0 : i32
    %c0_i32_0 = arith.constant 0 : i32
    return %c0_i32, %arg1 : i32, i32
  }
  func.func @transform_10(%arg0: i32, %arg1: i32, %arg2: i32) -> (i32, i32) {
    %c0_i32 = arith.constant 0 : i32
    %c0_i32_0 = arith.constant 0 : i32
    return %c0_i32, %arg1 : i32, i32
  }
  func.func @transform_11(%arg0: i32, %arg1: i32, %arg2: i32) -> (i32, i32) {
    %c0_i32 = arith.constant 0 : i32
    %c0_i32_0 = arith.constant 0 : i32
    return %c0_i32, %arg1 : i32, i32
  }
  func.func @transform_12(%arg0: i32, %arg1: i32, %arg2: i32) -> (i32, i32, i32) {
    %c0_i32 = arith.constant 0 : i32
    return %arg0, %arg1, %arg2 : i32, i32, i32
  }
}

module attributes {stable_mosaic.version = 14 : i64} {
  func.func @_out_kernel(%arg0: i32, %arg1: i32, %arg2: memref<1x512x768xf32, #tpu.memory_space<vmem>>, %arg3: memref<1x512x768xf32, #tpu.memory_space<vmem>>, %arg4: memref<1x512x768xf32, #tpu.memory_space<vmem>>, %arg5: memref<768x768xf32, #tpu.memory_space<vmem>>, %arg6: memref<1x768xf32, #tpu.memory_space<vmem>>, %arg7: memref<1x768xf32, #tpu.memory_space<vmem>>, %arg8: memref<1x768xf32, #tpu.memory_space<vmem>>, %arg9: memref<1x512x768xf32, #tpu.memory_space<vmem>>) attributes {dimension_semantics = [#tpu.dimension_semantics<parallel>, #tpu.dimension_semantics<parallel>], iteration_bounds = array<i64: 2, 4>, scalar_prefetch = 0 : i64, scratch_operands = 0 : i64, tpu.core_type = #tpu.core_type<tc>, window_params = [{transform_indices = @transform_0, window_bounds = array<i64: 1, 512, 768>}, {transform_indices = @transform_1, window_bounds = array<i64: 1, 512, 768>}, {transform_indices = @transform_2, window_bounds = array<i64: 1, 512, 768>}, {pipeline_mode = #tpu.pipeline_mode<synchronous>, transform_indices = @transform_3, window_bounds = array<i64: 768, 768>}, {pipeline_mode = #tpu.pipeline_mode<synchronous>, transform_indices = @transform_4, window_bounds = array<i64: 1, 768>}, {pipeline_mode = #tpu.pipeline_mode<synchronous>, transform_indices = @transform_5, window_bounds = array<i64: 1, 768>}, {pipeline_mode = #tpu.pipeline_mode<synchronous>, transform_indices = @transform_6, window_bounds = array<i64: 1, 768>}, {transform_indices = @transform_7, window_bounds = array<i64: 1, 512, 768>}]} {
    %get3A = arith.constant 0 : index
    %get3A_0 = arith.constant 0 : index
    %get3A_1 = arith.constant 0 : index
    %get3A_2 = vector.load %arg2[%get3A, %get3A_0, %get3A_1] : memref<1x512x768xf32, #tpu.memory_space<vmem>>, vector<1x512x768xf32>
    %get3A_3 = vector.shape_cast %get3A_2 : vector<1x512x768xf32> to vector<512x768xf32>
    %mul3A = arith.constant 5.000000e-01 : f32
    %mul3A_4 = vector.broadcast %mul3A : f32 to vector<512x768xf32>
    %mul3A_5 = arith.mulf %mul3A_4, %get3A_3 : vector<512x768xf32>
    %get3A_6 = arith.constant 0 : index
    %get3A_7 = arith.constant 0 : index
    %get3A_8 = arith.constant 0 : index
    %get3A_9 = vector.load %arg3[%get3A_6, %get3A_7, %get3A_8] : memref<1x512x768xf32, #tpu.memory_space<vmem>>, vector<1x512x768xf32>
    %get3A_10 = vector.shape_cast %get3A_9 : vector<1x512x768xf32> to vector<512x768xf32>
    %mul3A_11 = arith.constant 5.000000e-01 : f32
    %mul3A_12 = vector.broadcast %mul3A_11 : f32 to vector<512x768xf32>
    %mul3A_13 = arith.mulf %mul3A_12, %get3A_10 : vector<512x768xf32>
    %add3A = arith.addf %mul3A_5, %mul3A_13 : vector<512x768xf32>
    %get3A_14 = arith.constant 0 : index
    %get3A_15 = arith.constant 0 : index
    %get3A_16 = vector.load %arg5[%get3A_14, %get3A_15] : memref<768x768xf32, #tpu.memory_space<vmem>>, vector<768x768xf32>
    %convert_element_type3A = arith.truncf %add3A : vector<512x768xf32> to vector<512x768xbf16>
    %convert_element_type3A_17 = arith.extf %convert_element_type3A : vector<512x768xbf16> to vector<512x768xf32>
    %sub3A = arith.subf %add3A, %convert_element_type3A_17 : vector<512x768xf32>
    %convert_element_type3A_18 = arith.truncf %sub3A : vector<512x768xf32> to vector<512x768xbf16>
    %convert_element_type3A_19 = arith.truncf %get3A_16 : vector<768x768xf32> to vector<768x768xbf16>
    %convert_element_type3A_20 = arith.extf %convert_element_type3A_19 : vector<768x768xbf16> to vector<768x768xf32>
    %sub3A_21 = arith.subf %get3A_16, %convert_element_type3A_20 : vector<768x768xf32>
    %convert_element_type3A_22 = arith.truncf %sub3A_21 : vector<768x768xf32> to vector<768x768xbf16>
    %dot_general3A = arith.constant dense<0.000000e+00> : vector<512x768xf32>
    %dot_general3A_23 = tpu.matmul %convert_element_type3A, %convert_element_type3A_19, %dot_general3A {dimension_numbers = #tpu.dot_dimension_numbers<[1], [0], [0], [1], [0, 0, 1, 1], [], []>, transpose_lhs_hint = false} : vector<512x768xbf16>, vector<768x768xbf16>, vector<512x768xf32> -> vector<512x768xf32>
    %dot_general3A_24 = arith.constant dense<0.000000e+00> : vector<512x768xf32>
    %dot_general3A_25 = tpu.matmul %convert_element_type3A_18, %convert_element_type3A_19, %dot_general3A_24 {dimension_numbers = #tpu.dot_dimension_numbers<[1], [0], [0], [1], [0, 0, 1, 1], [], []>, transpose_lhs_hint = false} : vector<512x768xbf16>, vector<768x768xbf16>, vector<512x768xf32> -> vector<512x768xf32>
    %add3A_26 = arith.addf %dot_general3A_23, %dot_general3A_25 : vector<512x768xf32>
    %dot_general3A_27 = arith.constant dense<0.000000e+00> : vector<512x768xf32>
    %dot_general3A_28 = tpu.matmul %convert_element_type3A, %convert_element_type3A_22, %dot_general3A_27 {dimension_numbers = #tpu.dot_dimension_numbers<[1], [0], [0], [1], [0, 0, 1, 1], [], []>, transpose_lhs_hint = false} : vector<512x768xbf16>, vector<768x768xbf16>, vector<512x768xf32> -> vector<512x768xf32>
    %add3A_29 = arith.addf %add3A_26, %dot_general3A_28 : vector<512x768xf32>
    %get3A_30 = arith.constant 0 : index
    %get3A_31 = arith.constant 0 : index
    %get3A_32 = vector.load %arg6[%get3A_30, %get3A_31] : memref<1x768xf32, #tpu.memory_space<vmem>>, vector<1x768xf32>
    %add3A_33 = vector.broadcast %get3A_32 : vector<1x768xf32> to vector<512x768xf32>
    %add3A_34 = arith.addf %add3A_29, %add3A_33 : vector<512x768xf32>
    %get3A_35 = arith.constant 0 : index
    %get3A_36 = arith.constant 0 : index
    %get3A_37 = arith.constant 0 : index
    %get3A_38 = vector.load %arg4[%get3A_35, %get3A_36, %get3A_37] : memref<1x512x768xf32, #tpu.memory_space<vmem>>, vector<1x512x768xf32>
    %get3A_39 = vector.shape_cast %get3A_38 : vector<1x512x768xf32> to vector<512x768xf32>
    %add3A_40 = arith.addf %add3A_34, %get3A_39 : vector<512x768xf32>
    %reduce_sum3A = arith.constant dense<0.000000e+00> : vector<512xf32>
    %reduce_sum3A_41 = vector.multi_reduction <add>, %add3A_40, %reduce_sum3A [1] : vector<512x768xf32> to vector<512xf32>
    %broadcast_in_dim3A = vector.shape_cast %reduce_sum3A_41 : vector<512xf32> to vector<512x1xf32>
    %div3A = arith.constant 7.680000e+02 : f32
    %div3A_42 = vector.broadcast %div3A : f32 to vector<512x1xf32>
    %div3A_43 = arith.divf %broadcast_in_dim3A, %div3A_42 : vector<512x1xf32>
    %sub3A_44 = vector.broadcast %div3A_43 : vector<512x1xf32> to vector<512x768xf32>
    %sub3A_45 = arith.subf %add3A_40, %sub3A_44 : vector<512x768xf32>
    %mul3A_46 = arith.mulf %sub3A_45, %sub3A_45 : vector<512x768xf32>
    %reduce_sum3A_47 = arith.constant dense<0.000000e+00> : vector<512xf32>
    %reduce_sum3A_48 = vector.multi_reduction <add>, %mul3A_46, %reduce_sum3A_47 [1] : vector<512x768xf32> to vector<512xf32>
    %broadcast_in_dim3A_49 = vector.shape_cast %reduce_sum3A_48 : vector<512xf32> to vector<512x1xf32>
    %div3A_50 = arith.constant 7.680000e+02 : f32
    %div3A_51 = vector.broadcast %div3A_50 : f32 to vector<512x1xf32>
    %div3A_52 = arith.divf %broadcast_in_dim3A_49, %div3A_51 : vector<512x1xf32>
    %get3A_53 = arith.constant 0 : index
    %get3A_54 = arith.constant 0 : index
    %get3A_55 = vector.load %arg7[%get3A_53, %get3A_54] : memref<1x768xf32, #tpu.memory_space<vmem>>, vector<1x768xf32>
    %add3A_56 = arith.constant 9.99999996E-13 : f32
    %add3A_57 = vector.broadcast %add3A_56 : f32 to vector<512x1xf32>
    %add3A_58 = arith.addf %div3A_52, %add3A_57 : vector<512x1xf32>
    %rsqrt3A = math.rsqrt %add3A_58 : vector<512x1xf32>
    %mul3A_59 = vector.broadcast %rsqrt3A : vector<512x1xf32> to vector<512x768xf32>
    %mul3A_60 = arith.mulf %sub3A_45, %mul3A_59 : vector<512x768xf32>
    %mul3A_61 = vector.broadcast %get3A_55 : vector<1x768xf32> to vector<512x768xf32>
    %mul3A_62 = arith.mulf %mul3A_61, %mul3A_60 : vector<512x768xf32>
    %get3A_63 = arith.constant 0 : index
    %get3A_64 = arith.constant 0 : index
    %get3A_65 = vector.load %arg8[%get3A_63, %get3A_64] : memref<1x768xf32, #tpu.memory_space<vmem>>, vector<1x768xf32>
    %add3A_66 = vector.broadcast %get3A_65 : vector<1x768xf32> to vector<512x768xf32>
    %add3A_67 = arith.addf %mul3A_62, %add3A_66 : vector<512x768xf32>
    %swap3A = arith.constant 0 : index
    %swap3A_68 = arith.constant 0 : index
    %swap3A_69 = arith.constant 0 : index
    %swap3A_70 = vector.load %arg9[%swap3A, %swap3A_68, %swap3A_69] : memref<1x512x768xf32, #tpu.memory_space<vmem>>, vector<1x512x768xf32>
    %swap3A_71 = vector.shape_cast %swap3A_70 : vector<1x512x768xf32> to vector<512x768xf32>
    %swap3A_72 = vector.shape_cast %add3A_67 : vector<512x768xf32> to vector<1x512x768xf32>
    tpu.vector_store %arg9[%swap3A, %swap3A_68, %swap3A_69], %swap3A_72 {strides = array<i32>} : memref<1x512x768xf32, #tpu.memory_space<vmem>>, vector<1x512x768xf32>,
    return
  }
  func.func @transform_0(%arg0: i32, %arg1: i32) -> (i32, i32, i32) {
    %c0_i32 = arith.constant 0 : i32
    %c0_i32_0 = arith.constant 0 : i32
    return %arg0, %arg1, %c0_i32 : i32, i32, i32
  }
  func.func @transform_1(%arg0: i32, %arg1: i32) -> (i32, i32, i32) {
    %c0_i32 = arith.constant 0 : i32
    %c0_i32_0 = arith.constant 0 : i32
    return %arg0, %arg1, %c0_i32 : i32, i32, i32
  }
  func.func @transform_2(%arg0: i32, %arg1: i32) -> (i32, i32, i32) {
    %c0_i32 = arith.constant 0 : i32
    %c0_i32_0 = arith.constant 0 : i32
    return %arg0, %arg1, %c0_i32 : i32, i32, i32
  }
  func.func @transform_3(%arg0: i32, %arg1: i32) -> (i32, i32) {
    %c0_i32 = arith.constant 0 : i32
    %c0_i32_0 = arith.constant 0 : i32
    %c0_i32_1 = arith.constant 0 : i32
    return %c0_i32, %c0_i32_0 : i32, i32
  }
  func.func @transform_4(%arg0: i32, %arg1: i32) -> (i32, i32) {
    %c0_i32 = arith.constant 0 : i32
    %c0_i32_0 = arith.constant 0 : i32
    %c0_i32_1 = arith.constant 0 : i32
    return %c0_i32, %c0_i32_0 : i32, i32
  }
  func.func @transform_5(%arg0: i32, %arg1: i32) -> (i32, i32) {
    %c0_i32 = arith.constant 0 : i32
    %c0_i32_0 = arith.constant 0 : i32
    %c0_i32_1 = arith.constant 0 : i32
    return %c0_i32, %c0_i32_0 : i32, i32
  }
  func.func @transform_6(%arg0: i32, %arg1: i32) -> (i32, i32) {
    %c0_i32 = arith.constant 0 : i32
    %c0_i32_0 = arith.constant 0 : i32
    %c0_i32_1 = arith.constant 0 : i32
    return %c0_i32, %c0_i32_0 : i32, i32
  }
  func.func @transform_7(%arg0: i32, %arg1: i32) -> (i32, i32, i32) {
    %c0_i32 = arith.constant 0 : i32
    %c0_i32_0 = arith.constant 0 : i32
    return %arg0, %arg1, %c0_i32 : i32, i32, i32
  }
}

</mosaic_0001>

<sc_bundles>
// kernel: kernel.13.cloned.1.call-start
scs
__scs_entry_jumppad:
0x0: {  	(pc) =	sbr.rel $0x88, $3  }
0x1: {  	(tag) =	ssettag $0x0;
	lr =	simm.s32 $0x1  }
0x2: {  	[smem:$0x3F96] =	sst lr;
	_ =	strace $0xD0000000  }
0x3: {  	_ = 	snop  }
0x4: {  	_ = 	snop  }
0x5: {  	_ = 	snop  }
0x6: {  	_ = 	snop  }
0x7: {  	_ = 	snop  }
__scs_overlays_trampoline_lowered:
0x8: {  	[smem:$0x3FA5] =	sst s0  }
0x9: {  	[smem:$0x3FA6] =	sst s1  }
0xa: {  	[smem:$0x3FA7] =	sst s2  }
0xb: {  	[smem:$0x3FA8] =	sst s3  }
0xc: {  	[smem:$0x3FA9] =	sst s4  }
0xd: {  	[smem:$0x3FAA] =	sst s5  }
0xe: {  	[smem:$0x3FAB] =	sst s6  }
0xf: {  	[smem:$0x3FAC] =	sst s7  }
0x10: {  	[smem:$0x3FAD] =	sst s8  }
0x11: {  	[smem:$0x3FAE] =	sst s9;
	s0 =	simm.s32 @!p0 $0x0  }
0x12: {  	s1 =	sld [smem:$0x3F94];
	s0 =	simm.s32 @p0 $0x1  }
0x13: {  	[smem:$0x3FAF] =	sst s0;
	s0 =	simm.s32 @!p1 $0x0  }
0x14: {  	s2 =	sld [smem:$0x3F93];
	s0 =	simm.s32 @p1 $0x1  }
0x15: {  	[smem:$0x3FB0] =	sst s0;
	s0 =	simm.s32 @!p2 $0x0  }
0x16: {  	s3 =	sld [smem:$0x3FDB];
	s0 =	simm.s32 @p2 $0x1  }
0x17: {  	s4 =	simm.s32 $0x1BF5;
	[smem:$0x3FB2] =	sst s0  }
0x18: {  	s0 =	sld [smem:$0x3F95];
	_ =	swait.ge [sflag:s4], $0x0  }
0x19: {  	s7 =	sld [smem:$0x3F96]  }
0x1a: {  	s8 =	sadd.s32 $0xFFFFE003, lr  }
0x1b: {  	s9 =	sadd.s32 $0xFFFFFEF7, lr;
	s5 =	simm.s32 $0xFFFFFFFF;
	p2 =	slt.u32 s8, $0xFFFFF086  }
0x1c: {  	p1 =	slt.u32 s9, $0xF7A;
	s5 =	simm.s32 @!p2 $0x0  }
0x1d: {  	s5 =	simm.s32 @p1 $0x1;
	p0 =	seq.s32 s7, s2  }
0x1e: {  	s7 =	smul.u32 @!p0 $0xF7A, s2;
	p2 =	seq.s32 @!p0 s5, $0x0  }
0x1f: {  	s9 =	smul.u32 $0xF7A, s1;
	s8 =	simm.s32 @!p0 $0x1BF5;
	p2 =	por !p2, p0  }
0x20: {  	[sflag:s8] =	ssyncset.s32 @!p0 $0xFFFFF086;
	s6 =	sadd.s32 @!p0 s3, s7;
	s7 =	simm.s32 @!p0 $0x108  }
0x21: {  	s3 =	sadd.s32 s3, s9;
	s6 =	sadd.s32 @!p0 $0x88, s6;
	s7 =	simm.s32 @p2 $0x1082  }
0x22: {  	[simem:s7], [sflag:s8] =	dma.local @!p0 [hbm:s6], $0xF7A  }
0x23: {  	s9 =	sor.u32 $0xD0000000, s2;
	s6 =	simm.s32 $0x108;
	_ =	swait.ge @!p0 [sflag:s8], $0x0  }
0x24: {  	s3 =	sadd.s32 $0x88, s3;
	s6 =	simm.s32 @!p1 $0x1082;
	[sflag:s4] =	ssyncset.s32 $0xFFFFF086  }
0x25: {  	[simem:s6], [sflag:s4] =	dma.local [hbm:s3], $0xF7A  }
0x26: {  	[smem:$0x3F96] =	sst s1;
	(tag) =	ssettag s2;
	_ =	strace s9  }
0x27: {  	s1 =	sld [smem:$0x3FA6]  }
0x28: {  	s2 =	sld [smem:$0x3FA7]  }
0x29: {  	s4 =	sld [smem:$0x3FA9]  }
0x2a: {  	p0 =	seq.s32 s5, $0x0;
	s5 =	sld [smem:$0x3FAA]  }
0x2b: {  	s6 =	sld [smem:$0x3FAB]  }
0x2c: {  	s7 =	sld [smem:$0x3FAC]  }
0x2d: {  	s3 =	simm.s32 $0x108;
	s8 =	sld [smem:$0x3FAD]  }
0x2e: {  	s3 =	simm.s32 @!p0 $0x1082;
	s9 =	sld [smem:$0x3FAE]  }
0x2f: {  	lr =	sadd.s32 s0, s3;
	s0 =	sld [smem:$0x3FA5]  }
0x30: {  	s3 =	sld [smem:$0x3FA8]  }
0x31: {  	[smem:$0x3FB1] =	sst s10  }
0x32: {  	s10 =	sld [smem:$0x3FAF];
	_ =	sdelay $0x3  }
0x33: {  	p0 =	seq.s32 s10, $0x1;
	s10 =	sld [smem:$0x3FB1];
	_ =	sdelay $0x3  }
0x34: {  	[smem:$0x3FB1] =	sst s10  }
0x35: {  	s10 =	sld [smem:$0x3FB0];
	_ =	sdelay $0x3  }
0x36: {  	p1 =	seq.s32 s10, $0x1;
	s10 =	sld [smem:$0x3FB1];
	_ =	sdelay $0x3  }
0x37: {  	[smem:$0x3FB1] =	sst s10  }
0x38: {  	s10 =	sld [smem:$0x3FB2]  }
0x39: {  	_ = 	snop;
	(pc) =	sbr.ind lr, $3  }
0x3a: {  	_ = 	snop  }
0x3b: {  	_ = 	snop  }
0x3c: {  	p2 =	seq.s32 s10, $0x1;
	s10 =	sld [smem:$0x3FB1]  }
0x3d: {  	_ =	shalt  }
0x3e: {  	_ =	shalt  }
0x3f: {  	_ =	shalt  }
0x40: {  	_ =	shalt  }
0x41: {  	_ =	shalt  }
0x42: {  	_ =	shalt  }
0x43: {  	_ =	shalt  }
0x44: {  	_ =	shalt  }
0x45: {  	_ =	shalt  }
0x46: {  	_ =	shalt  }
0x47: {  	_ =	shalt  }
0x48: {  	_ =	shalt  }
0x49: {  	_ =	shalt  }
0x4a: {  	_ =	shalt  }
0x4b: {  	_ =	shalt  }
0x4c: {  	_ =	shalt  }
0x4d: {  	_ =	shalt  }
0x4e: {  	_ =	shalt  }
0x4f: {  	_ =	shalt  }
0x50: {  	_ =	shalt  }
0x51: {  	_ =	shalt  }
0x52: {  	_ =	shalt  }
0x53: {  	_ =	shalt  }
0x54: {  	_ =	shalt  }
0x55: {  	_ =	shalt  }
0x56: {  	_ =	shalt  }
0x57: {  	_ =	shalt  }
0x58: {  	_ =	shalt  }
0x59: {  	_ =	shalt  }
0x5a: {  	_ =	shalt  }
0x5b: {  	_ =	shalt  }
0x5c: {  	_ =	shalt  }
0x5d: {  	_ =	shalt  }
0x5e: {  	_ =	shalt  }
0x5f: {  	_ =	shalt  }
0x60: {  	_ =	shalt  }
0x61: {  	_ =	shalt  }
0x62: {  	_ =	shalt  }
0x63: {  	_ =	shalt  }
0x64: {  	_ =	shalt  }
0x65: {  	_ =	shalt  }
0x66: {  	_ =	shalt  }
0x67: {  	_ =	shalt  }
0x68: {  	_ =	shalt  }
0x69: {  	_ =	shalt  }
0x6a: {  	_ =	shalt  }
0x6b: {  	_ =	shalt  }
0x6c: {  	_ =	shalt  }
0x6d: {  	_ =	shalt  }
0x6e: {  	_ =	shalt  }
0x6f: {  	_ =	shalt  }
0x70: {  	_ =	shalt  }
0x71: {  	_ =	shalt  }
0x72: {  	_ =	shalt  }
0x73: {  	_ =	shalt  }
0x74: {  	_ =	shalt  }
0x75: {  	_ =	shalt  }
0x76: {  	_ =	shalt  }
0x77: {  	_ =	shalt  }
0x78: {  	_ =	shalt  }
0x79: {  	_ =	shalt  }
0x7a: {  	_ =	shalt  }
0x7b: {  	_ =	shalt  }
0x7c: {  	_ =	shalt  }
0x7d: {  	_ =	shalt  }
0x7e: {  	_ =	shalt  }
0x7f: {  	_ =	shalt  }
0x80: {  	_ =	shalt  }
0x81: {  	_ =	shalt  }
0x82: {  	_ =	shalt  }
0x83: {  	_ =	shalt  }
0x84: {  	_ =	shalt  }
0x85: {  	_ =	shalt  }
0x86: {  	_ =	shalt  }
0x87: {  	_ =	shalt  }
.Lfunc_end0:
.L_simem_size_0:
called_computation_lowered:
.L_overlay_start_0:
0x88: {  	s2 =	sld [smem:$0x3FD9]  }
0x89: {  	s3 =	sld [smem:$0x3FFE];
	_ =	sdelay $0x1  }
0x8a: {  	s1 =	srdreg.scid  }
0x8b: {  	s0 =	sand.u32 $0x1, s1  }
0x8c: {  	s16 =	sshll.u32 s0, $0xA;
	s2 =	sadd.s32 s3, s2  }
0x8d: {  	s2 =	sadd.s32 s2, s16  }
0x8e: {  	[smem:$0x3FBD] =	sst s2  }
0x8f: {  	_ = 	snop  }
0x90: {  	(tm) =	ssettm $0x1  }
0x91: {  	s17 =	sld [smem:$0x3FFB];
	_ =	sdelay $0x3  }
0x92: {  	_ =	strace s17  }
0x93: {  	s2 =	sld [smem:$0x3FFC];
	_ =	sdelay $0x3  }
0x94: {  	_ =	strace s2  }
0x95: {  	s2 =	sld [smem:$0x3FFD];
	_ =	sdelay $0x3  }
0x96: {  	_ =	strace s2  }
0x97: {  	_ =	strace $0x8FFFFFFF  }
0x98: {  	s18 =	sld [smem:$0x3FDB];
	_ =	sdelay $0x1  }
0x99: {  	s19 =	simm.s32 $_scs_section_size  }
0x9a: {  	s4 =	simm.s32 $_size__tile_overlayer_lowered;
	s5 =	simm.s32 $_tile_overlayer_lowered  }
0x9b: {  	s22 =	simm.s32 $0x1BFF;
	s21 =	sshll.u32 s5, $0x1;
	s2 =	sadd.s32 s19, s18  }
0x9c: {  	s6 =	simm.s32 $0x0;
	s20 =	sshll.u32 s4, $0x1;
	s4 =	sadd.s32 s21, s2  }
0x9d: {  	[timem:s6], [sflag:s22] =	dma.local [hbm:s4], s20  }
0x9e: {  	_ =	swait.ge [sflag:s22], s20  }
0x9f: {  	s3 =	ssub.s32 $0x0, s20;
	[sflag:s22] =	ssyncset.done $0x0  }
0xa0: {  	[sflag:s22] =	ssyncadd.s32 s3;
	_ =	sdelay $0x1  }
0xa1: {  	s23 =	simm.s32 $0x1B8B  }
0xa2: {  	_ =	swait.ge [sflag:s23], $0x1  }
0xa3: {  	[sflag:s23] =	ssyncset.done $0x0  }
0xa4: {  	s25 =	simm.s32 $0x1B8E;
	s24 =	sld [smem:$0x3FFE];
	[sflag:s23] =	ssyncadd.s32 $0xFFFFFFFF  }
0xa5: {  	s26 =	simm.s32 $execute0_lowered;
	[smem:$0x3FD2] =	sst s25  }
0xa6: {  	s4 =	sshll.u32 s26, $0x1;
	_ =	strace $0x80000046;
	[dreg:$0x1] =	wrdreg $0xFFFFFFFF  }
0xa7: {  	s28 =	simm.s32 $_size_execute0_lowered;
	s2 =	sadd.s32 s2, s4;
	[dreg:$0x0] =	wrdreg $0x0  }
0xa8: {  	s4 =	sshll.u32 s28, $0x1;
	[dreg:$0x2] =	wrdreg s2  }
0xa9: {  	[dreg:$0x3] =	wrdreg s4  }
0xaa: {  	[dreg:$0x4] =	wrdreg $0xC0  }
0xab: {  	_ =	task [dreg:s6], $0x5FFFF  }
0xac: {  	[dreg:$0x1] =	wrdreg $0xFFFFFFFF  }
0xad: {  	[dreg:$0x0] =	wrdreg $0x60  }
0xae: {  	[dreg:$0x2] =	wrdreg s24  }
0xaf: {  	[dreg:$0x3] =	wrdreg $0x9  }
0xb0: {  	_ =	task.clear_ibuf [dreg:s6], $0x4FFFF;
	_ =	strace $0x90000046  }
0xb1: {  	s29 =	simm.s32 $0x9;
	_ =	strace $0x80000048  }
0xb2: {  	_ =	swait.ge [sflag:s29], $0x1  }
0xb3: {  	[sflag:s29] =	ssyncadd.s32 $0xFFFFFFFF  }
0xb4: {  	_ =	strace $0x90000048  }
0xb5: {  	_ =	sfence  }
0xb6: {  	s30 =	sld [smem:$0x0];
	_ =	sdelay $0x2  }
0xb7: {  	s31 =	sshll.u32 s1, $0xD;
	s1 =	sshrl.u32 s1, $0x2  }
0xb8: {  	s3 =	sand.u32 $0x4000, s31;
	s1 =	sadd.s32 s1, s30  }
0xb9: {  	s0 =	sor.u32 s3, s0;
	s1 =	sshll.u32 s1, $0x11  }
0xba: {  	s0 =	sor.u32 s1, s0  }
0xbb: {  	s0 =	sadd.s32 $0x8F2B, s0  }
0xbc: {  	[sflag:s0] =	ssyncadd.remote.s32 $0x1  }
0xbd: {  	_ =	sfence.sel $0xFFFF  }
0xbe: {  	[dreg:$0x0] =	wrdreg $0xFFFFFFFF;
	(pc) =	sbr.abs _section_cstart, $3  }
0xbf: {  	[dreg:$0x1] =	wrdreg $0xFFFFFFFF  }
0xc0: {  	_ =	task.clear_ibuf [dreg:s6], $0x2FFFF;
	_ =	strace $0x9FFFFFFF  }
0xc1: {  	(tm) =	ssettm $0x7FFFFFFF  }
tec
execute0_lowered:
.L_overlay_start_1:
0x0: {  	(tag) =	ssettag $0x1  }
0x1: {  	s3 =	stileid.u32  }
0x2: {  	p0 =	sne.s32 s3, $0x0  }
.Ltmp0:
0x3: {  	_ = 	snop;
	(pc) =	sbr.rel @p0 .LBB2_15-.Ltmp0, $4  }
0x4: {  	_ = 	snop  }
0x5: {  	s2 =	rddreg [dreg:$0x0];
	s1 =	simm.s32 $0x0  }
0x6: {  	[smem:$0x7FF] =	sst s1  }
0x7: {  	s0 =	rddreg [dreg:$0x1];
	_ =	strace $0x80000047  }
0x8: {  	v0 =	vimm.s32 $0xEFCDAB89  }
0x9: {  	v1 =	vimm.s32 $0x67452301;
	v2 =	vimm.s32 $0xDCFE98BA;
	v3 =	vimm.s32 $0x54761032  }
0xa: {  	v4 =	vimm.s32 $0xBA98FEDC;
	v5 =	vimm.s32 $0x32107654;
	v6 =	vimm.s32 $0xFEDCBA98  }
0xb: {  	v8 =	vimm.s32 $0xEDCBA987;
	v9 =	vimm.s32 $0x65432100;
	v10 =	vimm.s32 $0xDCBA9876  }
0xc: {  	v12 =	vimm.s32 $0xE40000;
	v13 =	vimm.s32 $0x32100000;
	v2 =	vunpack.c.l.s4.s8 v2  }
0xd: {  	v3 =	vunpack.c.l.s4.s8 v3;
	v4 =	vunpack.c.l.s4.s8 v4;
	v5 =	vunpack.c.l.s4.s8 v5  }
0xe: {  	vm0 =	vmmov $0x3;
	vm2 =	vcmask $0x3F30;
	v2 =	vunpack.c.0.s8.s32 v2  }
0xf: {  	v3 =	vunpack.c.0.s8.s32 v3;
	v4 =	vunpack.c.0.s8.s32 v4;
	v5 =	vunpack.c.0.s8.s32 v5  }
0x10: {  	vm1 =	vmmov $0xf;
	v0 =	vunpack.c.l.s4.s8 v0;
	v6 =	vunpack.c.l.s4.s8 v6  }
0x11: {  	v2 =	vcombine.low v3, v2;
	v3 =	vcombine.low v5, v4;
	v4 =	vimm.s32 $0x76543210  }
0x12: {  	v1 =	vunpack.c.l.s4.s8 v1;
	v8 =	vunpack.c.l.s4.s8 v8;
	v7 =	vunpack.c.l.s4.s8 v4  }
0x13: {  	v9 =	vunpack.c.l.s4.s8 v9;
	v10 =	vunpack.c.l.s4.s8 v10;
	v6 =	vunpack.c.0.s8.s32 v6  }
0x14: {  	v12 =	vunpack.c.l.s2.s4 v12;
	v0 =	vunpack.c.0.s8.s32 v0;
	v7 =	vunpack.c.0.s8.s32 v7  }
0x15: {  	v1 =	vunpack.c.0.s8.s32 v1;
	v8 =	vunpack.c.0.s8.s32 v8;
	v6 =	vand.u32 $0xF, v6  }
0x16: {  	v9 =	vunpack.c.0.s8.s32 v9;
	v6 =	vcombine.low v6, v7;
	v7 =	vimm.s32 $0x54321000  }
0x17: {  	v10 =	vunpack.c.0.s8.s32 v10;
	v11 =	vunpack.c.l.s4.s8 v7;
	v7 =	vimm.s32 $0xBA987654  }
0x18: {  	v12 =	vunpack.c.l.s4.s8 v12;
	v8 =	vand.u32 $0xF, v8;
	v14 =	vunpack.c.l.s4.s8 v7  }
0x19: {  	s3 =	srdreg.scid;
	v0 =	vcombine.low v1, v0;
	v7 =	vcombine.low v9, v8;
	v9 =	vunpack.c.0.s8.s32 v11  }
0x1a: {  	s3 =	sand.u32 $0x1, s3;
	v10 =	vand.u32 $0xF, v10;
	v11 =	vunpack.c.l.s4.s8 v13;
	v13 =	vunpack.c.0.s8.s32 v14  }
0x1b: {  	s4 =	sshll.u32 s3, $0x4;
	v12 =	vunpack.c.0.s8.s32 v12;
	v1 =	vand.u32 $0xF, v0;
	v9 =	vcombine.low v9, v10  }
0x1c: {  	s7 =	sadd.s32 $0xC0E00, s2;
	s3 =	ssub.s32 $0x2, s3;
	s5 =	sadd.s32 s4, s2;
	v10 =	vunpack.c.0.s8.s32 v11;
	v11 =	vand.u32 $0xF, v13;
	v13 =	vimm.s32 $0x7060504  }
0x1d: {  	s8 =	simm.s32 $0x800;
	s6 =	sshrl.u32 s3, $0x1;
	s2 =	sadd.s32 $0xC1000, s5;
	v4 =	vand.u32 $0xF, v2;
	v5 =	vand.u32 $0xF, v3;
	v13 =	vunpack.c.0.s8.s32 v13  }
0x1e: {  	s31 =	ssub.s32 s3, s6;
	s3 =	sadd.s32 s7, s4;
	s5 =	simm.s32 $0x80;
	v12 =	vand.u32 $0x3, v12;
	v8 =	vimm.f32 $0.0e+00;
	v10 =	vcombine.low v10, v11  }
0x1f: {  	s6 =	simm.s32 $0x100;
	s7 =	simm.s32 $0x1;
	s4 =	smax.u32 s31, $0x1;
	v11 =	vlaneseq.u32;
	v12 =	vsel vm2, v13, v12;
	vm2 =	vmmov $0xff  }
.LBB2_2:
0x20: {  	s9 =	simm.s32 $0x0  }
0x21: {  	[tilespmem:s9], [sflag:$0x1] =	stream.strided.gather [hbm4b:s3+s5], $0x800, s6, s5, $0x38;
	[tilespmem:$0x1100] =	vst v63  }
0x22: {  	_ =	swait.ge [sflag:s7], $0x800  }
0x23: {  	[sflag:s7] =	ssyncset.done $0x0  }
0x24: {  	v13 =	vimm.f32 $-3.000000010e+38;
	[sflag:s7] =	ssyncadd.s32 $0xFFFFF800  }
0x25: {  	v14 =	vimm.f32 $3.000000010e+38;
	[tilespmem:$0x1000] =	vst v13  }
0x26: {  	s10 =	simm.s32 $0x0;
	s9 =	simm.s32 $0x40;
	[tilespmem:$0x1010] =	vst v14  }
.LBB2_3:
0x27: {  	p1 =	sne.s32 s9, $0x1FC0;
	v15 =	vld [tilespmem:s10+$0x0];
	_ =	sdelay $0x2  }
.Ltmp1:
0x28: {  	(pc) =	sbr.rel @p1 .LBB2_3-.Ltmp1, $4  }
0x29: {  	_ = 	snop  }
0x2a: {  	v13 =	vmax.f32 v13, v15;
	v14 =	vmin.f32 v14, v15  }
0x2b: {  	[tilespmem:$0x1000] =	vst v13  }
0x2c: {  	s10 =	sshra.s32 s9, $0x2;
	s9 =	sadd.s32 $0x40, s9;
	[tilespmem:$0x1010] =	vst v14  }
0x2d: {  	v15 =	vld [tilespmem:s10+$0x0];
	_ =	sdelay $0x4  }
0x2e: {  	v14 =	vmin.f32 v14, v15  }
0x2f: {  	v16 =	vperm.xlane v14, v1;
	_ =	sdelay $0x1  }
0x30: {  	v13 =	vmax.f32 v13, v15;
	v15 =	vmin.f32 v14, v16  }
0x31: {  	v16 =	vperm.xlane v13, v1;
	v17 =	vperm.xlane v15, v4;
	_ =	sdelay $0x1  }
0x32: {  	v16 =	vmax.f32 v13, v16;
	v15 =	vmin.f32 v15, v17  }
0x33: {  	v17 =	vperm.xlane v16, v4;
	v18 =	vperm.xlane v15, v5;
	_ =	sdelay $0x1  }
0x34: {  	v16 =	vmax.f32 v16, v17;
	v15 =	vmin.f32 v15, v18  }
0x35: {  	v17 =	vperm.xlane v16, v5;
	v18 =	vperm.xlane v15, v6;
	_ =	sdelay $0x1  }
0x36: {  	[tilespmem:$0x1000] =	vst v13;
	v16 =	vmax.f32 v16, v17;
	v15 =	vmin.f32 v15, v18  }
0x37: {  	[tilespmem:$0x1010] =	vst v14;
	v14 =	vimm.f32 $0.0e+00;
	v13 =	vperm.xlane v16, v6;
	v15 =	vadd.f32 $-1.000000000e+00, v15  }
0x38: {  	[tilespmem:$0x1060] =	vst v14  }
0x39: {  	v13 =	vmax.f32 v16, v13;
	[tilespmem:$0x1020] =	vst v15  }
0x3a: {  	[tilespmem:$0x1030] =	vst v13  }
0x3b: {  	s9 =	simm.s32 $0x0;
	v16 =	vimm.f32 $0.0e+00;
	[tilespmem:$0x1040] =	vst v13;
	v18 =	vmov v13;
	v17 =	vmov v13  }
.LBB2_5:
0x3c: {  	v19 =	vadd.f32 v17, v15;
	_ =	sdelay $0x1  }
0x3d: {  	[tilespmem:$0x1050] =	vst v14;
	s11 =	simm.s32 $0x0;
	s10 =	simm.s32 $0x40;
	v20 =	vimm.f32 $0.0e+00;
	v19 =	vmul.f32 $5.000000000e-01, v19  }
.LBB2_6:
0x3e: {  	p1 =	sne.s32 s10, $0x1FC0;
	v21 =	vld [tilespmem:s11+$0x0];
	_ =	sdelay $0x4  }
.Ltmp2:
0x3f: {  	vm3 =	vgt.f32 v21, v19;
	(pc) =	sbr.rel @p1 .LBB2_6-.Ltmp2, $3  }
0x40: {  	v21 =	vsel vm3, $0x3F800000, v8  }
0x41: {  	v20 =	vadd.f32 v21, v20;
	_ =	sdelay $0x1  }
0x42: {  	s11 =	sshra.s32 s10, $0x2;
	s10 =	sadd.s32 $0x40, s10;
	[tilespmem:$0x1050] =	vst v20  }
0x43: {  	v21 =	vld [tilespmem:s11+$0x0];
	_ =	sdelay $0x4  }
0x44: {  	vm3 =	vgt.f32 v21, v19  }
0x45: {  	v21 =	vsel vm3, $0x3F800000, v8  }
0x46: {  	v20 =	vadd.f32 v21, v20;
	_ =	sdelay $0x1  }
0x47: {  	v21 =	vperm.xlane v20, v0;
	_ =	sdelay $0x1  }
0x48: {  	v21 =	vadd.f32 v21, v20;
	_ =	sdelay $0x1  }
0x49: {  	v22 =	vperm.xlane v21, v2;
	_ =	sdelay $0x1  }
0x4a: {  	v21 =	vadd.f32 v22, v21;
	_ =	sdelay $0x1  }
0x4b: {  	v22 =	vperm.xlane v21, v3;
	_ =	sdelay $0x1  }
0x4c: {  	v21 =	vadd.f32 v22, v21;
	_ =	sdelay $0x1  }
0x4d: {  	v22 =	vperm.xlane v21, v6;
	_ =	sdelay $0x1  }
0x4e: {  	v21 =	vadd.f32 v22, v21;
	_ =	sdelay $0x1  }
0x4f: {  	vm3 =	veq.f32 v21, $7.600000000e+01  }
0x50: {  	v62 =	vsel vm3, $0x3F800000, v8  }
0x51: {  	s9 =	sadd.s32 $0x1, s9;
	v23 =	vsub.f32 $1.000000000e+00, v62  }
0x52: {  	p1 =	sne.s32 s9, $0x40;
	vm3 =	vge.f32 v21, $7.600000000e+01  }
.Ltmp3:
0x53: {  	[tilespmem:$0x1050] =	vst v20;
	v63 =	vmul.f32 v62, v19;
	v15 =	vsel vm3, v19, v15;
	v18 =	vmul.f32 v23, v18;
	(pc) =	sbr.rel @p1 .LBB2_5-.Ltmp3, $4  }
0x54: {  	v17 =	vsel vm3, v17, v19;
	[tilespmem:$0x1020] =	vst v15  }
0x55: {  	v16 =	vmax.f32 v16, v62;
	[tilespmem:$0x1030] =	vst v17;
	v18 =	vadd.f32 v18, v63  }
0x56: {  	[tilespmem:$0x1060] =	vst v16  }
0x57: {  	[tilespmem:$0x1040] =	vst v18  }
0x58: {  	v19 =	vsub.f32 $1.000000000e+00, v16;
	_ =	sdelay $0x1  }
0x59: {  	v16 =	vmul.f32 v18, v16;
	v14 =	vmul.f32 v17, v19  }
0x5a: {  	v17 =	vimm.f32 $0.0e+00  }
0x5b: {  	s10 =	simm.s32 $0x0;
	s9 =	simm.s32 $0x40;
	[tilespmem:$0x1050] =	vst v17;
	v14 =	vadd.f32 v14, v16  }
.LBB2_9:
0x5c: {  	p1 =	sne.s32 s9, $0x1FC0;
	v18 =	vld [tilespmem:s10+$0x0];
	_ =	sdelay $0x4  }
.Ltmp4:
0x5d: {  	vm3 =	vgt.f32 v18, v14;
	(pc) =	sbr.rel @p1 .LBB2_9-.Ltmp4, $3  }
0x5e: {  	v18 =	vsel vm3, $0x3F800000, v8  }
0x5f: {  	v17 =	vadd.f32 v18, v17;
	_ =	sdelay $0x1  }
0x60: {  	s10 =	sshra.s32 s9, $0x2;
	s9 =	sadd.s32 $0x40, s9;
	[tilespmem:$0x1050] =	vst v17  }
0x61: {  	v18 =	vld [tilespmem:s10+$0x0];
	_ =	sdelay $0x4  }
0x62: {  	vm3 =	vgt.f32 v18, v14  }
0x63: {  	v18 =	vsel vm3, $0x3F800000, v8  }
0x64: {  	v17 =	vadd.f32 v18, v17;
	v18 =	vimm.f32 $0.0e+00  }
0x65: {  	[tilespmem:$0x1070] =	vst v18  }
0x66: {  	[tilespmem:$0x1080] =	vst v18  }
0x67: {  	s9 =	simm.s32 $0x0;
	[tilespmem:$0x1050] =	vst v17  }
0x68: {  	v20 =	vld [tilespmem:s9+$0x0];
	_ =	sdelay $0x2  }
0x69: {  	v15 =	vmul.f32 v15, v19;
	_ =	sdelay $0x1  }
0x6a: {  	v15 =	vadd.f32 v15, v16;
	vm3 =	vgt.f32 v20, v14  }
0x6b: {  	v19 =	vsel vm3, $0x3F800000, v8  }
0x6c: {  	vm3 =	vgt.f32 v20, v15;
	v16 =	vsub.f32 $1.000000000e+00, v19  }
0x6d: {  	v21 =	vsel vm3, $0x3F800000, v8  }
0x6e: {  	v21 =	vmul.f32 v16, v21;
	_ =	sdelay $0x1  }
0x6f: {  	v16 =	vperm.xlane v21, v7  }
0x70: {  	vm3 =	veq.s32 v11, $0x0  }
0x71: {  	v16 =	vsel vm3, $0x0, v16  }
0x72: {  	v16 =	vadd.f32 v21, v16  }
0x73: {  	v22 =	vperm.xlane v17, v0  }
0x74: {  	v23 =	vperm.xlane v16, v9  }
0x75: {  	v17 =	vadd.f32 v22, v17  }
0x76: {  	v61 =	vsel vm0, $0x0, v23  }
0x77: {  	v62 =	vperm.xlane v17, v2;
	v16 =	vadd.f32 v16, v61;
	_ =	sdelay $0x1  }
0x78: {  	v17 =	vadd.f32 v62, v17;
	v22 =	vperm.xlane v16, v10;
	_ =	sdelay $0x1  }
0x79: {  	v23 =	vperm.xlane v17, v3;
	v22 =	vsel vm1, $0x0, v22  }
0x7a: {  	v16 =	vadd.f32 v16, v22  }
0x7b: {  	v20 =	vsub.f32 v20, v13;
	v17 =	vadd.f32 v23, v17  }
0x7c: {  	v22 =	vperm.xlane v16, v12  }
0x7d: {  	v20 =	vmul.f32 $1.442695020e+00, v20;
	v23 =	vperm.xlane v17, v6  }
0x7e: {  	v22 =	vsel vm2, $0x0, v22  }
0x7f: {  	(erf) = vpow2.f32 v20;
	v17 =	vadd.f32 v23, v17;
	v22 =	vadd.f32 v16, v22;
	_ =	sdelay $0x1  }
0x80: {  	v16 =	vsub.f32 $7.600000000e+01, v17;
	v17 =	vadd.f32 v22, v18  }
0x81: {  	v18 =	vperm.xlane v21, v0  }
0x82: {  	vm4 =	vle.f32 v17, v16  }
0x83: {  	v17 =	vadd.f32 v18, v21;
	v18 =	vsel vm4, $0x3F800000, v8  }
0x84: {  	v18 =	vmul.f32 v18, v21  }
0x85: {  	v20 =	vperm.xlane v17, v2  }
0x86: {  	v18 =	vadd.f32 v18, v19  }
0x87: {  	v17 =	vadd.f32 v20, v17;
	v19 =	vpop (erf)  }
0x88: {  	v18 =	vmul.f32 v18, v19  }
0x89: {  	v19 =	vperm.xlane v17, v3  }
0x8a: {  	[tilespmem:s9+$0x800] =	vst v18  }
0x8b: {  	v17 =	vadd.f32 v19, v17;
	v19 =	vld [tilespmem:$0x1070]  }
0x8c: {  	v20 =	vld [tilespmem:$0x1080]  }
0x8d: {  	v63 =	vperm.xlane v17, v6;
	_ =	sdelay $0x1  }
0x8e: {  	v17 =	vadd.f32 v63, v17  }
0x8f: {  	v18 =	vadd.f32 v18, v19  }
0x90: {  	s9 =	simm.s32 $0x40;
	v17 =	vadd.f32 v17, v20  }
.LBB2_11:
0x91: {  	p1 =	sne.s32 s9, $0x1FC0;
	[tilespmem:$0x1070] =	vst v18;
	s10 =	smov.u32 s9;
	s9 =	sadd.s32 $0x40, s9  }
0x92: {  	s10 =	sshra.s32 s10, $0x2;
	[tilespmem:$0x1080] =	vst v17  }
0x93: {  	v18 =	vld [tilespmem:s10+$0x0];
	_ =	sdelay $0x4  }
0x94: {  	vm4 =	vgt.f32 v18, v14;
	vm5 =	vgt.f32 v18, v15;
	v18 =	vsub.f32 v18, v13  }
0x95: {  	v19 =	vsel vm4, $0x3F800000, v8  }
0x96: {  	v20 =	vsub.f32 $1.000000000e+00, v19;
	v18 =	vmul.f32 $1.442695020e+00, v18  }
0x97: {  	v21 =	vsel vm5, $0x3F800000, v8  }
0x98: {  	v20 =	vmul.f32 v20, v21;
	_ =	sdelay $0x1  }
0x99: {  	v21 =	vperm.xlane v20, v7;
	v22 =	vperm.xlane v20, v0;
	_ =	sdelay $0x1  }
0x9a: {  	v21 =	vsel vm3, $0x0, v21;
	v22 =	vadd.f32 v22, v20  }
0x9b: {  	v21 =	vadd.f32 v20, v21  }
0x9c: {  	v23 =	vperm.xlane v22, v2  }
0x9d: {  	v24 =	vperm.xlane v21, v9  }
0x9e: {  	v22 =	vadd.f32 v23, v22  }
0x9f: {  	v23 =	vsel vm0, $0x0, v24  }
0xa0: {  	v21 =	vadd.f32 v21, v23;
	v23 =	vperm.xlane v22, v3;
	_ =	sdelay $0x1  }
0xa1: {  	v24 =	vperm.xlane v21, v10;
	v22 =	vadd.f32 v23, v22;
	_ =	sdelay $0x1  }
0xa2: {  	v23 =	vsel vm1, $0x0, v24;
	v24 =	vperm.xlane v22, v6  }
0xa3: {  	v21 =	vadd.f32 v21, v23  }
0xa4: {  	v22 =	vadd.f32 v24, v22  }
0xa5: {  	v23 =	vperm.xlane v21, v12;
	_ =	sdelay $0x1  }
0xa6: {  	v23 =	vsel vm2, $0x0, v23  }
0xa7: {  	v21 =	vadd.f32 v21, v23;
	(erf) = vpow2.f32 v18;
	_ =	sdelay $0x1  }
0xa8: {  	v17 =	vadd.f32 v21, v17;
	_ =	sdelay $0x1  }
0xa9: {  	vm4 =	vle.f32 v17, v16  }
0xaa: {  	v17 =	vsel vm4, $0x3F800000, v8  }
0xab: {  	v17 =	vmul.f32 v17, v20;
	_ =	sdelay $0x1  }
0xac: {  	v17 =	vadd.f32 v17, v19  }
0xad: {  	v18 =	vpop (erf)  }
0xae: {  	v17 =	vmul.f32 v17, v18;
	_ =	sdelay $0x1  }
0xaf: {  	[tilespmem:s10+$0x800] =	vst v17  }
0xb0: {  	v18 =	vld [tilespmem:$0x1070]  }
0xb1: {  	v19 =	vld [tilespmem:$0x1080]  }
.Ltmp5:
0xb2: {  	(pc) =	sbr.rel @p1 .LBB2_11-.Ltmp5, $3  }
0xb3: {  	_ =	sdelay $0x1  }
0xb4: {  	v18 =	vadd.f32 v17, v18  }
0xb5: {  	v17 =	vadd.f32 v22, v19  }
0xb6: {  	v13 =	vperm.xlane v18, v0;
	_ =	sdelay $0x1  }
0xb7: {  	v13 =	vadd.f32 v13, v18;
	_ =	sdelay $0x1  }
0xb8: {  	v14 =	vperm.xlane v13, v2;
	_ =	sdelay $0x1  }
0xb9: {  	v13 =	vadd.f32 v14, v13;
	_ =	sdelay $0x1  }
0xba: {  	v14 =	vperm.xlane v13, v3;
	_ =	sdelay $0x1  }
0xbb: {  	v13 =	vadd.f32 v14, v13;
	_ =	sdelay $0x1  }
0xbc: {  	v14 =	vperm.xlane v13, v6;
	_ =	sdelay $0x1  }
0xbd: {  	v13 =	vadd.f32 v14, v13;
	_ =	sdelay $0x1  }
0xbe: {  	(erf) = vrcp.f32 v13;
	_ =	sdelay $0x7  }
0xbf: {  	[tilespmem:$0x1070] =	vst v18  }
0xc0: {  	s9 =	simm.s32 $0x0;
	s10 =	simm.s32 $0x40;
	[tilespmem:$0x1080] =	vst v17;
	v13 =	vpop (erf)  }
.LBB2_13:
0xc1: {  	p1 =	sne.s32 s10, $0x1FC0;
	v14 =	vld [tilespmem:s9+$0x800];
	_ =	sdelay $0x2  }
.Ltmp6:
0xc2: {  	(pc) =	sbr.rel @p1 .LBB2_13-.Ltmp6, $3  }
0xc3: {  	_ = 	snop  }
0xc4: {  	v14 =	vmul.f32 v14, v13;
	_ =	sdelay $0x1  }
0xc5: {  	[tilespmem:s9+$0x800] =	vst v14;
	s9 =	sshra.s32 s10, $0x2;
	s10 =	sadd.s32 $0x40, s10  }
0xc6: {  	v14 =	vld [tilespmem:s9+$0x800];
	_ =	sdelay $0x4  }
0xc7: {  	s1 =	sadd.s32 $0x1, s1;
	v13 =	vmul.f32 v14, v13  }
0xc8: {  	p1 =	sne.s32 s1, s4  }
.Ltmp7:
0xc9: {  	[tilespmem:s9+$0x800] =	vst v13;
	(pc) =	sbr.rel @p1 .LBB2_2-.Ltmp7, $4  }
0xca: {  	[hbm4b:s2+s5] =	stream.strided.scatter [tilespmem:s8], [sflag:$0x1], $0x800, s6, s5, $0x38;
	[tilespmem:$0x1100] =	vst v63  }
0xcb: {  	_ =	swait.ge [sflag:s7], $0x800  }
0xcc: {  	[sflag:s7] =	ssyncset.done $0x0  }
0xcd: {  	[sflag:s7] =	ssyncadd.s32 $0xFFFFF800  }
.LBB2_15:
0xce: {  	_ =	sfence.sel $0x180000  }
0xcf: {  	[bflag:$0x0] =	sbarrier.arrive $0xFFFF  }
0xd0: {  	_ =	strace $0x90000047  }
0xd1: {  	s0 =	sadd.s32 @!p0 $0x100000, s0;
	[bflag:$0x2] =	sbarrier.arrive $0xFFFF  }
0xd2: {  	[sflag:s0] =	ssyncadd.tile.s32 @!p0 $0x1;
	_ =	shalt  }
.Lfunc_end2:
_tile_overlayer_lowered:
.L_overlay_start_2:
0xd3: {  	(tag) =	ssettag $0x2  }
0xd4: {  	s0 =	rddreg [dreg:$0x0];
	s2 =	stileid.u32  }
0xd5: {  	s1 =	rddreg [dreg:$0x1];
	p0 =	sne.s32 s2, $0x0  }
0xd6: {  	s3 =	rddreg [dreg:$0x2];
	[bflag:$0x3] =	sbarrier.arrive $0xFFFF;
	s2 =	simm.s32 @!p0 $0x1C01  }
0xd7: {  	[timem:s3], [sflag:s2] =	dma.local @!p0 [hbm:s0], s1  }
0xd8: {  	s0 =	simm.s32 @!p0 $0x1  }
0xd9: {  	_ =	swait.ge @!p0 [sflag:s0], s1  }
0xda: {  	s1 =	ssub.s32 @!p0 $0x0, s1;
	[sflag:s0] =	ssyncset.done @!p0 $0x0  }
0xdb: {  	[sflag:s0] =	ssyncadd.s32 @!p0 s1  }
0xdc: {  	[bflag:$0x3] =	sbarrier.arrive $0xFFFF  }
0xdd: {  	_ =	shalt  }

</sc_bundles>
